<compile_context>
chip_gen: v7x
topology: tpu7x:2x2x1
jax: 0.10.2.dev20260603
libtpu: 0.0.44.dev20260713+nightly
codegen_flags: <defaults>
</compile_context>

<pallas_src>
import functools

import numpy as np
import jax
import jax.numpy as jnp
from jax import lax
from jax.experimental import pallas as pl
from jax.experimental.pallas import tpu as pltpu
from jax.experimental.pallas import tpu_sc as plsc

B_SEQ = 1024
T_SEQ = 200
D = 128
N_TOK = B_SEQ * T_SEQ
NC, NS_SUB, L = 2, 16, 16
NW = NC * NS_SUB
PER_W = N_TOK // NW
CHUNK = 80
NCHUNK = PER_W // CHUNK
NG = 8
NSC = 2
STEP = 8
SCALE = float(np.sqrt(float(D)))

_mesh = plsc.VectorSubcoreMesh(core_axis_name="c", subcore_axis_name="s")


@functools.partial(
    pl.kernel,
    out_type=jax.ShapeDtypeStruct((N_TOK, D), jnp.float32),
    mesh=_mesh,
    scratch_types=[
        pltpu.VMEM((NCHUNK, CHUNK), jnp.int32),
        [pltpu.VMEM((CHUNK, D), jnp.float32) for _ in range(NG)],
        [pltpu.VMEM((CHUNK, D), jnp.float32) for _ in range(NSC)],
        [pltpu.SemaphoreType.DMA for _ in range(NG)],
        [pltpu.SemaphoreType.DMA for _ in range(NSC)],
    ],
)
def _embed(x_hbm, w_hbm, out_hbm, idx_v, gbufs, sbufs, sgs, sss):
    wid = lax.axis_index("s") * NC + lax.axis_index("c")
    base = wid * PER_W

    pltpu.sync_copy(x_hbm.at[wid], idx_v)

    def fire_gather(n, p):
        pltpu.async_copy(w_hbm.at[idx_v.at[n]], gbufs[p], sgs[p])

    def wait_gather(n, p):
        pltpu.make_async_copy(w_hbm.at[idx_v.at[n]], gbufs[p], sgs[p]).wait()

    def fire_scatter(n, p):
        pltpu.async_copy(
            sbufs[p], out_hbm.at[pl.ds(base + n * CHUNK, CHUNK)], sss[p]
        )

    def wait_scatter(n, p):
        pltpu.make_async_copy(
            sbufs[p], out_hbm.at[pl.ds(base + n * CHUNK, CHUNK)], sss[p]
        ).wait()

    def scale(gp, sp):
        src = gbufs[gp]
        dst = sbufs[sp]

        @plsc.parallel_loop(0, CHUNK, unroll=4)
        def _row(r):
            for c in range(D // L):
                dst[r, pl.ds(c * L, L)] = src[r, pl.ds(c * L, L)] * SCALE

    for b in range(NG):
        fire_gather(b, b)

    @pl.loop(0, NCHUNK, step=STEP)
    def _grp(g):
        for b in range(STEP):
            n = g + b
            gp = b % NG
            sp = b % NSC
            wait_gather(n, gp)

            @pl.when(n >= NSC)
            def _():
                wait_scatter(n - NSC, sp)

            scale(gp, sp)
            fire_scatter(n, sp)

            @pl.when(n + NG < NCHUNK)
            def _():
                fire_gather(n + NG, gp)

    for m in range(NCHUNK - NSC, NCHUNK):
        wait_scatter(m, m % NSC)


def kernel(x, W):
    x_r = x.reshape(NW, NCHUNK, CHUNK).astype(jnp.int32)
    out = _embed(x_r, W)
    return out.reshape(B_SEQ, T_SEQ, D)

# --- scband reference (transcript-rebuilt; emitter-appended) ---
"""Pipeline reference for scband-token-embedding-layer-45311904973474 (READ-ONLY COPY).

The authoritative reference and input builder live on the scoring server;
editing this copy changes nothing except your own understanding.
"""

import jax, jax.numpy as jnp
import numpy as np

N_TOKEN = 100000
DIM_MODEL = 128

def setup_inputs(seed: int = 0) -> dict:
    key = jax.random.key(seed)
    k1, k2 = jax.random.split(key)
    x = jax.random.randint(k1, (1024, 200), 0, N_TOKEN, dtype=jnp.int64 if jax.config.jax_enable_x64 else jnp.int32)
    W = jax.random.normal(k2, (N_TOKEN, DIM_MODEL), dtype=jnp.float32)
    return {"x": x, "W": W}

def reference(x, W):
    out = jnp.take(W, x, axis=0)
    out = out * np.sqrt(DIM_MODEL)
    return out

if __name__ == "__main__":
    import jax
    _d = setup_inputs()
    print(jax.jit(kernel)(*tuple(_d.values())))

</pallas_src>

<mosaic_0001>
#map = affine_map<(d0, d1) -> (0, 0, 0)>
#map1 = affine_map<(d0, d1) -> (0, 0)>
module attributes {stable_mosaic.version = 14 : i64} {
  func.func @_embed(%arg0: i32, %arg1: i32, %arg2: memref<32x80x80xi32, #tpu.memory_space<hbm>>, %arg3: memref<100000x128xf32, #tpu.memory_space<hbm>>, %arg4: memref<204800x128xf32, #tpu.memory_space<hbm>>, %arg5: memref<80x80xi32, #tpu.memory_space<vmem>>, %arg6: memref<80x128xf32, #tpu.memory_space<vmem>>, %arg7: memref<80x128xf32, #tpu.memory_space<vmem>>, %arg8: memref<80x128xf32, #tpu.memory_space<vmem>>, %arg9: memref<80x128xf32, #tpu.memory_space<vmem>>, %arg10: memref<80x128xf32, #tpu.memory_space<vmem>>, %arg11: memref<80x128xf32, #tpu.memory_space<vmem>>, %arg12: memref<80x128xf32, #tpu.memory_space<vmem>>, %arg13: memref<80x128xf32, #tpu.memory_space<vmem>>, %arg14: memref<80x128xf32, #tpu.memory_space<vmem>>, %arg15: memref<80x128xf32, #tpu.memory_space<vmem>>, %arg16: memref<!tpu.dma_semaphore, #tpu.memory_space<semaphore_mem>>, %arg17: memref<!tpu.dma_semaphore, #tpu.memory_space<semaphore_mem>>, %arg18: memref<!tpu.dma_semaphore, #tpu.memory_space<semaphore_mem>>, %arg19: memref<!tpu.dma_semaphore, #tpu.memory_space<semaphore_mem>>, %arg20: memref<!tpu.dma_semaphore, #tpu.memory_space<semaphore_mem>>, %arg21: memref<!tpu.dma_semaphore, #tpu.memory_space<semaphore_mem>>, %arg22: memref<!tpu.dma_semaphore, #tpu.memory_space<semaphore_mem>>, %arg23: memref<!tpu.dma_semaphore, #tpu.memory_space<semaphore_mem>>, %arg24: memref<!tpu.dma_semaphore, #tpu.memory_space<semaphore_mem>>, %arg25: memref<!tpu.dma_semaphore, #tpu.memory_space<semaphore_mem>>) attributes {dimension_semantics = [#tpu.dimension_semantics<core_parallel>, #tpu.dimension_semantics<subcore_parallel>], iteration_bounds = array<i64: 2, 16>, scalar_prefetch = 0 : i64, scratch_operands = 21 : i64, tpu.core_type = #tpu.core_type<sc_vector_subcore>, window_params = [{transform_indices = #map}, {transform_indices = #map1}, {transform_indices = #map1}]} {
    %mul3A = arith.constant 2 : i32
    %mul3A_0 = arith.muli %arg1, %mul3A : i32
    %add3A = arith.addi %mul3A_0, %arg0 : i32
    %mul3A_1 = arith.constant 6400 : i32
    %mul3A_2 = arith.muli %add3A, %mul3A_1 : i32
    "tpu.region"() ({
      %run_scoped3A = tpu.sem_alloc : memref<!tpu.dma_semaphore, #tpu.memory_space<semaphore_mem>>
      %dma_start3A_73 = arith.constant 0 : i32
      %dma_start3A_74 = arith.constant 0 : i32
      %dma_start3A_75 = tpu.memref_slice %arg2[%add3A, %dma_start3A_73, %dma_start3A_74] : memref<32x80x80xi32, #tpu.memory_space<hbm>> -> memref<1x80x80xi32, #tpu.memory_space<hbm>>
      %dma_start3A_76 = tpu.memref_squeeze %dma_start3A_75 : memref<1x80x80xi32, #tpu.memory_space<hbm>> -> memref<80x80xi32, #tpu.memory_space<hbm>>
      %dma_start3A_77 = arith.constant 0 : i32
      %dma_start3A_78 = arith.constant 0 : i32
      %dma_start3A_79 = tpu.memref_slice %arg2[%add3A, %dma_start3A_77, %dma_start3A_78] : memref<32x80x80xi32, #tpu.memory_space<hbm>> -> memref<1x80x80xi32, #tpu.memory_space<hbm>>
      %dma_start3A_80 = tpu.memref_squeeze %dma_start3A_79 : memref<1x80x80xi32, #tpu.memory_space<hbm>> -> memref<80x80xi32, #tpu.memory_space<hbm>>
      tpu.enqueue_dma source(%dma_start3A_80 : memref<80x80xi32, #tpu.memory_space<hbm>>) target(%arg5 : memref<80x80xi32, #tpu.memory_space<vmem>>) target_semaphore(%run_scoped3A : memref<!tpu.dma_semaphore, #tpu.memory_space<semaphore_mem>>)
      %dma_wait3A_81 = arith.constant 0 : i32
      %dma_wait3A_82 = arith.constant 0 : i32
      %dma_wait3A_83 = tpu.memref_slice %arg2[%add3A, %dma_wait3A_81, %dma_wait3A_82] : memref<32x80x80xi32, #tpu.memory_space<hbm>> -> memref<1x80x80xi32, #tpu.memory_space<hbm>>
      %dma_wait3A_84 = tpu.memref_squeeze %dma_wait3A_83 : memref<1x80x80xi32, #tpu.memory_space<hbm>> -> memref<80x80xi32, #tpu.memory_space<hbm>>
      %dma_wait3A_85 = arith.constant 0 : i32
      %dma_wait3A_86 = arith.constant 0 : i32
      %dma_wait3A_87 = tpu.memref_slice %arg2[%add3A, %dma_wait3A_85, %dma_wait3A_86] : memref<32x80x80xi32, #tpu.memory_space<hbm>> -> memref<1x80x80xi32, #tpu.memory_space<hbm>>
      %dma_wait3A_88 = tpu.memref_squeeze %dma_wait3A_87 : memref<1x80x80xi32, #tpu.memory_space<hbm>> -> memref<80x80xi32, #tpu.memory_space<hbm>>
      tpu.wait_dma2 semaphore(%run_scoped3A : memref<!tpu.dma_semaphore, #tpu.memory_space<semaphore_mem>>) src(%dma_wait3A_88 : memref<80x80xi32, #tpu.memory_space<hbm>>) dst(%arg5 : memref<80x80xi32, #tpu.memory_space<vmem>>)
      tpu.yield
    }) : () -> ()
    %dma_start3A = arith.constant 0 : i32
    %dma_start3A_3 = arith.constant 0 : i32
    %dma_start3A_4 = tpu.memref_slice %arg5[%dma_start3A, %dma_start3A_3] : memref<80x80xi32, #tpu.memory_space<vmem>> -> memref<1x80xi32, #tpu.memory_space<vmem>>
    %dma_start3A_5 = tpu.memref_squeeze %dma_start3A_4 : memref<1x80xi32, #tpu.memory_space<vmem>> -> memref<80xi32, #tpu.memory_space<vmem>>
    %dma_start3A_6 = arith.constant 0 : i32
    %dma_start3A_7 = arith.constant 0 : i32
    %dma_start3A_8 = tpu.memref_slice %arg3[%dma_start3A_6, %dma_start3A_7] : memref<100000x128xf32, #tpu.memory_space<hbm>> -> memref<100000x128xf32, #tpu.memory_space<hbm>>
    tpu.enqueue_indirect_dma source(%dma_start3A_8 : memref<100000x128xf32, #tpu.memory_space<hbm>>) target(%arg6 : memref<80x128xf32, #tpu.memory_space<vmem>>) offsets(%dma_start3A_5 : memref<80xi32, #tpu.memory_space<vmem>>) semaphore(%arg16 : memref<!tpu.dma_semaphore, #tpu.memory_space<semaphore_mem>>)
    %dma_start3A_9 = arith.constant 1 : i32
    %dma_start3A_10 = arith.constant 0 : i32
    %dma_start3A_11 = tpu.memref_slice %arg5[%dma_start3A_9, %dma_start3A_10] : memref<80x80xi32, #tpu.memory_space<vmem>> -> memref<1x80xi32, #tpu.memory_space<vmem>>
    %dma_start3A_12 = tpu.memref_squeeze %dma_start3A_11 : memref<1x80xi32, #tpu.memory_space<vmem>> -> memref<80xi32, #tpu.memory_space<vmem>>
    %dma_start3A_13 = arith.constant 0 : i32
    %dma_start3A_14 = arith.constant 0 : i32
    %dma_start3A_15 = tpu.memref_slice %arg3[%dma_start3A_13, %dma_start3A_14] : memref<100000x128xf32, #tpu.memory_space<hbm>> -> memref<100000x128xf32, #tpu.memory_space<hbm>>
    tpu.enqueue_indirect_dma source(%dma_start3A_15 : memref<100000x128xf32, #tpu.memory_space<hbm>>) target(%arg7 : memref<80x128xf32, #tpu.memory_space<vmem>>) offsets(%dma_start3A_12 : memref<80xi32, #tpu.memory_space<vmem>>) semaphore(%arg17 : memref<!tpu.dma_semaphore, #tpu.memory_space<semaphore_mem>>)
    %dma_start3A_16 = arith.constant 2 : i32
    %dma_start3A_17 = arith.constant 0 : i32
    %dma_start3A_18 = tpu.memref_slice %arg5[%dma_start3A_16, %dma_start3A_17] : memref<80x80xi32, #tpu.memory_space<vmem>> -> memref<1x80xi32, #tpu.memory_space<vmem>>
    %dma_start3A_19 = tpu.memref_squeeze %dma_start3A_18 : memref<1x80xi32, #tpu.memory_space<vmem>> -> memref<80xi32, #tpu.memory_space<vmem>>
    %dma_start3A_20 = arith.constant 0 : i32
    %dma_start3A_21 = arith.constant 0 : i32
    %dma_start3A_22 = tpu.memref_slice %arg3[%dma_start3A_20, %dma_start3A_21] : memref<100000x128xf32, #tpu.memory_space<hbm>> -> memref<100000x128xf32, #tpu.memory_space<hbm>>
    tpu.enqueue_indirect_dma source(%dma_start3A_22 : memref<100000x128xf32, #tpu.memory_space<hbm>>) target(%arg8 : memref<80x128xf32, #tpu.memory_space<vmem>>) offsets(%dma_start3A_19 : memref<80xi32, #tpu.memory_space<vmem>>) semaphore(%arg18 : memref<!tpu.dma_semaphore, #tpu.memory_space<semaphore_mem>>)
    %dma_start3A_23 = arith.constant 3 : i32
    %dma_start3A_24 = arith.constant 0 : i32
    %dma_start3A_25 = tpu.memref_slice %arg5[%dma_start3A_23, %dma_start3A_24] : memref<80x80xi32, #tpu.memory_space<vmem>> -> memref<1x80xi32, #tpu.memory_space<vmem>>
    %dma_start3A_26 = tpu.memref_squeeze %dma_start3A_25 : memref<1x80xi32, #tpu.memory_space<vmem>> -> memref<80xi32, #tpu.memory_space<vmem>>
    %dma_start3A_27 = arith.constant 0 : i32
    %dma_start3A_28 = arith.constant 0 : i32
    %dma_start3A_29 = tpu.memref_slice %arg3[%dma_start3A_27, %dma_start3A_28] : memref<100000x128xf32, #tpu.memory_space<hbm>> -> memref<100000x128xf32, #tpu.memory_space<hbm>>
    tpu.enqueue_indirect_dma source(%dma_start3A_29 : memref<100000x128xf32, #tpu.memory_space<hbm>>) target(%arg9 : memref<80x128xf32, #tpu.memory_space<vmem>>) offsets(%dma_start3A_26 : memref<80xi32, #tpu.memory_space<vmem>>) semaphore(%arg19 : memref<!tpu.dma_semaphore, #tpu.memory_space<semaphore_mem>>)
    %dma_start3A_30 = arith.constant 4 : i32
    %dma_start3A_31 = arith.constant 0 : i32
    %dma_start3A_32 = tpu.memref_slice %arg5[%dma_start3A_30, %dma_start3A_31] : memref<80x80xi32, #tpu.memory_space<vmem>> -> memref<1x80xi32, #tpu.memory_space<vmem>>
    %dma_start3A_33 = tpu.memref_squeeze %dma_start3A_32 : memref<1x80xi32, #tpu.memory_space<vmem>> -> memref<80xi32, #tpu.memory_space<vmem>>
    %dma_start3A_34 = arith.constant 0 : i32
    %dma_start3A_35 = arith.constant 0 : i32
    %dma_start3A_36 = tpu.memref_slice %arg3[%dma_start3A_34, %dma_start3A_35] : memref<100000x128xf32, #tpu.memory_space<hbm>> -> memref<100000x128xf32, #tpu.memory_space<hbm>>
    tpu.enqueue_indirect_dma source(%dma_start3A_36 : memref<100000x128xf32, #tpu.memory_space<hbm>>) target(%arg10 : memref<80x128xf32, #tpu.memory_space<vmem>>) offsets(%dma_start3A_33 : memref<80xi32, #tpu.memory_space<vmem>>) semaphore(%arg20 : memref<!tpu.dma_semaphore, #tpu.memory_space<semaphore_mem>>)
    %dma_start3A_37 = arith.constant 5 : i32
    %dma_start3A_38 = arith.constant 0 : i32
    %dma_start3A_39 = tpu.memref_slice %arg5[%dma_start3A_37, %dma_start3A_38] : memref<80x80xi32, #tpu.memory_space<vmem>> -> memref<1x80xi32, #tpu.memory_space<vmem>>
    %dma_start3A_40 = tpu.memref_squeeze %dma_start3A_39 : memref<1x80xi32, #tpu.memory_space<vmem>> -> memref<80xi32, #tpu.memory_space<vmem>>
    %dma_start3A_41 = arith.constant 0 : i32
    %dma_start3A_42 = arith.constant 0 : i32
    %dma_start3A_43 = tpu.memref_slice %arg3[%dma_start3A_41, %dma_start3A_42] : memref<100000x128xf32, #tpu.memory_space<hbm>> -> memref<100000x128xf32, #tpu.memory_space<hbm>>
    tpu.enqueue_indirect_dma source(%dma_start3A_43 : memref<100000x128xf32, #tpu.memory_space<hbm>>) target(%arg11 : memref<80x128xf32, #tpu.memory_space<vmem>>) offsets(%dma_start3A_40 : memref<80xi32, #tpu.memory_space<vmem>>) semaphore(%arg21 : memref<!tpu.dma_semaphore, #tpu.memory_space<semaphore_mem>>)
    %dma_start3A_44 = arith.constant 6 : i32
    %dma_start3A_45 = arith.constant 0 : i32
    %dma_start3A_46 = tpu.memref_slice %arg5[%dma_start3A_44, %dma_start3A_45] : memref<80x80xi32, #tpu.memory_space<vmem>> -> memref<1x80xi32, #tpu.memory_space<vmem>>
    %dma_start3A_47 = tpu.memref_squeeze %dma_start3A_46 : memref<1x80xi32, #tpu.memory_space<vmem>> -> memref<80xi32, #tpu.memory_space<vmem>>
    %dma_start3A_48 = arith.constant 0 : i32
    %dma_start3A_49 = arith.constant 0 : i32
    %dma_start3A_50 = tpu.memref_slice %arg3[%dma_start3A_48, %dma_start3A_49] : memref<100000x128xf32, #tpu.memory_space<hbm>> -> memref<100000x128xf32, #tpu.memory_space<hbm>>
    tpu.enqueue_indirect_dma source(%dma_start3A_50 : memref<100000x128xf32, #tpu.memory_space<hbm>>) target(%arg12 : memref<80x128xf32, #tpu.memory_space<vmem>>) offsets(%dma_start3A_47 : memref<80xi32, #tpu.memory_space<vmem>>) semaphore(%arg22 : memref<!tpu.dma_semaphore, #tpu.memory_space<semaphore_mem>>)
    %dma_start3A_51 = arith.constant 7 : i32
    %dma_start3A_52 = arith.constant 0 : i32
    %dma_start3A_53 = tpu.memref_slice %arg5[%dma_start3A_51, %dma_start3A_52] : memref<80x80xi32, #tpu.memory_space<vmem>> -> memref<1x80xi32, #tpu.memory_space<vmem>>
    %dma_start3A_54 = tpu.memref_squeeze %dma_start3A_53 : memref<1x80xi32, #tpu.memory_space<vmem>> -> memref<80xi32, #tpu.memory_space<vmem>>
    %dma_start3A_55 = arith.constant 0 : i32
    %dma_start3A_56 = arith.constant 0 : i32
    %dma_start3A_57 = tpu.memref_slice %arg3[%dma_start3A_55, %dma_start3A_56] : memref<100000x128xf32, #tpu.memory_space<hbm>> -> memref<100000x128xf32, #tpu.memory_space<hbm>>
    tpu.enqueue_indirect_dma source(%dma_start3A_57 : memref<100000x128xf32, #tpu.memory_space<hbm>>) target(%arg13 : memref<80x128xf32, #tpu.memory_space<vmem>>) offsets(%dma_start3A_54 : memref<80xi32, #tpu.memory_space<vmem>>) semaphore(%arg23 : memref<!tpu.dma_semaphore, #tpu.memory_space<semaphore_mem>>)
    %scan3A = arith.constant 0 : i32
    %scan3A_58 = arith.constant 10 : i32
    %scan3A_59 = arith.addi %scan3A, %scan3A_58 : i32
    %scan3A_60 = arith.constant 1 : i32
    scf.for %scan3A_73 = %scan3A to %scan3A_59 step %scan3A_60  : i32 {
      %mul3A_74 = arith.constant 8 : i32
      %mul3A_75 = arith.muli %scan3A_73, %mul3A_74 : i32
      %add3A_76 = arith.constant 0 : i32
      %add3A_77 = arith.addi %add3A_76, %mul3A_75 : i32
      %add3A_78 = arith.constant 0 : i32
      %add3A_79 = arith.addi %add3A_77, %add3A_78 : i32
      %dma_wait3A_80 = arith.constant 0 : i32
      %dma_wait3A_81 = tpu.memref_slice %arg5[%add3A_79, %dma_wait3A_80] : memref<80x80xi32, #tpu.memory_space<vmem>> -> memref<1x80xi32, #tpu.memory_space<vmem>>
      %dma_wait3A_82 = tpu.memref_squeeze %dma_wait3A_81 : memref<1x80xi32, #tpu.memory_space<vmem>> -> memref<80xi32, #tpu.memory_space<vmem>>
      %dma_wait3A_83 = arith.constant 0 : i32
      %dma_wait3A_84 = arith.constant 0 : i32
      %dma_wait3A_85 = tpu.memref_slice %arg3[%dma_wait3A_83, %dma_wait3A_84] : memref<100000x128xf32, #tpu.memory_space<hbm>> -> memref<100000x128xf32, #tpu.memory_space<hbm>>
      tpu.wait_indirect_dma semaphore(%arg16 : memref<!tpu.dma_semaphore, #tpu.memory_space<semaphore_mem>>) src(%dma_wait3A_85 : memref<100000x128xf32, #tpu.memory_space<hbm>>) dst(%arg6 : memref<80x128xf32, #tpu.memory_space<vmem>>)
      %ge3A = arith.constant 2 : i32
      %ge3A_86 = arith.cmpi sge, %add3A_79, %ge3A : i32
      %convert_element_type3A = arith.extui %ge3A_86 : i1 to i32
      %cond3A = arith.constant 0 : i32
      %cond3A_87 = arith.cmpi ne, %convert_element_type3A, %cond3A : i32
      scf.if %cond3A_87 {
        %sub3A = arith.constant 2 : i32
        %sub3A_313 = arith.subi %add3A_79, %sub3A : i32
        %mul3A_314 = arith.constant 80 : i32
        %mul3A_315 = arith.muli %sub3A_313, %mul3A_314 : i32
        %add3A_316 = arith.addi %mul3A_2, %mul3A_315 : i32
        %dma_wait3A_317 = arith.constant 0 : i32
        %dma_wait3A_318 = tpu.memref_slice %arg4[%add3A_316, %dma_wait3A_317] : memref<204800x128xf32, #tpu.memory_space<hbm>> -> memref<80x128xf32, #tpu.memory_space<hbm>>
        %dma_wait3A_319 = arith.constant 0 : i32
        %dma_wait3A_320 = tpu.memref_slice %arg4[%add3A_316, %dma_wait3A_319] : memref<204800x128xf32, #tpu.memory_space<hbm>> -> memref<80x128xf32, #tpu.memory_space<hbm>>
        tpu.wait_dma2 semaphore(%arg24 : memref<!tpu.dma_semaphore, #tpu.memory_space<semaphore_mem>>) src(%arg14 : memref<80x128xf32, #tpu.memory_space<vmem>>) dst(%dma_wait3A_320 : memref<80x128xf32, #tpu.memory_space<hbm>>)
      } else {
      }
      %parallel_loop3A = arith.constant 0 : i32
      %parallel_loop3A_88 = arith.constant 80 : i32
      %parallel_loop3A_89 = arith.constant 1 : i32
      scf.for %parallel_loop3A_313 = %parallel_loop3A to %parallel_loop3A_88 step %parallel_loop3A_89  : i32 {
        %parallel_loop3A_314 = arith.index_cast %parallel_loop3A_313 : i32 to index
        %parallel_loop3A_315 = arith.constant 0 : index
        %parallel_loop3A_316 = tpu.vector_load %arg6[%parallel_loop3A_314, %parallel_loop3A_315] {strides = array<i32>} : memref<80x128xf32, #tpu.memory_space<vmem>>, vector<1x16xf32>,
        %parallel_loop3A_317 = vector.shape_cast %parallel_loop3A_316 : vector<1x16xf32> to vector<16xf32>
        %parallel_loop3A_318 = arith.constant 11.3137083 : f32
        %parallel_loop3A_319 = vector.broadcast %parallel_loop3A_318 : f32 to vector<16xf32>
        %parallel_loop3A_320 = arith.mulf %parallel_loop3A_317, %parallel_loop3A_319 : vector<16xf32>
        %parallel_loop3A_321 = arith.index_cast %parallel_loop3A_313 : i32 to index
        %parallel_loop3A_322 = arith.constant 0 : index
        %parallel_loop3A_323 = tpu.vector_load %arg14[%parallel_loop3A_321, %parallel_loop3A_322] {strides = array<i32>} : memref<80x128xf32, #tpu.memory_space<vmem>>, vector<1x16xf32>,
        %parallel_loop3A_324 = vector.shape_cast %parallel_loop3A_323 : vector<1x16xf32> to vector<16xf32>
        %parallel_loop3A_325 = vector.shape_cast %parallel_loop3A_320 : vector<16xf32> to vector<1x16xf32>
        tpu.vector_store %arg14[%parallel_loop3A_321, %parallel_loop3A_322], %parallel_loop3A_325 {strides = array<i32>} : memref<80x128xf32, #tpu.memory_space<vmem>>, vector<1x16xf32>,
        %parallel_loop3A_326 = arith.index_cast %parallel_loop3A_313 : i32 to index
        %parallel_loop3A_327 = arith.constant 16 : index
        %parallel_loop3A_328 = tpu.vector_load %arg6[%parallel_loop3A_326, %parallel_loop3A_327] {strides = array<i32>} : memref<80x128xf32, #tpu.memory_space<vmem>>, vector<1x16xf32>,
        %parallel_loop3A_329 = vector.shape_cast %parallel_loop3A_328 : vector<1x16xf32> to vector<16xf32>
        %parallel_loop3A_330 = arith.constant 11.3137083 : f32
        %parallel_loop3A_331 = vector.broadcast %parallel_loop3A_330 : f32 to vector<16xf32>
        %parallel_loop3A_332 = arith.mulf %parallel_loop3A_329, %parallel_loop3A_331 : vector<16xf32>
        %parallel_loop3A_333 = arith.index_cast %parallel_loop3A_313 : i32 to index
        %parallel_loop3A_334 = arith.constant 16 : index
        %parallel_loop3A_335 = tpu.vector_load %arg14[%parallel_loop3A_333, %parallel_loop3A_334] {strides = array<i32>} : memref<80x128xf32, #tpu.memory_space<vmem>>, vector<1x16xf32>,
        %parallel_loop3A_336 = vector.shape_cast %parallel_loop3A_335 : vector<1x16xf32> to vector<16xf32>
        %parallel_loop3A_337 = vector.shape_cast %parallel_loop3A_332 : vector<16xf32> to vector<1x16xf32>
        tpu.vector_store %arg14[%parallel_loop3A_333, %parallel_loop3A_334], %parallel_loop3A_337 {strides = array<i32>} : memref<80x128xf32, #tpu.memory_space<vmem>>, vector<1x16xf32>,
        %parallel_loop3A_338 = arith.index_cast %parallel_loop3A_313 : i32 to index
        %parallel_loop3A_339 = arith.constant 32 : index
        %parallel_loop3A_340 = tpu.vector_load %arg6[%parallel_loop3A_338, %parallel_loop3A_339] {strides = array<i32>} : memref<80x128xf32, #tpu.memory_space<vmem>>, vector<1x16xf32>,
        %parallel_loop3A_341 = vector.shape_cast %parallel_loop3A_340 : vector<1x16xf32> to vector<16xf32>
        %parallel_loop3A_342 = arith.constant 11.3137083 : f32
        %parallel_loop3A_343 = vector.broadcast %parallel_loop3A_342 : f32 to vector<16xf32>
        %parallel_loop3A_344 = arith.mulf %parallel_loop3A_341, %parallel_loop3A_343 : vector<16xf32>
        %parallel_loop3A_345 = arith.index_cast %parallel_loop3A_313 : i32 to index
        %parallel_loop3A_346 = arith.constant 32 : index
        %parallel_loop3A_347 = tpu.vector_load %arg14[%parallel_loop3A_345, %parallel_loop3A_346] {strides = array<i32>} : memref<80x128xf32, #tpu.memory_space<vmem>>, vector<1x16xf32>,
        %parallel_loop3A_348 = vector.shape_cast %parallel_loop3A_347 : vector<1x16xf32> to vector<16xf32>
        %parallel_loop3A_349 = vector.shape_cast %parallel_loop3A_344 : vector<16xf32> to vector<1x16xf32>
        tpu.vector_store %arg14[%parallel_loop3A_345, %parallel_loop3A_346], %parallel_loop3A_349 {strides = array<i32>} : memref<80x128xf32, #tpu.memory_space<vmem>>, vector<1x16xf32>,
        %parallel_loop3A_350 = arith.index_cast %parallel_loop3A_313 : i32 to index
        %parallel_loop3A_351 = arith.constant 48 : index
        %parallel_loop3A_352 = tpu.vector_load %arg6[%parallel_loop3A_350, %parallel_loop3A_351] {strides = array<i32>} : memref<80x128xf32, #tpu.memory_space<vmem>>, vector<1x16xf32>,
        %parallel_loop3A_353 = vector.shape_cast %parallel_loop3A_352 : vector<1x16xf32> to vector<16xf32>
        %parallel_loop3A_354 = arith.constant 11.3137083 : f32
        %parallel_loop3A_355 = vector.broadcast %parallel_loop3A_354 : f32 to vector<16xf32>
        %parallel_loop3A_356 = arith.mulf %parallel_loop3A_353, %parallel_loop3A_355 : vector<16xf32>
        %parallel_loop3A_357 = arith.index_cast %parallel_loop3A_313 : i32 to index
        %parallel_loop3A_358 = arith.constant 48 : index
        %parallel_loop3A_359 = tpu.vector_load %arg14[%parallel_loop3A_357, %parallel_loop3A_358] {strides = array<i32>} : memref<80x128xf32, #tpu.memory_space<vmem>>, vector<1x16xf32>,
        %parallel_loop3A_360 = vector.shape_cast %parallel_loop3A_359 : vector<1x16xf32> to vector<16xf32>
        %parallel_loop3A_361 = vector.shape_cast %parallel_loop3A_356 : vector<16xf32> to vector<1x16xf32>
        tpu.vector_store %arg14[%parallel_loop3A_357, %parallel_loop3A_358], %parallel_loop3A_361 {strides = array<i32>} : memref<80x128xf32, #tpu.memory_space<vmem>>, vector<1x16xf32>,
        %parallel_loop3A_362 = arith.index_cast %parallel_loop3A_313 : i32 to index
        %parallel_loop3A_363 = arith.constant 64 : index
        %parallel_loop3A_364 = tpu.vector_load %arg6[%parallel_loop3A_362, %parallel_loop3A_363] {strides = array<i32>} : memref<80x128xf32, #tpu.memory_space<vmem>>, vector<1x16xf32>,
        %parallel_loop3A_365 = vector.shape_cast %parallel_loop3A_364 : vector<1x16xf32> to vector<16xf32>
        %parallel_loop3A_366 = arith.constant 11.3137083 : f32
        %parallel_loop3A_367 = vector.broadcast %parallel_loop3A_366 : f32 to vector<16xf32>
        %parallel_loop3A_368 = arith.mulf %parallel_loop3A_365, %parallel_loop3A_367 : vector<16xf32>
        %parallel_loop3A_369 = arith.index_cast %parallel_loop3A_313 : i32 to index
        %parallel_loop3A_370 = arith.constant 64 : index
        %parallel_loop3A_371 = tpu.vector_load %arg14[%parallel_loop3A_369, %parallel_loop3A_370] {strides = array<i32>} : memref<80x128xf32, #tpu.memory_space<vmem>>, vector<1x16xf32>,
        %parallel_loop3A_372 = vector.shape_cast %parallel_loop3A_371 : vector<1x16xf32> to vector<16xf32>
        %parallel_loop3A_373 = vector.shape_cast %parallel_loop3A_368 : vector<16xf32> to vector<1x16xf32>
        tpu.vector_store %arg14[%parallel_loop3A_369, %parallel_loop3A_370], %parallel_loop3A_373 {strides = array<i32>} : memref<80x128xf32, #tpu.memory_space<vmem>>, vector<1x16xf32>,
        %parallel_loop3A_374 = arith.index_cast %parallel_loop3A_313 : i32 to index
        %parallel_loop3A_375 = arith.constant 80 : index
        %parallel_loop3A_376 = tpu.vector_load %arg6[%parallel_loop3A_374, %parallel_loop3A_375] {strides = array<i32>} : memref<80x128xf32, #tpu.memory_space<vmem>>, vector<1x16xf32>,
        %parallel_loop3A_377 = vector.shape_cast %parallel_loop3A_376 : vector<1x16xf32> to vector<16xf32>
        %parallel_loop3A_378 = arith.constant 11.3137083 : f32
        %parallel_loop3A_379 = vector.broadcast %parallel_loop3A_378 : f32 to vector<16xf32>
        %parallel_loop3A_380 = arith.mulf %parallel_loop3A_377, %parallel_loop3A_379 : vector<16xf32>
        %parallel_loop3A_381 = arith.index_cast %parallel_loop3A_313 : i32 to index
        %parallel_loop3A_382 = arith.constant 80 : index
        %parallel_loop3A_383 = tpu.vector_load %arg14[%parallel_loop3A_381, %parallel_loop3A_382] {strides = array<i32>} : memref<80x128xf32, #tpu.memory_space<vmem>>, vector<1x16xf32>,
        %parallel_loop3A_384 = vector.shape_cast %parallel_loop3A_383 : vector<1x16xf32> to vector<16xf32>
        %parallel_loop3A_385 = vector.shape_cast %parallel_loop3A_380 : vector<16xf32> to vector<1x16xf32>
        tpu.vector_store %arg14[%parallel_loop3A_381, %parallel_loop3A_382], %parallel_loop3A_385 {strides = array<i32>} : memref<80x128xf32, #tpu.memory_space<vmem>>, vector<1x16xf32>,
        %parallel_loop3A_386 = arith.index_cast %parallel_loop3A_313 : i32 to index
        %parallel_loop3A_387 = arith.constant 96 : index
        %parallel_loop3A_388 = tpu.vector_load %arg6[%parallel_loop3A_386, %parallel_loop3A_387] {strides = array<i32>} : memref<80x128xf32, #tpu.memory_space<vmem>>, vector<1x16xf32>,
        %parallel_loop3A_389 = vector.shape_cast %parallel_loop3A_388 : vector<1x16xf32> to vector<16xf32>
        %parallel_loop3A_390 = arith.constant 11.3137083 : f32
        %parallel_loop3A_391 = vector.broadcast %parallel_loop3A_390 : f32 to vector<16xf32>
        %parallel_loop3A_392 = arith.mulf %parallel_loop3A_389, %parallel_loop3A_391 : vector<16xf32>
        %parallel_loop3A_393 = arith.index_cast %parallel_loop3A_313 : i32 to index
        %parallel_loop3A_394 = arith.constant 96 : index
        %parallel_loop3A_395 = tpu.vector_load %arg14[%parallel_loop3A_393, %parallel_loop3A_394] {strides = array<i32>} : memref<80x128xf32, #tpu.memory_space<vmem>>, vector<1x16xf32>,
        %parallel_loop3A_396 = vector.shape_cast %parallel_loop3A_395 : vector<1x16xf32> to vector<16xf32>
        %parallel_loop3A_397 = vector.shape_cast %parallel_loop3A_392 : vector<16xf32> to vector<1x16xf32>
        tpu.vector_store %arg14[%parallel_loop3A_393, %parallel_loop3A_394], %parallel_loop3A_397 {strides = array<i32>} : memref<80x128xf32, #tpu.memory_space<vmem>>, vector<1x16xf32>,
        %parallel_loop3A_398 = arith.index_cast %parallel_loop3A_313 : i32 to index
        %parallel_loop3A_399 = arith.constant 112 : index
        %parallel_loop3A_400 = tpu.vector_load %arg6[%parallel_loop3A_398, %parallel_loop3A_399] {strides = array<i32>} : memref<80x128xf32, #tpu.memory_space<vmem>>, vector<1x16xf32>,
        %parallel_loop3A_401 = vector.shape_cast %parallel_loop3A_400 : vector<1x16xf32> to vector<16xf32>
        %parallel_loop3A_402 = arith.constant 11.3137083 : f32
        %parallel_loop3A_403 = vector.broadcast %parallel_loop3A_402 : f32 to vector<16xf32>
        %parallel_loop3A_404 = arith.mulf %parallel_loop3A_401, %parallel_loop3A_403 : vector<16xf32>
        %parallel_loop3A_405 = arith.index_cast %parallel_loop3A_313 : i32 to index
        %parallel_loop3A_406 = arith.constant 112 : index
        %parallel_loop3A_407 = tpu.vector_load %arg14[%parallel_loop3A_405, %parallel_loop3A_406] {strides = array<i32>} : memref<80x128xf32, #tpu.memory_space<vmem>>, vector<1x16xf32>,
        %parallel_loop3A_408 = vector.shape_cast %parallel_loop3A_407 : vector<1x16xf32> to vector<16xf32>
        %parallel_loop3A_409 = vector.shape_cast %parallel_loop3A_404 : vector<16xf32> to vector<1x16xf32>
        tpu.vector_store %arg14[%parallel_loop3A_405, %parallel_loop3A_406], %parallel_loop3A_409 {strides = array<i32>} : memref<80x128xf32, #tpu.memory_space<vmem>>, vector<1x16xf32>,
      } {sc.loop_unroll_factor = 4 : i64, sc.parallel_access}
      %mul3A_90 = arith.constant 80 : i32
      %mul3A_91 = arith.muli %add3A_79, %mul3A_90 : i32
      %add3A_92 = arith.addi %mul3A_2, %mul3A_91 : i32
      %dma_start3A_93 = arith.constant 0 : i32
      %dma_start3A_94 = tpu.memref_slice %arg4[%add3A_92, %dma_start3A_93] : memref<204800x128xf32, #tpu.memory_space<hbm>> -> memref<80x128xf32, #tpu.memory_space<hbm>>
      %dma_start3A_95 = arith.constant 0 : i32
      %dma_start3A_96 = tpu.memref_slice %arg4[%add3A_92, %dma_start3A_95] : memref<204800x128xf32, #tpu.memory_space<hbm>> -> memref<80x128xf32, #tpu.memory_space<hbm>>
      tpu.enqueue_dma source(%arg14 : memref<80x128xf32, #tpu.memory_space<vmem>>) target(%dma_start3A_96 : memref<80x128xf32, #tpu.memory_space<hbm>>) target_semaphore(%arg24 : memref<!tpu.dma_semaphore, #tpu.memory_space<semaphore_mem>>)
      %add3A_97 = arith.constant 8 : i32
      %add3A_98 = arith.addi %add3A_79, %add3A_97 : i32
      %lt3A = arith.constant 80 : i32
      %lt3A_99 = arith.cmpi slt, %add3A_98, %lt3A : i32
      %convert_element_type3A_100 = arith.extui %lt3A_99 : i1 to i32
      %cond3A_101 = arith.constant 0 : i32
      %cond3A_102 = arith.cmpi ne, %convert_element_type3A_100, %cond3A_101 : i32
      scf.if %cond3A_102 {
        %add3A_313 = arith.constant 8 : i32
        %add3A_314 = arith.addi %add3A_79, %add3A_313 : i32
        %dma_start3A_315 = arith.constant 0 : i32
        %dma_start3A_316 = tpu.memref_slice %arg5[%add3A_314, %dma_start3A_315] : memref<80x80xi32, #tpu.memory_space<vmem>> -> memref<1x80xi32, #tpu.memory_space<vmem>>
        %dma_start3A_317 = tpu.memref_squeeze %dma_start3A_316 : memref<1x80xi32, #tpu.memory_space<vmem>> -> memref<80xi32, #tpu.memory_space<vmem>>
        %dma_start3A_318 = arith.constant 0 : i32
        %dma_start3A_319 = arith.constant 0 : i32
        %dma_start3A_320 = tpu.memref_slice %arg3[%dma_start3A_318, %dma_start3A_319] : memref<100000x128xf32, #tpu.memory_space<hbm>> -> memref<100000x128xf32, #tpu.memory_space<hbm>>
        tpu.enqueue_indirect_dma source(%dma_start3A_320 : memref<100000x128xf32, #tpu.memory_space<hbm>>) target(%arg6 : memref<80x128xf32, #tpu.memory_space<vmem>>) offsets(%dma_start3A_317 : memref<80xi32, #tpu.memory_space<vmem>>) semaphore(%arg16 : memref<!tpu.dma_semaphore, #tpu.memory_space<semaphore_mem>>)
      } else {
      }
      %add3A_103 = arith.constant 1 : i32
      %add3A_104 = arith.addi %add3A_77, %add3A_103 : i32
      %dma_wait3A_105 = arith.constant 0 : i32
      %dma_wait3A_106 = tpu.memref_slice %arg5[%add3A_104, %dma_wait3A_105] : memref<80x80xi32, #tpu.memory_space<vmem>> -> memref<1x80xi32, #tpu.memory_space<vmem>>
      %dma_wait3A_107 = tpu.memref_squeeze %dma_wait3A_106 : memref<1x80xi32, #tpu.memory_space<vmem>> -> memref<80xi32, #tpu.memory_space<vmem>>
      %dma_wait3A_108 = arith.constant 0 : i32
      %dma_wait3A_109 = arith.constant 0 : i32
      %dma_wait3A_110 = tpu.memref_slice %arg3[%dma_wait3A_108, %dma_wait3A_109] : memref<100000x128xf32, #tpu.memory_space<hbm>> -> memref<100000x128xf32, #tpu.memory_space<hbm>>
      tpu.wait_indirect_dma semaphore(%arg17 : memref<!tpu.dma_semaphore, #tpu.memory_space<semaphore_mem>>) src(%dma_wait3A_110 : memref<100000x128xf32, #tpu.memory_space<hbm>>) dst(%arg7 : memref<80x128xf32, #tpu.memory_space<vmem>>)
      %ge3A_111 = arith.constant 2 : i32
      %ge3A_112 = arith.cmpi sge, %add3A_104, %ge3A_111 : i32
      %convert_element_type3A_113 = arith.extui %ge3A_112 : i1 to i32
      %cond3A_114 = arith.constant 0 : i32
      %cond3A_115 = arith.cmpi ne, %convert_element_type3A_113, %cond3A_114 : i32
      scf.if %cond3A_115 {
        %sub3A = arith.constant 2 : i32
        %sub3A_313 = arith.subi %add3A_104, %sub3A : i32
        %mul3A_314 = arith.constant 80 : i32
        %mul3A_315 = arith.muli %sub3A_313, %mul3A_314 : i32
        %add3A_316 = arith.addi %mul3A_2, %mul3A_315 : i32
        %dma_wait3A_317 = arith.constant 0 : i32
        %dma_wait3A_318 = tpu.memref_slice %arg4[%add3A_316, %dma_wait3A_317] : memref<204800x128xf32, #tpu.memory_space<hbm>> -> memref<80x128xf32, #tpu.memory_space<hbm>>
        %dma_wait3A_319 = arith.constant 0 : i32
        %dma_wait3A_320 = tpu.memref_slice %arg4[%add3A_316, %dma_wait3A_319] : memref<204800x128xf32, #tpu.memory_space<hbm>> -> memref<80x128xf32, #tpu.memory_space<hbm>>
        tpu.wait_dma2 semaphore(%arg25 : memref<!tpu.dma_semaphore, #tpu.memory_space<semaphore_mem>>) src(%arg15 : memref<80x128xf32, #tpu.memory_space<vmem>>) dst(%dma_wait3A_320 : memref<80x128xf32, #tpu.memory_space<hbm>>)
      } else {
      }
      %parallel_loop3A_116 = arith.constant 0 : i32
      %parallel_loop3A_117 = arith.constant 80 : i32
      %parallel_loop3A_118 = arith.constant 1 : i32
      scf.for %parallel_loop3A_313 = %parallel_loop3A_116 to %parallel_loop3A_117 step %parallel_loop3A_118  : i32 {
        %parallel_loop3A_314 = arith.index_cast %parallel_loop3A_313 : i32 to index
        %parallel_loop3A_315 = arith.constant 0 : index
        %parallel_loop3A_316 = tpu.vector_load %arg7[%parallel_loop3A_314, %parallel_loop3A_315] {strides = array<i32>} : memref<80x128xf32, #tpu.memory_space<vmem>>, vector<1x16xf32>,
        %parallel_loop3A_317 = vector.shape_cast %parallel_loop3A_316 : vector<1x16xf32> to vector<16xf32>
        %parallel_loop3A_318 = arith.constant 11.3137083 : f32
        %parallel_loop3A_319 = vector.broadcast %parallel_loop3A_318 : f32 to vector<16xf32>
        %parallel_loop3A_320 = arith.mulf %parallel_loop3A_317, %parallel_loop3A_319 : vector<16xf32>
        %parallel_loop3A_321 = arith.index_cast %parallel_loop3A_313 : i32 to index
        %parallel_loop3A_322 = arith.constant 0 : index
        %parallel_loop3A_323 = tpu.vector_load %arg15[%parallel_loop3A_321, %parallel_loop3A_322] {strides = array<i32>} : memref<80x128xf32, #tpu.memory_space<vmem>>, vector<1x16xf32>,
        %parallel_loop3A_324 = vector.shape_cast %parallel_loop3A_323 : vector<1x16xf32> to vector<16xf32>
        %parallel_loop3A_325 = vector.shape_cast %parallel_loop3A_320 : vector<16xf32> to vector<1x16xf32>
        tpu.vector_store %arg15[%parallel_loop3A_321, %parallel_loop3A_322], %parallel_loop3A_325 {strides = array<i32>} : memref<80x128xf32, #tpu.memory_space<vmem>>, vector<1x16xf32>,
        %parallel_loop3A_326 = arith.index_cast %parallel_loop3A_313 : i32 to index
        %parallel_loop3A_327 = arith.constant 16 : index
        %parallel_loop3A_328 = tpu.vector_load %arg7[%parallel_loop3A_326, %parallel_loop3A_327] {strides = array<i32>} : memref<80x128xf32, #tpu.memory_space<vmem>>, vector<1x16xf32>,
        %parallel_loop3A_329 = vector.shape_cast %parallel_loop3A_328 : vector<1x16xf32> to vector<16xf32>
        %parallel_loop3A_330 = arith.constant 11.3137083 : f32
        %parallel_loop3A_331 = vector.broadcast %parallel_loop3A_330 : f32 to vector<16xf32>
        %parallel_loop3A_332 = arith.mulf %parallel_loop3A_329, %parallel_loop3A_331 : vector<16xf32>
        %parallel_loop3A_333 = arith.index_cast %parallel_loop3A_313 : i32 to index
        %parallel_loop3A_334 = arith.constant 16 : index
        %parallel_loop3A_335 = tpu.vector_load %arg15[%parallel_loop3A_333, %parallel_loop3A_334] {strides = array<i32>} : memref<80x128xf32, #tpu.memory_space<vmem>>, vector<1x16xf32>,
        %parallel_loop3A_336 = vector.shape_cast %parallel_loop3A_335 : vector<1x16xf32> to vector<16xf32>
        %parallel_loop3A_337 = vector.shape_cast %parallel_loop3A_332 : vector<16xf32> to vector<1x16xf32>
        tpu.vector_store %arg15[%parallel_loop3A_333, %parallel_loop3A_334], %parallel_loop3A_337 {strides = array<i32>} : memref<80x128xf32, #tpu.memory_space<vmem>>, vector<1x16xf32>,
        %parallel_loop3A_338 = arith.index_cast %parallel_loop3A_313 : i32 to index
        %parallel_loop3A_339 = arith.constant 32 : index
        %parallel_loop3A_340 = tpu.vector_load %arg7[%parallel_loop3A_338, %parallel_loop3A_339] {strides = array<i32>} : memref<80x128xf32, #tpu.memory_space<vmem>>, vector<1x16xf32>,
        %parallel_loop3A_341 = vector.shape_cast %parallel_loop3A_340 : vector<1x16xf32> to vector<16xf32>
        %parallel_loop3A_342 = arith.constant 11.3137083 : f32
        %parallel_loop3A_343 = vector.broadcast %parallel_loop3A_342 : f32 to vector<16xf32>
        %parallel_loop3A_344 = arith.mulf %parallel_loop3A_341, %parallel_loop3A_343 : vector<16xf32>
        %parallel_loop3A_345 = arith.index_cast %parallel_loop3A_313 : i32 to index
        %parallel_loop3A_346 = arith.constant 32 : index
        %parallel_loop3A_347 = tpu.vector_load %arg15[%parallel_loop3A_345, %parallel_loop3A_346] {strides = array<i32>} : memref<80x128xf32, #tpu.memory_space<vmem>>, vector<1x16xf32>,
        %parallel_loop3A_348 = vector.shape_cast %parallel_loop3A_347 : vector<1x16xf32> to vector<16xf32>
        %parallel_loop3A_349 = vector.shape_cast %parallel_loop3A_344 : vector<16xf32> to vector<1x16xf32>
        tpu.vector_store %arg15[%parallel_loop3A_345, %parallel_loop3A_346], %parallel_loop3A_349 {strides = array<i32>} : memref<80x128xf32, #tpu.memory_space<vmem>>, vector<1x16xf32>,
        %parallel_loop3A_350 = arith.index_cast %parallel_loop3A_313 : i32 to index
        %parallel_loop3A_351 = arith.constant 48 : index
        %parallel_loop3A_352 = tpu.vector_load %arg7[%parallel_loop3A_350, %parallel_loop3A_351] {strides = array<i32>} : memref<80x128xf32, #tpu.memory_space<vmem>>, vector<1x16xf32>,
        %parallel_loop3A_353 = vector.shape_cast %parallel_loop3A_352 : vector<1x16xf32> to vector<16xf32>
        %parallel_loop3A_354 = arith.constant 11.3137083 : f32
        %parallel_loop3A_355 = vector.broadcast %parallel_loop3A_354 : f32 to vector<16xf32>
        %parallel_loop3A_356 = arith.mulf %parallel_loop3A_353, %parallel_loop3A_355 : vector<16xf32>
        %parallel_loop3A_357 = arith.index_cast %parallel_loop3A_313 : i32 to index
        %parallel_loop3A_358 = arith.constant 48 : index
        %parallel_loop3A_359 = tpu.vector_load %arg15[%parallel_loop3A_357, %parallel_loop3A_358] {strides = array<i32>} : memref<80x128xf32, #tpu.memory_space<vmem>>, vector<1x16xf32>,
        %parallel_loop3A_360 = vector.shape_cast %parallel_loop3A_359 : vector<1x16xf32> to vector<16xf32>
        %parallel_loop3A_361 = vector.shape_cast %parallel_loop3A_356 : vector<16xf32> to vector<1x16xf32>
        tpu.vector_store %arg15[%parallel_loop3A_357, %parallel_loop3A_358], %parallel_loop3A_361 {strides = array<i32>} : memref<80x128xf32, #tpu.memory_space<vmem>>, vector<1x16xf32>,
        %parallel_loop3A_362 = arith.index_cast %parallel_loop3A_313 : i32 to index
        %parallel_loop3A_363 = arith.constant 64 : index
        %parallel_loop3A_364 = tpu.vector_load %arg7[%parallel_loop3A_362, %parallel_loop3A_363] {strides = array<i32>} : memref<80x128xf32, #tpu.memory_space<vmem>>, vector<1x16xf32>,
        %parallel_loop3A_365 = vector.shape_cast %parallel_loop3A_364 : vector<1x16xf32> to vector<16xf32>
        %parallel_loop3A_366 = arith.constant 11.3137083 : f32
        %parallel_loop3A_367 = vector.broadcast %parallel_loop3A_366 : f32 to vector<16xf32>
        %parallel_loop3A_368 = arith.mulf %parallel_loop3A_365, %parallel_loop3A_367 : vector<16xf32>
        %parallel_loop3A_369 = arith.index_cast %parallel_loop3A_313 : i32 to index
        %parallel_loop3A_370 = arith.constant 64 : index
        %parallel_loop3A_371 = tpu.vector_load %arg15[%parallel_loop3A_369, %parallel_loop3A_370] {strides = array<i32>} : memref<80x128xf32, #tpu.memory_space<vmem>>, vector<1x16xf32>,
        %parallel_loop3A_372 = vector.shape_cast %parallel_loop3A_371 : vector<1x16xf32> to vector<16xf32>
        %parallel_loop3A_373 = vector.shape_cast %parallel_loop3A_368 : vector<16xf32> to vector<1x16xf32>
        tpu.vector_store %arg15[%parallel_loop3A_369, %parallel_loop3A_370], %parallel_loop3A_373 {strides = array<i32>} : memref<80x128xf32, #tpu.memory_space<vmem>>, vector<1x16xf32>,
        %parallel_loop3A_374 = arith.index_cast %parallel_loop3A_313 : i32 to index
        %parallel_loop3A_375 = arith.constant 80 : index
        %parallel_loop3A_376 = tpu.vector_load %arg7[%parallel_loop3A_374, %parallel_loop3A_375] {strides = array<i32>} : memref<80x128xf32, #tpu.memory_space<vmem>>, vector<1x16xf32>,
        %parallel_loop3A_377 = vector.shape_cast %parallel_loop3A_376 : vector<1x16xf32> to vector<16xf32>
        %parallel_loop3A_378 = arith.constant 11.3137083 : f32
        %parallel_loop3A_379 = vector.broadcast %parallel_loop3A_378 : f32 to vector<16xf32>
        %parallel_loop3A_380 = arith.mulf %parallel_loop3A_377, %parallel_loop3A_379 : vector<16xf32>
        %parallel_loop3A_381 = arith.index_cast %parallel_loop3A_313 : i32 to index
        %parallel_loop3A_382 = arith.constant 80 : index
        %parallel_loop3A_383 = tpu.vector_load %arg15[%parallel_loop3A_381, %parallel_loop3A_382] {strides = array<i32>} : memref<80x128xf32, #tpu.memory_space<vmem>>, vector<1x16xf32>,
        %parallel_loop3A_384 = vector.shape_cast %parallel_loop3A_383 : vector<1x16xf32> to vector<16xf32>
        %parallel_loop3A_385 = vector.shape_cast %parallel_loop3A_380 : vector<16xf32> to vector<1x16xf32>
        tpu.vector_store %arg15[%parallel_loop3A_381, %parallel_loop3A_382], %parallel_loop3A_385 {strides = array<i32>} : memref<80x128xf32, #tpu.memory_space<vmem>>, vector<1x16xf32>,
        %parallel_loop3A_386 = arith.index_cast %parallel_loop3A_313 : i32 to index
        %parallel_loop3A_387 = arith.constant 96 : index
        %parallel_loop3A_388 = tpu.vector_load %arg7[%parallel_loop3A_386, %parallel_loop3A_387] {strides = array<i32>} : memref<80x128xf32, #tpu.memory_space<vmem>>, vector<1x16xf32>,
        %parallel_loop3A_389 = vector.shape_cast %parallel_loop3A_388 : vector<1x16xf32> to vector<16xf32>
        %parallel_loop3A_390 = arith.constant 11.3137083 : f32
        %parallel_loop3A_391 = vector.broadcast %parallel_loop3A_390 : f32 to vector<16xf32>
        %parallel_loop3A_392 = arith.mulf %parallel_loop3A_389, %parallel_loop3A_391 : vector<16xf32>
        %parallel_loop3A_393 = arith.index_cast %parallel_loop3A_313 : i32 to index
        %parallel_loop3A_394 = arith.constant 96 : index
        %parallel_loop3A_395 = tpu.vector_load %arg15[%parallel_loop3A_393, %parallel_loop3A_394] {strides = array<i32>} : memref<80x128xf32, #tpu.memory_space<vmem>>, vector<1x16xf32>,
        %parallel_loop3A_396 = vector.shape_cast %parallel_loop3A_395 : vector<1x16xf32> to vector<16xf32>
        %parallel_loop3A_397 = vector.shape_cast %parallel_loop3A_392 : vector<16xf32> to vector<1x16xf32>
        tpu.vector_store %arg15[%parallel_loop3A_393, %parallel_loop3A_394], %parallel_loop3A_397 {strides = array<i32>} : memref<80x128xf32, #tpu.memory_space<vmem>>, vector<1x16xf32>,
        %parallel_loop3A_398 = arith.index_cast %parallel_loop3A_313 : i32 to index
        %parallel_loop3A_399 = arith.constant 112 : index
        %parallel_loop3A_400 = tpu.vector_load %arg7[%parallel_loop3A_398, %parallel_loop3A_399] {strides = array<i32>} : memref<80x128xf32, #tpu.memory_space<vmem>>, vector<1x16xf32>,
        %parallel_loop3A_401 = vector.shape_cast %parallel_loop3A_400 : vector<1x16xf32> to vector<16xf32>
        %parallel_loop3A_402 = arith.constant 11.3137083 : f32
        %parallel_loop3A_403 = vector.broadcast %parallel_loop3A_402 : f32 to vector<16xf32>
        %parallel_loop3A_404 = arith.mulf %parallel_loop3A_401, %parallel_loop3A_403 : vector<16xf32>
        %parallel_loop3A_405 = arith.index_cast %parallel_loop3A_313 : i32 to index
        %parallel_loop3A_406 = arith.constant 112 : index
        %parallel_loop3A_407 = tpu.vector_load %arg15[%parallel_loop3A_405, %parallel_loop3A_406] {strides = array<i32>} : memref<80x128xf32, #tpu.memory_space<vmem>>, vector<1x16xf32>,
        %parallel_loop3A_408 = vector.shape_cast %parallel_loop3A_407 : vector<1x16xf32> to vector<16xf32>
        %parallel_loop3A_409 = vector.shape_cast %parallel_loop3A_404 : vector<16xf32> to vector<1x16xf32>
        tpu.vector_store %arg15[%parallel_loop3A_405, %parallel_loop3A_406], %parallel_loop3A_409 {strides = array<i32>} : memref<80x128xf32, #tpu.memory_space<vmem>>, vector<1x16xf32>,
      } {sc.loop_unroll_factor = 4 : i64, sc.parallel_access}
      %mul3A_119 = arith.constant 80 : i32
      %mul3A_120 = arith.muli %add3A_104, %mul3A_119 : i32
      %add3A_121 = arith.addi %mul3A_2, %mul3A_120 : i32
      %dma_start3A_122 = arith.constant 0 : i32
      %dma_start3A_123 = tpu.memref_slice %arg4[%add3A_121, %dma_start3A_122] : memref<204800x128xf32, #tpu.memory_space<hbm>> -> memref<80x128xf32, #tpu.memory_space<hbm>>
      %dma_start3A_124 = arith.constant 0 : i32
      %dma_start3A_125 = tpu.memref_slice %arg4[%add3A_121, %dma_start3A_124] : memref<204800x128xf32, #tpu.memory_space<hbm>> -> memref<80x128xf32, #tpu.memory_space<hbm>>
      tpu.enqueue_dma source(%arg15 : memref<80x128xf32, #tpu.memory_space<vmem>>) target(%dma_start3A_125 : memref<80x128xf32, #tpu.memory_space<hbm>>) target_semaphore(%arg25 : memref<!tpu.dma_semaphore, #tpu.memory_space<semaphore_mem>>)
      %add3A_126 = arith.constant 8 : i32
      %add3A_127 = arith.addi %add3A_104, %add3A_126 : i32
      %lt3A_128 = arith.constant 80 : i32
      %lt3A_129 = arith.cmpi slt, %add3A_127, %lt3A_128 : i32
      %convert_element_type3A_130 = arith.extui %lt3A_129 : i1 to i32
      %cond3A_131 = arith.constant 0 : i32
      %cond3A_132 = arith.cmpi ne, %convert_element_type3A_130, %cond3A_131 : i32
      scf.if %cond3A_132 {
        %add3A_313 = arith.constant 8 : i32
        %add3A_314 = arith.addi %add3A_104, %add3A_313 : i32
        %dma_start3A_315 = arith.constant 0 : i32
        %dma_start3A_316 = tpu.memref_slice %arg5[%add3A_314, %dma_start3A_315] : memref<80x80xi32, #tpu.memory_space<vmem>> -> memref<1x80xi32, #tpu.memory_space<vmem>>
        %dma_start3A_317 = tpu.memref_squeeze %dma_start3A_316 : memref<1x80xi32, #tpu.memory_space<vmem>> -> memref<80xi32, #tpu.memory_space<vmem>>
        %dma_start3A_318 = arith.constant 0 : i32
        %dma_start3A_319 = arith.constant 0 : i32
        %dma_start3A_320 = tpu.memref_slice %arg3[%dma_start3A_318, %dma_start3A_319] : memref<100000x128xf32, #tpu.memory_space<hbm>> -> memref<100000x128xf32, #tpu.memory_space<hbm>>
        tpu.enqueue_indirect_dma source(%dma_start3A_320 : memref<100000x128xf32, #tpu.memory_space<hbm>>) target(%arg7 : memref<80x128xf32, #tpu.memory_space<vmem>>) offsets(%dma_start3A_317 : memref<80xi32, #tpu.memory_space<vmem>>) semaphore(%arg17 : memref<!tpu.dma_semaphore, #tpu.memory_space<semaphore_mem>>)
      } else {
      }
      %add3A_133 = arith.constant 2 : i32
      %add3A_134 = arith.addi %add3A_77, %add3A_133 : i32
      %dma_wait3A_135 = arith.constant 0 : i32
      %dma_wait3A_136 = tpu.memref_slice %arg5[%add3A_134, %dma_wait3A_135] : memref<80x80xi32, #tpu.memory_space<vmem>> -> memref<1x80xi32, #tpu.memory_space<vmem>>
      %dma_wait3A_137 = tpu.memref_squeeze %dma_wait3A_136 : memref<1x80xi32, #tpu.memory_space<vmem>> -> memref<80xi32, #tpu.memory_space<vmem>>
      %dma_wait3A_138 = arith.constant 0 : i32
      %dma_wait3A_139 = arith.constant 0 : i32
      %dma_wait3A_140 = tpu.memref_slice %arg3[%dma_wait3A_138, %dma_wait3A_139] : memref<100000x128xf32, #tpu.memory_space<hbm>> -> memref<100000x128xf32, #tpu.memory_space<hbm>>
      tpu.wait_indirect_dma semaphore(%arg18 : memref<!tpu.dma_semaphore, #tpu.memory_space<semaphore_mem>>) src(%dma_wait3A_140 : memref<100000x128xf32, #tpu.memory_space<hbm>>) dst(%arg8 : memref<80x128xf32, #tpu.memory_space<vmem>>)
      %ge3A_141 = arith.constant 2 : i32
      %ge3A_142 = arith.cmpi sge, %add3A_134, %ge3A_141 : i32
      %convert_element_type3A_143 = arith.extui %ge3A_142 : i1 to i32
      %cond3A_144 = arith.constant 0 : i32
      %cond3A_145 = arith.cmpi ne, %convert_element_type3A_143, %cond3A_144 : i32
      scf.if %cond3A_145 {
        %sub3A = arith.constant 2 : i32
        %sub3A_313 = arith.subi %add3A_134, %sub3A : i32
        %mul3A_314 = arith.constant 80 : i32
        %mul3A_315 = arith.muli %sub3A_313, %mul3A_314 : i32
        %add3A_316 = arith.addi %mul3A_2, %mul3A_315 : i32
        %dma_wait3A_317 = arith.constant 0 : i32
        %dma_wait3A_318 = tpu.memref_slice %arg4[%add3A_316, %dma_wait3A_317] : memref<204800x128xf32, #tpu.memory_space<hbm>> -> memref<80x128xf32, #tpu.memory_space<hbm>>
        %dma_wait3A_319 = arith.constant 0 : i32
        %dma_wait3A_320 = tpu.memref_slice %arg4[%add3A_316, %dma_wait3A_319] : memref<204800x128xf32, #tpu.memory_space<hbm>> -> memref<80x128xf32, #tpu.memory_space<hbm>>
        tpu.wait_dma2 semaphore(%arg24 : memref<!tpu.dma_semaphore, #tpu.memory_space<semaphore_mem>>) src(%arg14 : memref<80x128xf32, #tpu.memory_space<vmem>>) dst(%dma_wait3A_320 : memref<80x128xf32, #tpu.memory_space<hbm>>)
      } else {
      }
      %parallel_loop3A_146 = arith.constant 0 : i32
      %parallel_loop3A_147 = arith.constant 80 : i32
      %parallel_loop3A_148 = arith.constant 1 : i32
      scf.for %parallel_loop3A_313 = %parallel_loop3A_146 to %parallel_loop3A_147 step %parallel_loop3A_148  : i32 {
        %parallel_loop3A_314 = arith.index_cast %parallel_loop3A_313 : i32 to index
        %parallel_loop3A_315 = arith.constant 0 : index
        %parallel_loop3A_316 = tpu.vector_load %arg8[%parallel_loop3A_314, %parallel_loop3A_315] {strides = array<i32>} : memref<80x128xf32, #tpu.memory_space<vmem>>, vector<1x16xf32>,
        %parallel_loop3A_317 = vector.shape_cast %parallel_loop3A_316 : vector<1x16xf32> to vector<16xf32>
        %parallel_loop3A_318 = arith.constant 11.3137083 : f32
        %parallel_loop3A_319 = vector.broadcast %parallel_loop3A_318 : f32 to vector<16xf32>
        %parallel_loop3A_320 = arith.mulf %parallel_loop3A_317, %parallel_loop3A_319 : vector<16xf32>
        %parallel_loop3A_321 = arith.index_cast %parallel_loop3A_313 : i32 to index
        %parallel_loop3A_322 = arith.constant 0 : index
        %parallel_loop3A_323 = tpu.vector_load %arg14[%parallel_loop3A_321, %parallel_loop3A_322] {strides = array<i32>} : memref<80x128xf32, #tpu.memory_space<vmem>>, vector<1x16xf32>,
        %parallel_loop3A_324 = vector.shape_cast %parallel_loop3A_323 : vector<1x16xf32> to vector<16xf32>
        %parallel_loop3A_325 = vector.shape_cast %parallel_loop3A_320 : vector<16xf32> to vector<1x16xf32>
        tpu.vector_store %arg14[%parallel_loop3A_321, %parallel_loop3A_322], %parallel_loop3A_325 {strides = array<i32>} : memref<80x128xf32, #tpu.memory_space<vmem>>, vector<1x16xf32>,
        %parallel_loop3A_326 = arith.index_cast %parallel_loop3A_313 : i32 to index
        %parallel_loop3A_327 = arith.constant 16 : index
        %parallel_loop3A_328 = tpu.vector_load %arg8[%parallel_loop3A_326, %parallel_loop3A_327] {strides = array<i32>} : memref<80x128xf32, #tpu.memory_space<vmem>>, vector<1x16xf32>,
        %parallel_loop3A_329 = vector.shape_cast %parallel_loop3A_328 : vector<1x16xf32> to vector<16xf32>
        %parallel_loop3A_330 = arith.constant 11.3137083 : f32
        %parallel_loop3A_331 = vector.broadcast %parallel_loop3A_330 : f32 to vector<16xf32>
        %parallel_loop3A_332 = arith.mulf %parallel_loop3A_329, %parallel_loop3A_331 : vector<16xf32>
        %parallel_loop3A_333 = arith.index_cast %parallel_loop3A_313 : i32 to index
        %parallel_loop3A_334 = arith.constant 16 : index
        %parallel_loop3A_335 = tpu.vector_load %arg14[%parallel_loop3A_333, %parallel_loop3A_334] {strides = array<i32>} : memref<80x128xf32, #tpu.memory_space<vmem>>, vector<1x16xf32>,
        %parallel_loop3A_336 = vector.shape_cast %parallel_loop3A_335 : vector<1x16xf32> to vector<16xf32>
        %parallel_loop3A_337 = vector.shape_cast %parallel_loop3A_332 : vector<16xf32> to vector<1x16xf32>
        tpu.vector_store %arg14[%parallel_loop3A_333, %parallel_loop3A_334], %parallel_loop3A_337 {strides = array<i32>} : memref<80x128xf32, #tpu.memory_space<vmem>>, vector<1x16xf32>,
        %parallel_loop3A_338 = arith.index_cast %parallel_loop3A_313 : i32 to index
        %parallel_loop3A_339 = arith.constant 32 : index
        %parallel_loop3A_340 = tpu.vector_load %arg8[%parallel_loop3A_338, %parallel_loop3A_339] {strides = array<i32>} : memref<80x128xf32, #tpu.memory_space<vmem>>, vector<1x16xf32>,
        %parallel_loop3A_341 = vector.shape_cast %parallel_loop3A_340 : vector<1x16xf32> to vector<16xf32>
        %parallel_loop3A_342 = arith.constant 11.3137083 : f32
        %parallel_loop3A_343 = vector.broadcast %parallel_loop3A_342 : f32 to vector<16xf32>
        %parallel_loop3A_344 = arith.mulf %parallel_loop3A_341, %parallel_loop3A_343 : vector<16xf32>
        %parallel_loop3A_345 = arith.index_cast %parallel_loop3A_313 : i32 to index
        %parallel_loop3A_346 = arith.constant 32 : index
        %parallel_loop3A_347 = tpu.vector_load %arg14[%parallel_loop3A_345, %parallel_loop3A_346] {strides = array<i32>} : memref<80x128xf32, #tpu.memory_space<vmem>>, vector<1x16xf32>,
        %parallel_loop3A_348 = vector.shape_cast %parallel_loop3A_347 : vector<1x16xf32> to vector<16xf32>
        %parallel_loop3A_349 = vector.shape_cast %parallel_loop3A_344 : vector<16xf32> to vector<1x16xf32>
        tpu.vector_store %arg14[%parallel_loop3A_345, %parallel_loop3A_346], %parallel_loop3A_349 {strides = array<i32>} : memref<80x128xf32, #tpu.memory_space<vmem>>, vector<1x16xf32>,
        %parallel_loop3A_350 = arith.index_cast %parallel_loop3A_313 : i32 to index
        %parallel_loop3A_351 = arith.constant 48 : index
        %parallel_loop3A_352 = tpu.vector_load %arg8[%parallel_loop3A_350, %parallel_loop3A_351] {strides = array<i32>} : memref<80x128xf32, #tpu.memory_space<vmem>>, vector<1x16xf32>,
        %parallel_loop3A_353 = vector.shape_cast %parallel_loop3A_352 : vector<1x16xf32> to vector<16xf32>
        %parallel_loop3A_354 = arith.constant 11.3137083 : f32
        %parallel_loop3A_355 = vector.broadcast %parallel_loop3A_354 : f32 to vector<16xf32>
        %parallel_loop3A_356 = arith.mulf %parallel_loop3A_353, %parallel_loop3A_355 : vector<16xf32>
        %parallel_loop3A_357 = arith.index_cast %parallel_loop3A_313 : i32 to index
        %parallel_loop3A_358 = arith.constant 48 : index
        %parallel_loop3A_359 = tpu.vector_load %arg14[%parallel_loop3A_357, %parallel_loop3A_358] {strides = array<i32>} : memref<80x128xf32, #tpu.memory_space<vmem>>, vector<1x16xf32>,
        %parallel_loop3A_360 = vector.shape_cast %parallel_loop3A_359 : vector<1x16xf32> to vector<16xf32>
        %parallel_loop3A_361 = vector.shape_cast %parallel_loop3A_356 : vector<16xf32> to vector<1x16xf32>
        tpu.vector_store %arg14[%parallel_loop3A_357, %parallel_loop3A_358], %parallel_loop3A_361 {strides = array<i32>} : memref<80x128xf32, #tpu.memory_space<vmem>>, vector<1x16xf32>,
        %parallel_loop3A_362 = arith.index_cast %parallel_loop3A_313 : i32 to index
        %parallel_loop3A_363 = arith.constant 64 : index
        %parallel_loop3A_364 = tpu.vector_load %arg8[%parallel_loop3A_362, %parallel_loop3A_363] {strides = array<i32>} : memref<80x128xf32, #tpu.memory_space<vmem>>, vector<1x16xf32>,
        %parallel_loop3A_365 = vector.shape_cast %parallel_loop3A_364 : vector<1x16xf32> to vector<16xf32>
        %parallel_loop3A_366 = arith.constant 11.3137083 : f32
        %parallel_loop3A_367 = vector.broadcast %parallel_loop3A_366 : f32 to vector<16xf32>
        %parallel_loop3A_368 = arith.mulf %parallel_loop3A_365, %parallel_loop3A_367 : vector<16xf32>
        %parallel_loop3A_369 = arith.index_cast %parallel_loop3A_313 : i32 to index
        %parallel_loop3A_370 = arith.constant 64 : index
        %parallel_loop3A_371 = tpu.vector_load %arg14[%parallel_loop3A_369, %parallel_loop3A_370] {strides = array<i32>} : memref<80x128xf32, #tpu.memory_space<vmem>>, vector<1x16xf32>,
        %parallel_loop3A_372 = vector.shape_cast %parallel_loop3A_371 : vector<1x16xf32> to vector<16xf32>
        %parallel_loop3A_373 = vector.shape_cast %parallel_loop3A_368 : vector<16xf32> to vector<1x16xf32>
        tpu.vector_store %arg14[%parallel_loop3A_369, %parallel_loop3A_370], %parallel_loop3A_373 {strides = array<i32>} : memref<80x128xf32, #tpu.memory_space<vmem>>, vector<1x16xf32>,
        %parallel_loop3A_374 = arith.index_cast %parallel_loop3A_313 : i32 to index
        %parallel_loop3A_375 = arith.constant 80 : index
        %parallel_loop3A_376 = tpu.vector_load %arg8[%parallel_loop3A_374, %parallel_loop3A_375] {strides = array<i32>} : memref<80x128xf32, #tpu.memory_space<vmem>>, vector<1x16xf32>,
        %parallel_loop3A_377 = vector.shape_cast %parallel_loop3A_376 : vector<1x16xf32> to vector<16xf32>
        %parallel_loop3A_378 = arith.constant 11.3137083 : f32
        %parallel_loop3A_379 = vector.broadcast %parallel_loop3A_378 : f32 to vector<16xf32>
        %parallel_loop3A_380 = arith.mulf %parallel_loop3A_377, %parallel_loop3A_379 : vector<16xf32>
        %parallel_loop3A_381 = arith.index_cast %parallel_loop3A_313 : i32 to index
        %parallel_loop3A_382 = arith.constant 80 : index
        %parallel_loop3A_383 = tpu.vector_load %arg14[%parallel_loop3A_381, %parallel_loop3A_382] {strides = array<i32>} : memref<80x128xf32, #tpu.memory_space<vmem>>, vector<1x16xf32>,
        %parallel_loop3A_384 = vector.shape_cast %parallel_loop3A_383 : vector<1x16xf32> to vector<16xf32>
        %parallel_loop3A_385 = vector.shape_cast %parallel_loop3A_380 : vector<16xf32> to vector<1x16xf32>
        tpu.vector_store %arg14[%parallel_loop3A_381, %parallel_loop3A_382], %parallel_loop3A_385 {strides = array<i32>} : memref<80x128xf32, #tpu.memory_space<vmem>>, vector<1x16xf32>,
        %parallel_loop3A_386 = arith.index_cast %parallel_loop3A_313 : i32 to index
        %parallel_loop3A_387 = arith.constant 96 : index
        %parallel_loop3A_388 = tpu.vector_load %arg8[%parallel_loop3A_386, %parallel_loop3A_387] {strides = array<i32>} : memref<80x128xf32, #tpu.memory_space<vmem>>, vector<1x16xf32>,
        %parallel_loop3A_389 = vector.shape_cast %parallel_loop3A_388 : vector<1x16xf32> to vector<16xf32>
        %parallel_loop3A_390 = arith.constant 11.3137083 : f32
        %parallel_loop3A_391 = vector.broadcast %parallel_loop3A_390 : f32 to vector<16xf32>
        %parallel_loop3A_392 = arith.mulf %parallel_loop3A_389, %parallel_loop3A_391 : vector<16xf32>
        %parallel_loop3A_393 = arith.index_cast %parallel_loop3A_313 : i32 to index
        %parallel_loop3A_394 = arith.constant 96 : index
        %parallel_loop3A_395 = tpu.vector_load %arg14[%parallel_loop3A_393, %parallel_loop3A_394] {strides = array<i32>} : memref<80x128xf32, #tpu.memory_space<vmem>>, vector<1x16xf32>,
        %parallel_loop3A_396 = vector.shape_cast %parallel_loop3A_395 : vector<1x16xf32> to vector<16xf32>
        %parallel_loop3A_397 = vector.shape_cast %parallel_loop3A_392 : vector<16xf32> to vector<1x16xf32>
        tpu.vector_store %arg14[%parallel_loop3A_393, %parallel_loop3A_394], %parallel_loop3A_397 {strides = array<i32>} : memref<80x128xf32, #tpu.memory_space<vmem>>, vector<1x16xf32>,
        %parallel_loop3A_398 = arith.index_cast %parallel_loop3A_313 : i32 to index
        %parallel_loop3A_399 = arith.constant 112 : index
        %parallel_loop3A_400 = tpu.vector_load %arg8[%parallel_loop3A_398, %parallel_loop3A_399] {strides = array<i32>} : memref<80x128xf32, #tpu.memory_space<vmem>>, vector<1x16xf32>,
        %parallel_loop3A_401 = vector.shape_cast %parallel_loop3A_400 : vector<1x16xf32> to vector<16xf32>
        %parallel_loop3A_402 = arith.constant 11.3137083 : f32
        %parallel_loop3A_403 = vector.broadcast %parallel_loop3A_402 : f32 to vector<16xf32>
        %parallel_loop3A_404 = arith.mulf %parallel_loop3A_401, %parallel_loop3A_403 : vector<16xf32>
        %parallel_loop3A_405 = arith.index_cast %parallel_loop3A_313 : i32 to index
        %parallel_loop3A_406 = arith.constant 112 : index
        %parallel_loop3A_407 = tpu.vector_load %arg14[%parallel_loop3A_405, %parallel_loop3A_406] {strides = array<i32>} : memref<80x128xf32, #tpu.memory_space<vmem>>, vector<1x16xf32>,
        %parallel_loop3A_408 = vector.shape_cast %parallel_loop3A_407 : vector<1x16xf32> to vector<16xf32>
        %parallel_loop3A_409 = vector.shape_cast %parallel_loop3A_404 : vector<16xf32> to vector<1x16xf32>
        tpu.vector_store %arg14[%parallel_loop3A_405, %parallel_loop3A_406], %parallel_loop3A_409 {strides = array<i32>} : memref<80x128xf32, #tpu.memory_space<vmem>>, vector<1x16xf32>,
      } {sc.loop_unroll_factor = 4 : i64, sc.parallel_access}
      %mul3A_149 = arith.constant 80 : i32
      %mul3A_150 = arith.muli %add3A_134, %mul3A_149 : i32
      %add3A_151 = arith.addi %mul3A_2, %mul3A_150 : i32
      %dma_start3A_152 = arith.constant 0 : i32
      %dma_start3A_153 = tpu.memref_slice %arg4[%add3A_151, %dma_start3A_152] : memref<204800x128xf32, #tpu.memory_space<hbm>> -> memref<80x128xf32, #tpu.memory_space<hbm>>
      %dma_start3A_154 = arith.constant 0 : i32
      %dma_start3A_155 = tpu.memref_slice %arg4[%add3A_151, %dma_start3A_154] : memref<204800x128xf32, #tpu.memory_space<hbm>> -> memref<80x128xf32, #tpu.memory_space<hbm>>
      tpu.enqueue_dma source(%arg14 : memref<80x128xf32, #tpu.memory_space<vmem>>) target(%dma_start3A_155 : memref<80x128xf32, #tpu.memory_space<hbm>>) target_semaphore(%arg24 : memref<!tpu.dma_semaphore, #tpu.memory_space<semaphore_mem>>)
      %add3A_156 = arith.constant 8 : i32
      %add3A_157 = arith.addi %add3A_134, %add3A_156 : i32
      %lt3A_158 = arith.constant 80 : i32
      %lt3A_159 = arith.cmpi slt, %add3A_157, %lt3A_158 : i32
      %convert_element_type3A_160 = arith.extui %lt3A_159 : i1 to i32
      %cond3A_161 = arith.constant 0 : i32
      %cond3A_162 = arith.cmpi ne, %convert_element_type3A_160, %cond3A_161 : i32
      scf.if %cond3A_162 {
        %add3A_313 = arith.constant 8 : i32
        %add3A_314 = arith.addi %add3A_134, %add3A_313 : i32
        %dma_start3A_315 = arith.constant 0 : i32
        %dma_start3A_316 = tpu.memref_slice %arg5[%add3A_314, %dma_start3A_315] : memref<80x80xi32, #tpu.memory_space<vmem>> -> memref<1x80xi32, #tpu.memory_space<vmem>>
        %dma_start3A_317 = tpu.memref_squeeze %dma_start3A_316 : memref<1x80xi32, #tpu.memory_space<vmem>> -> memref<80xi32, #tpu.memory_space<vmem>>
        %dma_start3A_318 = arith.constant 0 : i32
        %dma_start3A_319 = arith.constant 0 : i32
        %dma_start3A_320 = tpu.memref_slice %arg3[%dma_start3A_318, %dma_start3A_319] : memref<100000x128xf32, #tpu.memory_space<hbm>> -> memref<100000x128xf32, #tpu.memory_space<hbm>>
        tpu.enqueue_indirect_dma source(%dma_start3A_320 : memref<100000x128xf32, #tpu.memory_space<hbm>>) target(%arg8 : memref<80x128xf32, #tpu.memory_space<vmem>>) offsets(%dma_start3A_317 : memref<80xi32, #tpu.memory_space<vmem>>) semaphore(%arg18 : memref<!tpu.dma_semaphore, #tpu.memory_space<semaphore_mem>>)
      } else {
      }
      %add3A_163 = arith.constant 3 : i32
      %add3A_164 = arith.addi %add3A_77, %add3A_163 : i32
      %dma_wait3A_165 = arith.constant 0 : i32
      %dma_wait3A_166 = tpu.memref_slice %arg5[%add3A_164, %dma_wait3A_165] : memref<80x80xi32, #tpu.memory_space<vmem>> -> memref<1x80xi32, #tpu.memory_space<vmem>>
      %dma_wait3A_167 = tpu.memref_squeeze %dma_wait3A_166 : memref<1x80xi32, #tpu.memory_space<vmem>> -> memref<80xi32, #tpu.memory_space<vmem>>
      %dma_wait3A_168 = arith.constant 0 : i32
      %dma_wait3A_169 = arith.constant 0 : i32
      %dma_wait3A_170 = tpu.memref_slice %arg3[%dma_wait3A_168, %dma_wait3A_169] : memref<100000x128xf32, #tpu.memory_space<hbm>> -> memref<100000x128xf32, #tpu.memory_space<hbm>>
      tpu.wait_indirect_dma semaphore(%arg19 : memref<!tpu.dma_semaphore, #tpu.memory_space<semaphore_mem>>) src(%dma_wait3A_170 : memref<100000x128xf32, #tpu.memory_space<hbm>>) dst(%arg9 : memref<80x128xf32, #tpu.memory_space<vmem>>)
      %ge3A_171 = arith.constant 2 : i32
      %ge3A_172 = arith.cmpi sge, %add3A_164, %ge3A_171 : i32
      %convert_element_type3A_173 = arith.extui %ge3A_172 : i1 to i32
      %cond3A_174 = arith.constant 0 : i32
      %cond3A_175 = arith.cmpi ne, %convert_element_type3A_173, %cond3A_174 : i32
      scf.if %cond3A_175 {
        %sub3A = arith.constant 2 : i32
        %sub3A_313 = arith.subi %add3A_164, %sub3A : i32
        %mul3A_314 = arith.constant 80 : i32
        %mul3A_315 = arith.muli %sub3A_313, %mul3A_314 : i32
        %add3A_316 = arith.addi %mul3A_2, %mul3A_315 : i32
        %dma_wait3A_317 = arith.constant 0 : i32
        %dma_wait3A_318 = tpu.memref_slice %arg4[%add3A_316, %dma_wait3A_317] : memref<204800x128xf32, #tpu.memory_space<hbm>> -> memref<80x128xf32, #tpu.memory_space<hbm>>
        %dma_wait3A_319 = arith.constant 0 : i32
        %dma_wait3A_320 = tpu.memref_slice %arg4[%add3A_316, %dma_wait3A_319] : memref<204800x128xf32, #tpu.memory_space<hbm>> -> memref<80x128xf32, #tpu.memory_space<hbm>>
        tpu.wait_dma2 semaphore(%arg25 : memref<!tpu.dma_semaphore, #tpu.memory_space<semaphore_mem>>) src(%arg15 : memref<80x128xf32, #tpu.memory_space<vmem>>) dst(%dma_wait3A_320 : memref<80x128xf32, #tpu.memory_space<hbm>>)
      } else {
      }
      %parallel_loop3A_176 = arith.constant 0 : i32
      %parallel_loop3A_177 = arith.constant 80 : i32
      %parallel_loop3A_178 = arith.constant 1 : i32
      scf.for %parallel_loop3A_313 = %parallel_loop3A_176 to %parallel_loop3A_177 step %parallel_loop3A_178  : i32 {
        %parallel_loop3A_314 = arith.index_cast %parallel_loop3A_313 : i32 to index
        %parallel_loop3A_315 = arith.constant 0 : index
        %parallel_loop3A_316 = tpu.vector_load %arg9[%parallel_loop3A_314, %parallel_loop3A_315] {strides = array<i32>} : memref<80x128xf32, #tpu.memory_space<vmem>>, vector<1x16xf32>,
        %parallel_loop3A_317 = vector.shape_cast %parallel_loop3A_316 : vector<1x16xf32> to vector<16xf32>
        %parallel_loop3A_318 = arith.constant 11.3137083 : f32
        %parallel_loop3A_319 = vector.broadcast %parallel_loop3A_318 : f32 to vector<16xf32>
        %parallel_loop3A_320 = arith.mulf %parallel_loop3A_317, %parallel_loop3A_319 : vector<16xf32>
        %parallel_loop3A_321 = arith.index_cast %parallel_loop3A_313 : i32 to index
        %parallel_loop3A_322 = arith.constant 0 : index
        %parallel_loop3A_323 = tpu.vector_load %arg15[%parallel_loop3A_321, %parallel_loop3A_322] {strides = array<i32>} : memref<80x128xf32, #tpu.memory_space<vmem>>, vector<1x16xf32>,
        %parallel_loop3A_324 = vector.shape_cast %parallel_loop3A_323 : vector<1x16xf32> to vector<16xf32>
        %parallel_loop3A_325 = vector.shape_cast %parallel_loop3A_320 : vector<16xf32> to vector<1x16xf32>
        tpu.vector_store %arg15[%parallel_loop3A_321, %parallel_loop3A_322], %parallel_loop3A_325 {strides = array<i32>} : memref<80x128xf32, #tpu.memory_space<vmem>>, vector<1x16xf32>,
        %parallel_loop3A_326 = arith.index_cast %parallel_loop3A_313 : i32 to index
        %parallel_loop3A_327 = arith.constant 16 : index
        %parallel_loop3A_328 = tpu.vector_load %arg9[%parallel_loop3A_326, %parallel_loop3A_327] {strides = array<i32>} : memref<80x128xf32, #tpu.memory_space<vmem>>, vector<1x16xf32>,
        %parallel_loop3A_329 = vector.shape_cast %parallel_loop3A_328 : vector<1x16xf32> to vector<16xf32>
        %parallel_loop3A_330 = arith.constant 11.3137083 : f32
        %parallel_loop3A_331 = vector.broadcast %parallel_loop3A_330 : f32 to vector<16xf32>
        %parallel_loop3A_332 = arith.mulf %parallel_loop3A_329, %parallel_loop3A_331 : vector<16xf32>
        %parallel_loop3A_333 = arith.index_cast %parallel_loop3A_313 : i32 to index
        %parallel_loop3A_334 = arith.constant 16 : index
        %parallel_loop3A_335 = tpu.vector_load %arg15[%parallel_loop3A_333, %parallel_loop3A_334] {strides = array<i32>} : memref<80x128xf32, #tpu.memory_space<vmem>>, vector<1x16xf32>,
        %parallel_loop3A_336 = vector.shape_cast %parallel_loop3A_335 : vector<1x16xf32> to vector<16xf32>
        %parallel_loop3A_337 = vector.shape_cast %parallel_loop3A_332 : vector<16xf32> to vector<1x16xf32>
        tpu.vector_store %arg15[%parallel_loop3A_333, %parallel_loop3A_334], %parallel_loop3A_337 {strides = array<i32>} : memref<80x128xf32, #tpu.memory_space<vmem>>, vector<1x16xf32>,
        %parallel_loop3A_338 = arith.index_cast %parallel_loop3A_313 : i32 to index
        %parallel_loop3A_339 = arith.constant 32 : index
        %parallel_loop3A_340 = tpu.vector_load %arg9[%parallel_loop3A_338, %parallel_loop3A_339] {strides = array<i32>} : memref<80x128xf32, #tpu.memory_space<vmem>>, vector<1x16xf32>,
        %parallel_loop3A_341 = vector.shape_cast %parallel_loop3A_340 : vector<1x16xf32> to vector<16xf32>
        %parallel_loop3A_342 = arith.constant 11.3137083 : f32
        %parallel_loop3A_343 = vector.broadcast %parallel_loop3A_342 : f32 to vector<16xf32>
        %parallel_loop3A_344 = arith.mulf %parallel_loop3A_341, %parallel_loop3A_343 : vector<16xf32>
        %parallel_loop3A_345 = arith.index_cast %parallel_loop3A_313 : i32 to index
        %parallel_loop3A_346 = arith.constant 32 : index
        %parallel_loop3A_347 = tpu.vector_load %arg15[%parallel_loop3A_345, %parallel_loop3A_346] {strides = array<i32>} : memref<80x128xf32, #tpu.memory_space<vmem>>, vector<1x16xf32>,
        %parallel_loop3A_348 = vector.shape_cast %parallel_loop3A_347 : vector<1x16xf32> to vector<16xf32>
        %parallel_loop3A_349 = vector.shape_cast %parallel_loop3A_344 : vector<16xf32> to vector<1x16xf32>
        tpu.vector_store %arg15[%parallel_loop3A_345, %parallel_loop3A_346], %parallel_loop3A_349 {strides = array<i32>} : memref<80x128xf32, #tpu.memory_space<vmem>>, vector<1x16xf32>,
        %parallel_loop3A_350 = arith.index_cast %parallel_loop3A_313 : i32 to index
        %parallel_loop3A_351 = arith.constant 48 : index
        %parallel_loop3A_352 = tpu.vector_load %arg9[%parallel_loop3A_350, %parallel_loop3A_351] {strides = array<i32>} : memref<80x128xf32, #tpu.memory_space<vmem>>, vector<1x16xf32>,
        %parallel_loop3A_353 = vector.shape_cast %parallel_loop3A_352 : vector<1x16xf32> to vector<16xf32>
        %parallel_loop3A_354 = arith.constant 11.3137083 : f32
        %parallel_loop3A_355 = vector.broadcast %parallel_loop3A_354 : f32 to vector<16xf32>
        %parallel_loop3A_356 = arith.mulf %parallel_loop3A_353, %parallel_loop3A_355 : vector<16xf32>
        %parallel_loop3A_357 = arith.index_cast %parallel_loop3A_313 : i32 to index
        %parallel_loop3A_358 = arith.constant 48 : index
        %parallel_loop3A_359 = tpu.vector_load %arg15[%parallel_loop3A_357, %parallel_loop3A_358] {strides = array<i32>} : memref<80x128xf32, #tpu.memory_space<vmem>>, vector<1x16xf32>,
        %parallel_loop3A_360 = vector.shape_cast %parallel_loop3A_359 : vector<1x16xf32> to vector<16xf32>
        %parallel_loop3A_361 = vector.shape_cast %parallel_loop3A_356 : vector<16xf32> to vector<1x16xf32>
        tpu.vector_store %arg15[%parallel_loop3A_357, %parallel_loop3A_358], %parallel_loop3A_361 {strides = array<i32>} : memref<80x128xf32, #tpu.memory_space<vmem>>, vector<1x16xf32>,
        %parallel_loop3A_362 = arith.index_cast %parallel_loop3A_313 : i32 to index
        %parallel_loop3A_363 = arith.constant 64 : index
        %parallel_loop3A_364 = tpu.vector_load %arg9[%parallel_loop3A_362, %parallel_loop3A_363] {strides = array<i32>} : memref<80x128xf32, #tpu.memory_space<vmem>>, vector<1x16xf32>,
        %parallel_loop3A_365 = vector.shape_cast %parallel_loop3A_364 : vector<1x16xf32> to vector<16xf32>
        %parallel_loop3A_366 = arith.constant 11.3137083 : f32
        %parallel_loop3A_367 = vector.broadcast %parallel_loop3A_366 : f32 to vector<16xf32>
        %parallel_loop3A_368 = arith.mulf %parallel_loop3A_365, %parallel_loop3A_367 : vector<16xf32>
        %parallel_loop3A_369 = arith.index_cast %parallel_loop3A_313 : i32 to index
        %parallel_loop3A_370 = arith.constant 64 : index
        %parallel_loop3A_371 = tpu.vector_load %arg15[%parallel_loop3A_369, %parallel_loop3A_370] {strides = array<i32>} : memref<80x128xf32, #tpu.memory_space<vmem>>, vector<1x16xf32>,
        %parallel_loop3A_372 = vector.shape_cast %parallel_loop3A_371 : vector<1x16xf32> to vector<16xf32>
        %parallel_loop3A_373 = vector.shape_cast %parallel_loop3A_368 : vector<16xf32> to vector<1x16xf32>
        tpu.vector_store %arg15[%parallel_loop3A_369, %parallel_loop3A_370], %parallel_loop3A_373 {strides = array<i32>} : memref<80x128xf32, #tpu.memory_space<vmem>>, vector<1x16xf32>,
        %parallel_loop3A_374 = arith.index_cast %parallel_loop3A_313 : i32 to index
        %parallel_loop3A_375 = arith.constant 80 : index
        %parallel_loop3A_376 = tpu.vector_load %arg9[%parallel_loop3A_374, %parallel_loop3A_375] {strides = array<i32>} : memref<80x128xf32, #tpu.memory_space<vmem>>, vector<1x16xf32>,
        %parallel_loop3A_377 = vector.shape_cast %parallel_loop3A_376 : vector<1x16xf32> to vector<16xf32>
        %parallel_loop3A_378 = arith.constant 11.3137083 : f32
        %parallel_loop3A_379 = vector.broadcast %parallel_loop3A_378 : f32 to vector<16xf32>
        %parallel_loop3A_380 = arith.mulf %parallel_loop3A_377, %parallel_loop3A_379 : vector<16xf32>
        %parallel_loop3A_381 = arith.index_cast %parallel_loop3A_313 : i32 to index
        %parallel_loop3A_382 = arith.constant 80 : index
        %parallel_loop3A_383 = tpu.vector_load %arg15[%parallel_loop3A_381, %parallel_loop3A_382] {strides = array<i32>} : memref<80x128xf32, #tpu.memory_space<vmem>>, vector<1x16xf32>,
        %parallel_loop3A_384 = vector.shape_cast %parallel_loop3A_383 : vector<1x16xf32> to vector<16xf32>
        %parallel_loop3A_385 = vector.shape_cast %parallel_loop3A_380 : vector<16xf32> to vector<1x16xf32>
        tpu.vector_store %arg15[%parallel_loop3A_381, %parallel_loop3A_382], %parallel_loop3A_385 {strides = array<i32>} : memref<80x128xf32, #tpu.memory_space<vmem>>, vector<1x16xf32>,
        %parallel_loop3A_386 = arith.index_cast %parallel_loop3A_313 : i32 to index
        %parallel_loop3A_387 = arith.constant 96 : index
        %parallel_loop3A_388 = tpu.vector_load %arg9[%parallel_loop3A_386, %parallel_loop3A_387] {strides = array<i32>} : memref<80x128xf32, #tpu.memory_space<vmem>>, vector<1x16xf32>,
        %parallel_loop3A_389 = vector.shape_cast %parallel_loop3A_388 : vector<1x16xf32> to vector<16xf32>
        %parallel_loop3A_390 = arith.constant 11.3137083 : f32
        %parallel_loop3A_391 = vector.broadcast %parallel_loop3A_390 : f32 to vector<16xf32>
        %parallel_loop3A_392 = arith.mulf %parallel_loop3A_389, %parallel_loop3A_391 : vector<16xf32>
        %parallel_loop3A_393 = arith.index_cast %parallel_loop3A_313 : i32 to index
        %parallel_loop3A_394 = arith.constant 96 : index
        %parallel_loop3A_395 = tpu.vector_load %arg15[%parallel_loop3A_393, %parallel_loop3A_394] {strides = array<i32>} : memref<80x128xf32, #tpu.memory_space<vmem>>, vector<1x16xf32>,
        %parallel_loop3A_396 = vector.shape_cast %parallel_loop3A_395 : vector<1x16xf32> to vector<16xf32>
        %parallel_loop3A_397 = vector.shape_cast %parallel_loop3A_392 : vector<16xf32> to vector<1x16xf32>
        tpu.vector_store %arg15[%parallel_loop3A_393, %parallel_loop3A_394], %parallel_loop3A_397 {strides = array<i32>} : memref<80x128xf32, #tpu.memory_space<vmem>>, vector<1x16xf32>,
        %parallel_loop3A_398 = arith.index_cast %parallel_loop3A_313 : i32 to index
        %parallel_loop3A_399 = arith.constant 112 : index
        %parallel_loop3A_400 = tpu.vector_load %arg9[%parallel_loop3A_398, %parallel_loop3A_399] {strides = array<i32>} : memref<80x128xf32, #tpu.memory_space<vmem>>, vector<1x16xf32>,
        %parallel_loop3A_401 = vector.shape_cast %parallel_loop3A_400 : vector<1x16xf32> to vector<16xf32>
        %parallel_loop3A_402 = arith.constant 11.3137083 : f32
        %parallel_loop3A_403 = vector.broadcast %parallel_loop3A_402 : f32 to vector<16xf32>
        %parallel_loop3A_404 = arith.mulf %parallel_loop3A_401, %parallel_loop3A_403 : vector<16xf32>
        %parallel_loop3A_405 = arith.index_cast %parallel_loop3A_313 : i32 to index
        %parallel_loop3A_406 = arith.constant 112 : index
        %parallel_loop3A_407 = tpu.vector_load %arg15[%parallel_loop3A_405, %parallel_loop3A_406] {strides = array<i32>} : memref<80x128xf32, #tpu.memory_space<vmem>>, vector<1x16xf32>,
        %parallel_loop3A_408 = vector.shape_cast %parallel_loop3A_407 : vector<1x16xf32> to vector<16xf32>
        %parallel_loop3A_409 = vector.shape_cast %parallel_loop3A_404 : vector<16xf32> to vector<1x16xf32>
        tpu.vector_store %arg15[%parallel_loop3A_405, %parallel_loop3A_406], %parallel_loop3A_409 {strides = array<i32>} : memref<80x128xf32, #tpu.memory_space<vmem>>, vector<1x16xf32>,
      } {sc.loop_unroll_factor = 4 : i64, sc.parallel_access}
      %mul3A_179 = arith.constant 80 : i32
      %mul3A_180 = arith.muli %add3A_164, %mul3A_179 : i32
      %add3A_181 = arith.addi %mul3A_2, %mul3A_180 : i32
      %dma_start3A_182 = arith.constant 0 : i32
      %dma_start3A_183 = tpu.memref_slice %arg4[%add3A_181, %dma_start3A_182] : memref<204800x128xf32, #tpu.memory_space<hbm>> -> memref<80x128xf32, #tpu.memory_space<hbm>>
      %dma_start3A_184 = arith.constant 0 : i32
      %dma_start3A_185 = tpu.memref_slice %arg4[%add3A_181, %dma_start3A_184] : memref<204800x128xf32, #tpu.memory_space<hbm>> -> memref<80x128xf32, #tpu.memory_space<hbm>>
      tpu.enqueue_dma source(%arg15 : memref<80x128xf32, #tpu.memory_space<vmem>>) target(%dma_start3A_185 : memref<80x128xf32, #tpu.memory_space<hbm>>) target_semaphore(%arg25 : memref<!tpu.dma_semaphore, #tpu.memory_space<semaphore_mem>>)
      %add3A_186 = arith.constant 8 : i32
      %add3A_187 = arith.addi %add3A_164, %add3A_186 : i32
      %lt3A_188 = arith.constant 80 : i32
      %lt3A_189 = arith.cmpi slt, %add3A_187, %lt3A_188 : i32
      %convert_element_type3A_190 = arith.extui %lt3A_189 : i1 to i32
      %cond3A_191 = arith.constant 0 : i32
      %cond3A_192 = arith.cmpi ne, %convert_element_type3A_190, %cond3A_191 : i32
      scf.if %cond3A_192 {
        %add3A_313 = arith.constant 8 : i32
        %add3A_314 = arith.addi %add3A_164, %add3A_313 : i32
        %dma_start3A_315 = arith.constant 0 : i32
        %dma_start3A_316 = tpu.memref_slice %arg5[%add3A_314, %dma_start3A_315] : memref<80x80xi32, #tpu.memory_space<vmem>> -> memref<1x80xi32, #tpu.memory_space<vmem>>
        %dma_start3A_317 = tpu.memref_squeeze %dma_start3A_316 : memref<1x80xi32, #tpu.memory_space<vmem>> -> memref<80xi32, #tpu.memory_space<vmem>>
        %dma_start3A_318 = arith.constant 0 : i32
        %dma_start3A_319 = arith.constant 0 : i32
        %dma_start3A_320 = tpu.memref_slice %arg3[%dma_start3A_318, %dma_start3A_319] : memref<100000x128xf32, #tpu.memory_space<hbm>> -> memref<100000x128xf32, #tpu.memory_space<hbm>>
        tpu.enqueue_indirect_dma source(%dma_start3A_320 : memref<100000x128xf32, #tpu.memory_space<hbm>>) target(%arg9 : memref<80x128xf32, #tpu.memory_space<vmem>>) offsets(%dma_start3A_317 : memref<80xi32, #tpu.memory_space<vmem>>) semaphore(%arg19 : memref<!tpu.dma_semaphore, #tpu.memory_space<semaphore_mem>>)
      } else {
      }
      %add3A_193 = arith.constant 4 : i32
      %add3A_194 = arith.addi %add3A_77, %add3A_193 : i32
      %dma_wait3A_195 = arith.constant 0 : i32
      %dma_wait3A_196 = tpu.memref_slice %arg5[%add3A_194, %dma_wait3A_195] : memref<80x80xi32, #tpu.memory_space<vmem>> -> memref<1x80xi32, #tpu.memory_space<vmem>>
      %dma_wait3A_197 = tpu.memref_squeeze %dma_wait3A_196 : memref<1x80xi32, #tpu.memory_space<vmem>> -> memref<80xi32, #tpu.memory_space<vmem>>
      %dma_wait3A_198 = arith.constant 0 : i32
      %dma_wait3A_199 = arith.constant 0 : i32
      %dma_wait3A_200 = tpu.memref_slice %arg3[%dma_wait3A_198, %dma_wait3A_199] : memref<100000x128xf32, #tpu.memory_space<hbm>> -> memref<100000x128xf32, #tpu.memory_space<hbm>>
      tpu.wait_indirect_dma semaphore(%arg20 : memref<!tpu.dma_semaphore, #tpu.memory_space<semaphore_mem>>) src(%dma_wait3A_200 : memref<100000x128xf32, #tpu.memory_space<hbm>>) dst(%arg10 : memref<80x128xf32, #tpu.memory_space<vmem>>)
      %ge3A_201 = arith.constant 2 : i32
      %ge3A_202 = arith.cmpi sge, %add3A_194, %ge3A_201 : i32
      %convert_element_type3A_203 = arith.extui %ge3A_202 : i1 to i32
      %cond3A_204 = arith.constant 0 : i32
      %cond3A_205 = arith.cmpi ne, %convert_element_type3A_203, %cond3A_204 : i32
      scf.if %cond3A_205 {
        %sub3A = arith.constant 2 : i32
        %sub3A_313 = arith.subi %add3A_194, %sub3A : i32
        %mul3A_314 = arith.constant 80 : i32
        %mul3A_315 = arith.muli %sub3A_313, %mul3A_314 : i32
        %add3A_316 = arith.addi %mul3A_2, %mul3A_315 : i32
        %dma_wait3A_317 = arith.constant 0 : i32
        %dma_wait3A_318 = tpu.memref_slice %arg4[%add3A_316, %dma_wait3A_317] : memref<204800x128xf32, #tpu.memory_space<hbm>> -> memref<80x128xf32, #tpu.memory_space<hbm>>
        %dma_wait3A_319 = arith.constant 0 : i32
        %dma_wait3A_320 = tpu.memref_slice %arg4[%add3A_316, %dma_wait3A_319] : memref<204800x128xf32, #tpu.memory_space<hbm>> -> memref<80x128xf32, #tpu.memory_space<hbm>>
        tpu.wait_dma2 semaphore(%arg24 : memref<!tpu.dma_semaphore, #tpu.memory_space<semaphore_mem>>) src(%arg14 : memref<80x128xf32, #tpu.memory_space<vmem>>) dst(%dma_wait3A_320 : memref<80x128xf32, #tpu.memory_space<hbm>>)
      } else {
      }
      %parallel_loop3A_206 = arith.constant 0 : i32
      %parallel_loop3A_207 = arith.constant 80 : i32
      %parallel_loop3A_208 = arith.constant 1 : i32
      scf.for %parallel_loop3A_313 = %parallel_loop3A_206 to %parallel_loop3A_207 step %parallel_loop3A_208  : i32 {
        %parallel_loop3A_314 = arith.index_cast %parallel_loop3A_313 : i32 to index
        %parallel_loop3A_315 = arith.constant 0 : index
        %parallel_loop3A_316 = tpu.vector_load %arg10[%parallel_loop3A_314, %parallel_loop3A_315] {strides = array<i32>} : memref<80x128xf32, #tpu.memory_space<vmem>>, vector<1x16xf32>,
        %parallel_loop3A_317 = vector.shape_cast %parallel_loop3A_316 : vector<1x16xf32> to vector<16xf32>
        %parallel_loop3A_318 = arith.constant 11.3137083 : f32
        %parallel_loop3A_319 = vector.broadcast %parallel_loop3A_318 : f32 to vector<16xf32>
        %parallel_loop3A_320 = arith.mulf %parallel_loop3A_317, %parallel_loop3A_319 : vector<16xf32>
        %parallel_loop3A_321 = arith.index_cast %parallel_loop3A_313 : i32 to index
        %parallel_loop3A_322 = arith.constant 0 : index
        %parallel_loop3A_323 = tpu.vector_load %arg14[%parallel_loop3A_321, %parallel_loop3A_322] {strides = array<i32>} : memref<80x128xf32, #tpu.memory_space<vmem>>, vector<1x16xf32>,
        %parallel_loop3A_324 = vector.shape_cast %parallel_loop3A_323 : vector<1x16xf32> to vector<16xf32>
        %parallel_loop3A_325 = vector.shape_cast %parallel_loop3A_320 : vector<16xf32> to vector<1x16xf32>
        tpu.vector_store %arg14[%parallel_loop3A_321, %parallel_loop3A_322], %parallel_loop3A_325 {strides = array<i32>} : memref<80x128xf32, #tpu.memory_space<vmem>>, vector<1x16xf32>,
        %parallel_loop3A_326 = arith.index_cast %parallel_loop3A_313 : i32 to index
        %parallel_loop3A_327 = arith.constant 16 : index
        %parallel_loop3A_328 = tpu.vector_load %arg10[%parallel_loop3A_326, %parallel_loop3A_327] {strides = array<i32>} : memref<80x128xf32, #tpu.memory_space<vmem>>, vector<1x16xf32>,
        %parallel_loop3A_329 = vector.shape_cast %parallel_loop3A_328 : vector<1x16xf32> to vector<16xf32>
        %parallel_loop3A_330 = arith.constant 11.3137083 : f32
        %parallel_loop3A_331 = vector.broadcast %parallel_loop3A_330 : f32 to vector<16xf32>
        %parallel_loop3A_332 = arith.mulf %parallel_loop3A_329, %parallel_loop3A_331 : vector<16xf32>
        %parallel_loop3A_333 = arith.index_cast %parallel_loop3A_313 : i32 to index
        %parallel_loop3A_334 = arith.constant 16 : index
        %parallel_loop3A_335 = tpu.vector_load %arg14[%parallel_loop3A_333, %parallel_loop3A_334] {strides = array<i32>} : memref<80x128xf32, #tpu.memory_space<vmem>>, vector<1x16xf32>,
        %parallel_loop3A_336 = vector.shape_cast %parallel_loop3A_335 : vector<1x16xf32> to vector<16xf32>
        %parallel_loop3A_337 = vector.shape_cast %parallel_loop3A_332 : vector<16xf32> to vector<1x16xf32>
        tpu.vector_store %arg14[%parallel_loop3A_333, %parallel_loop3A_334], %parallel_loop3A_337 {strides = array<i32>} : memref<80x128xf32, #tpu.memory_space<vmem>>, vector<1x16xf32>,
        %parallel_loop3A_338 = arith.index_cast %parallel_loop3A_313 : i32 to index
        %parallel_loop3A_339 = arith.constant 32 : index
        %parallel_loop3A_340 = tpu.vector_load %arg10[%parallel_loop3A_338, %parallel_loop3A_339] {strides = array<i32>} : memref<80x128xf32, #tpu.memory_space<vmem>>, vector<1x16xf32>,
        %parallel_loop3A_341 = vector.shape_cast %parallel_loop3A_340 : vector<1x16xf32> to vector<16xf32>
        %parallel_loop3A_342 = arith.constant 11.3137083 : f32
        %parallel_loop3A_343 = vector.broadcast %parallel_loop3A_342 : f32 to vector<16xf32>
        %parallel_loop3A_344 = arith.mulf %parallel_loop3A_341, %parallel_loop3A_343 : vector<16xf32>
        %parallel_loop3A_345 = arith.index_cast %parallel_loop3A_313 : i32 to index
        %parallel_loop3A_346 = arith.constant 32 : index
        %parallel_loop3A_347 = tpu.vector_load %arg14[%parallel_loop3A_345, %parallel_loop3A_346] {strides = array<i32>} : memref<80x128xf32, #tpu.memory_space<vmem>>, vector<1x16xf32>,
        %parallel_loop3A_348 = vector.shape_cast %parallel_loop3A_347 : vector<1x16xf32> to vector<16xf32>
        %parallel_loop3A_349 = vector.shape_cast %parallel_loop3A_344 : vector<16xf32> to vector<1x16xf32>
        tpu.vector_store %arg14[%parallel_loop3A_345, %parallel_loop3A_346], %parallel_loop3A_349 {strides = array<i32>} : memref<80x128xf32, #tpu.memory_space<vmem>>, vector<1x16xf32>,
        %parallel_loop3A_350 = arith.index_cast %parallel_loop3A_313 : i32 to index
        %parallel_loop3A_351 = arith.constant 48 : index
        %parallel_loop3A_352 = tpu.vector_load %arg10[%parallel_loop3A_350, %parallel_loop3A_351] {strides = array<i32>} : memref<80x128xf32, #tpu.memory_space<vmem>>, vector<1x16xf32>,
        %parallel_loop3A_353 = vector.shape_cast %parallel_loop3A_352 : vector<1x16xf32> to vector<16xf32>
        %parallel_loop3A_354 = arith.constant 11.3137083 : f32
        %parallel_loop3A_355 = vector.broadcast %parallel_loop3A_354 : f32 to vector<16xf32>
        %parallel_loop3A_356 = arith.mulf %parallel_loop3A_353, %parallel_loop3A_355 : vector<16xf32>
        %parallel_loop3A_357 = arith.index_cast %parallel_loop3A_313 : i32 to index
        %parallel_loop3A_358 = arith.constant 48 : index
        %parallel_loop3A_359 = tpu.vector_load %arg14[%parallel_loop3A_357, %parallel_loop3A_358] {strides = array<i32>} : memref<80x128xf32, #tpu.memory_space<vmem>>, vector<1x16xf32>,
        %parallel_loop3A_360 = vector.shape_cast %parallel_loop3A_359 : vector<1x16xf32> to vector<16xf32>
        %parallel_loop3A_361 = vector.shape_cast %parallel_loop3A_356 : vector<16xf32> to vector<1x16xf32>
        tpu.vector_store %arg14[%parallel_loop3A_357, %parallel_loop3A_358], %parallel_loop3A_361 {strides = array<i32>} : memref<80x128xf32, #tpu.memory_space<vmem>>, vector<1x16xf32>,
        %parallel_loop3A_362 = arith.index_cast %parallel_loop3A_313 : i32 to index
        %parallel_loop3A_363 = arith.constant 64 : index
        %parallel_loop3A_364 = tpu.vector_load %arg10[%parallel_loop3A_362, %parallel_loop3A_363] {strides = array<i32>} : memref<80x128xf32, #tpu.memory_space<vmem>>, vector<1x16xf32>,
        %parallel_loop3A_365 = vector.shape_cast %parallel_loop3A_364 : vector<1x16xf32> to vector<16xf32>
        %parallel_loop3A_366 = arith.constant 11.3137083 : f32
        %parallel_loop3A_367 = vector.broadcast %parallel_loop3A_366 : f32 to vector<16xf32>
        %parallel_loop3A_368 = arith.mulf %parallel_loop3A_365, %parallel_loop3A_367 : vector<16xf32>
        %parallel_loop3A_369 = arith.index_cast %parallel_loop3A_313 : i32 to index
        %parallel_loop3A_370 = arith.constant 64 : index
        %parallel_loop3A_371 = tpu.vector_load %arg14[%parallel_loop3A_369, %parallel_loop3A_370] {strides = array<i32>} : memref<80x128xf32, #tpu.memory_space<vmem>>, vector<1x16xf32>,
        %parallel_loop3A_372 = vector.shape_cast %parallel_loop3A_371 : vector<1x16xf32> to vector<16xf32>
        %parallel_loop3A_373 = vector.shape_cast %parallel_loop3A_368 : vector<16xf32> to vector<1x16xf32>
        tpu.vector_store %arg14[%parallel_loop3A_369, %parallel_loop3A_370], %parallel_loop3A_373 {strides = array<i32>} : memref<80x128xf32, #tpu.memory_space<vmem>>, vector<1x16xf32>,
        %parallel_loop3A_374 = arith.index_cast %parallel_loop3A_313 : i32 to index
        %parallel_loop3A_375 = arith.constant 80 : index
        %parallel_loop3A_376 = tpu.vector_load %arg10[%parallel_loop3A_374, %parallel_loop3A_375] {strides = array<i32>} : memref<80x128xf32, #tpu.memory_space<vmem>>, vector<1x16xf32>,
        %parallel_loop3A_377 = vector.shape_cast %parallel_loop3A_376 : vector<1x16xf32> to vector<16xf32>
        %parallel_loop3A_378 = arith.constant 11.3137083 : f32
        %parallel_loop3A_379 = vector.broadcast %parallel_loop3A_378 : f32 to vector<16xf32>
        %parallel_loop3A_380 = arith.mulf %parallel_loop3A_377, %parallel_loop3A_379 : vector<16xf32>
        %parallel_loop3A_381 = arith.index_cast %parallel_loop3A_313 : i32 to index
        %parallel_loop3A_382 = arith.constant 80 : index
        %parallel_loop3A_383 = tpu.vector_load %arg14[%parallel_loop3A_381, %parallel_loop3A_382] {strides = array<i32>} : memref<80x128xf32, #tpu.memory_space<vmem>>, vector<1x16xf32>,
        %parallel_loop3A_384 = vector.shape_cast %parallel_loop3A_383 : vector<1x16xf32> to vector<16xf32>
        %parallel_loop3A_385 = vector.shape_cast %parallel_loop3A_380 : vector<16xf32> to vector<1x16xf32>
        tpu.vector_store %arg14[%parallel_loop3A_381, %parallel_loop3A_382], %parallel_loop3A_385 {strides = array<i32>} : memref<80x128xf32, #tpu.memory_space<vmem>>, vector<1x16xf32>,
        %parallel_loop3A_386 = arith.index_cast %parallel_loop3A_313 : i32 to index
        %parallel_loop3A_387 = arith.constant 96 : index
        %parallel_loop3A_388 = tpu.vector_load %arg10[%parallel_loop3A_386, %parallel_loop3A_387] {strides = array<i32>} : memref<80x128xf32, #tpu.memory_space<vmem>>, vector<1x16xf32>,
        %parallel_loop3A_389 = vector.shape_cast %parallel_loop3A_388 : vector<1x16xf32> to vector<16xf32>
        %parallel_loop3A_390 = arith.constant 11.3137083 : f32
        %parallel_loop3A_391 = vector.broadcast %parallel_loop3A_390 : f32 to vector<16xf32>
        %parallel_loop3A_392 = arith.mulf %parallel_loop3A_389, %parallel_loop3A_391 : vector<16xf32>
        %parallel_loop3A_393 = arith.index_cast %parallel_loop3A_313 : i32 to index
        %parallel_loop3A_394 = arith.constant 96 : index
        %parallel_loop3A_395 = tpu.vector_load %arg14[%parallel_loop3A_393, %parallel_loop3A_394] {strides = array<i32>} : memref<80x128xf32, #tpu.memory_space<vmem>>, vector<1x16xf32>,
        %parallel_loop3A_396 = vector.shape_cast %parallel_loop3A_395 : vector<1x16xf32> to vector<16xf32>
        %parallel_loop3A_397 = vector.shape_cast %parallel_loop3A_392 : vector<16xf32> to vector<1x16xf32>
        tpu.vector_store %arg14[%parallel_loop3A_393, %parallel_loop3A_394], %parallel_loop3A_397 {strides = array<i32>} : memref<80x128xf32, #tpu.memory_space<vmem>>, vector<1x16xf32>,
        %parallel_loop3A_398 = arith.index_cast %parallel_loop3A_313 : i32 to index
        %parallel_loop3A_399 = arith.constant 112 : index
        %parallel_loop3A_400 = tpu.vector_load %arg10[%parallel_loop3A_398, %parallel_loop3A_399] {strides = array<i32>} : memref<80x128xf32, #tpu.memory_space<vmem>>, vector<1x16xf32>,
        %parallel_loop3A_401 = vector.shape_cast %parallel_loop3A_400 : vector<1x16xf32> to vector<16xf32>
        %parallel_loop3A_402 = arith.constant 11.3137083 : f32
        %parallel_loop3A_403 = vector.broadcast %parallel_loop3A_402 : f32 to vector<16xf32>
        %parallel_loop3A_404 = arith.mulf %parallel_loop3A_401, %parallel_loop3A_403 : vector<16xf32>
        %parallel_loop3A_405 = arith.index_cast %parallel_loop3A_313 : i32 to index
        %parallel_loop3A_406 = arith.constant 112 : index
        %parallel_loop3A_407 = tpu.vector_load %arg14[%parallel_loop3A_405, %parallel_loop3A_406] {strides = array<i32>} : memref<80x128xf32, #tpu.memory_space<vmem>>, vector<1x16xf32>,
        %parallel_loop3A_408 = vector.shape_cast %parallel_loop3A_407 : vector<1x16xf32> to vector<16xf32>
        %parallel_loop3A_409 = vector.shape_cast %parallel_loop3A_404 : vector<16xf32> to vector<1x16xf32>
        tpu.vector_store %arg14[%parallel_loop3A_405, %parallel_loop3A_406], %parallel_loop3A_409 {strides = array<i32>} : memref<80x128xf32, #tpu.memory_space<vmem>>, vector<1x16xf32>,
      } {sc.loop_unroll_factor = 4 : i64, sc.parallel_access}
      %mul3A_209 = arith.constant 80 : i32
      %mul3A_210 = arith.muli %add3A_194, %mul3A_209 : i32
      %add3A_211 = arith.addi %mul3A_2, %mul3A_210 : i32
      %dma_start3A_212 = arith.constant 0 : i32
      %dma_start3A_213 = tpu.memref_slice %arg4[%add3A_211, %dma_start3A_212] : memref<204800x128xf32, #tpu.memory_space<hbm>> -> memref<80x128xf32, #tpu.memory_space<hbm>>
      %dma_start3A_214 = arith.constant 0 : i32
      %dma_start3A_215 = tpu.memref_slice %arg4[%add3A_211, %dma_start3A_214] : memref<204800x128xf32, #tpu.memory_space<hbm>> -> memref<80x128xf32, #tpu.memory_space<hbm>>
      tpu.enqueue_dma source(%arg14 : memref<80x128xf32, #tpu.memory_space<vmem>>) target(%dma_start3A_215 : memref<80x128xf32, #tpu.memory_space<hbm>>) target_semaphore(%arg24 : memref<!tpu.dma_semaphore, #tpu.memory_space<semaphore_mem>>)
      %add3A_216 = arith.constant 8 : i32
      %add3A_217 = arith.addi %add3A_194, %add3A_216 : i32
      %lt3A_218 = arith.constant 80 : i32
      %lt3A_219 = arith.cmpi slt, %add3A_217, %lt3A_218 : i32
      %convert_element_type3A_220 = arith.extui %lt3A_219 : i1 to i32
      %cond3A_221 = arith.constant 0 : i32
      %cond3A_222 = arith.cmpi ne, %convert_element_type3A_220, %cond3A_221 : i32
      scf.if %cond3A_222 {
        %add3A_313 = arith.constant 8 : i32
        %add3A_314 = arith.addi %add3A_194, %add3A_313 : i32
        %dma_start3A_315 = arith.constant 0 : i32
        %dma_start3A_316 = tpu.memref_slice %arg5[%add3A_314, %dma_start3A_315] : memref<80x80xi32, #tpu.memory_space<vmem>> -> memref<1x80xi32, #tpu.memory_space<vmem>>
        %dma_start3A_317 = tpu.memref_squeeze %dma_start3A_316 : memref<1x80xi32, #tpu.memory_space<vmem>> -> memref<80xi32, #tpu.memory_space<vmem>>
        %dma_start3A_318 = arith.constant 0 : i32
        %dma_start3A_319 = arith.constant 0 : i32
        %dma_start3A_320 = tpu.memref_slice %arg3[%dma_start3A_318, %dma_start3A_319] : memref<100000x128xf32, #tpu.memory_space<hbm>> -> memref<100000x128xf32, #tpu.memory_space<hbm>>
        tpu.enqueue_indirect_dma source(%dma_start3A_320 : memref<100000x128xf32, #tpu.memory_space<hbm>>) target(%arg10 : memref<80x128xf32, #tpu.memory_space<vmem>>) offsets(%dma_start3A_317 : memref<80xi32, #tpu.memory_space<vmem>>) semaphore(%arg20 : memref<!tpu.dma_semaphore, #tpu.memory_space<semaphore_mem>>)
      } else {
      }
      %add3A_223 = arith.constant 5 : i32
      %add3A_224 = arith.addi %add3A_77, %add3A_223 : i32
      %dma_wait3A_225 = arith.constant 0 : i32
      %dma_wait3A_226 = tpu.memref_slice %arg5[%add3A_224, %dma_wait3A_225] : memref<80x80xi32, #tpu.memory_space<vmem>> -> memref<1x80xi32, #tpu.memory_space<vmem>>
      %dma_wait3A_227 = tpu.memref_squeeze %dma_wait3A_226 : memref<1x80xi32, #tpu.memory_space<vmem>> -> memref<80xi32, #tpu.memory_space<vmem>>
      %dma_wait3A_228 = arith.constant 0 : i32
      %dma_wait3A_229 = arith.constant 0 : i32
      %dma_wait3A_230 = tpu.memref_slice %arg3[%dma_wait3A_228, %dma_wait3A_229] : memref<100000x128xf32, #tpu.memory_space<hbm>> -> memref<100000x128xf32, #tpu.memory_space<hbm>>
      tpu.wait_indirect_dma semaphore(%arg21 : memref<!tpu.dma_semaphore, #tpu.memory_space<semaphore_mem>>) src(%dma_wait3A_230 : memref<100000x128xf32, #tpu.memory_space<hbm>>) dst(%arg11 : memref<80x128xf32, #tpu.memory_space<vmem>>)
      %ge3A_231 = arith.constant 2 : i32
      %ge3A_232 = arith.cmpi sge, %add3A_224, %ge3A_231 : i32
      %convert_element_type3A_233 = arith.extui %ge3A_232 : i1 to i32
      %cond3A_234 = arith.constant 0 : i32
      %cond3A_235 = arith.cmpi ne, %convert_element_type3A_233, %cond3A_234 : i32
      scf.if %cond3A_235 {
        %sub3A = arith.constant 2 : i32
        %sub3A_313 = arith.subi %add3A_224, %sub3A : i32
        %mul3A_314 = arith.constant 80 : i32
        %mul3A_315 = arith.muli %sub3A_313, %mul3A_314 : i32
        %add3A_316 = arith.addi %mul3A_2, %mul3A_315 : i32
        %dma_wait3A_317 = arith.constant 0 : i32
        %dma_wait3A_318 = tpu.memref_slice %arg4[%add3A_316, %dma_wait3A_317] : memref<204800x128xf32, #tpu.memory_space<hbm>> -> memref<80x128xf32, #tpu.memory_space<hbm>>
        %dma_wait3A_319 = arith.constant 0 : i32
        %dma_wait3A_320 = tpu.memref_slice %arg4[%add3A_316, %dma_wait3A_319] : memref<204800x128xf32, #tpu.memory_space<hbm>> -> memref<80x128xf32, #tpu.memory_space<hbm>>
        tpu.wait_dma2 semaphore(%arg25 : memref<!tpu.dma_semaphore, #tpu.memory_space<semaphore_mem>>) src(%arg15 : memref<80x128xf32, #tpu.memory_space<vmem>>) dst(%dma_wait3A_320 : memref<80x128xf32, #tpu.memory_space<hbm>>)
      } else {
      }
      %parallel_loop3A_236 = arith.constant 0 : i32
      %parallel_loop3A_237 = arith.constant 80 : i32
      %parallel_loop3A_238 = arith.constant 1 : i32
      scf.for %parallel_loop3A_313 = %parallel_loop3A_236 to %parallel_loop3A_237 step %parallel_loop3A_238  : i32 {
        %parallel_loop3A_314 = arith.index_cast %parallel_loop3A_313 : i32 to index
        %parallel_loop3A_315 = arith.constant 0 : index
        %parallel_loop3A_316 = tpu.vector_load %arg11[%parallel_loop3A_314, %parallel_loop3A_315] {strides = array<i32>} : memref<80x128xf32, #tpu.memory_space<vmem>>, vector<1x16xf32>,
        %parallel_loop3A_317 = vector.shape_cast %parallel_loop3A_316 : vector<1x16xf32> to vector<16xf32>
        %parallel_loop3A_318 = arith.constant 11.3137083 : f32
        %parallel_loop3A_319 = vector.broadcast %parallel_loop3A_318 : f32 to vector<16xf32>
        %parallel_loop3A_320 = arith.mulf %parallel_loop3A_317, %parallel_loop3A_319 : vector<16xf32>
        %parallel_loop3A_321 = arith.index_cast %parallel_loop3A_313 : i32 to index
        %parallel_loop3A_322 = arith.constant 0 : index
        %parallel_loop3A_323 = tpu.vector_load %arg15[%parallel_loop3A_321, %parallel_loop3A_322] {strides = array<i32>} : memref<80x128xf32, #tpu.memory_space<vmem>>, vector<1x16xf32>,
        %parallel_loop3A_324 = vector.shape_cast %parallel_loop3A_323 : vector<1x16xf32> to vector<16xf32>
        %parallel_loop3A_325 = vector.shape_cast %parallel_loop3A_320 : vector<16xf32> to vector<1x16xf32>
        tpu.vector_store %arg15[%parallel_loop3A_321, %parallel_loop3A_322], %parallel_loop3A_325 {strides = array<i32>} : memref<80x128xf32, #tpu.memory_space<vmem>>, vector<1x16xf32>,
        %parallel_loop3A_326 = arith.index_cast %parallel_loop3A_313 : i32 to index
        %parallel_loop3A_327 = arith.constant 16 : index
        %parallel_loop3A_328 = tpu.vector_load %arg11[%parallel_loop3A_326, %parallel_loop3A_327] {strides = array<i32>} : memref<80x128xf32, #tpu.memory_space<vmem>>, vector<1x16xf32>,
        %parallel_loop3A_329 = vector.shape_cast %parallel_loop3A_328 : vector<1x16xf32> to vector<16xf32>
        %parallel_loop3A_330 = arith.constant 11.3137083 : f32
        %parallel_loop3A_331 = vector.broadcast %parallel_loop3A_330 : f32 to vector<16xf32>
        %parallel_loop3A_332 = arith.mulf %parallel_loop3A_329, %parallel_loop3A_331 : vector<16xf32>
        %parallel_loop3A_333 = arith.index_cast %parallel_loop3A_313 : i32 to index
        %parallel_loop3A_334 = arith.constant 16 : index
        %parallel_loop3A_335 = tpu.vector_load %arg15[%parallel_loop3A_333, %parallel_loop3A_334] {strides = array<i32>} : memref<80x128xf32, #tpu.memory_space<vmem>>, vector<1x16xf32>,
        %parallel_loop3A_336 = vector.shape_cast %parallel_loop3A_335 : vector<1x16xf32> to vector<16xf32>
        %parallel_loop3A_337 = vector.shape_cast %parallel_loop3A_332 : vector<16xf32> to vector<1x16xf32>
        tpu.vector_store %arg15[%parallel_loop3A_333, %parallel_loop3A_334], %parallel_loop3A_337 {strides = array<i32>} : memref<80x128xf32, #tpu.memory_space<vmem>>, vector<1x16xf32>,
        %parallel_loop3A_338 = arith.index_cast %parallel_loop3A_313 : i32 to index
        %parallel_loop3A_339 = arith.constant 32 : index
        %parallel_loop3A_340 = tpu.vector_load %arg11[%parallel_loop3A_338, %parallel_loop3A_339] {strides = array<i32>} : memref<80x128xf32, #tpu.memory_space<vmem>>, vector<1x16xf32>,
        %parallel_loop3A_341 = vector.shape_cast %parallel_loop3A_340 : vector<1x16xf32> to vector<16xf32>
        %parallel_loop3A_342 = arith.constant 11.3137083 : f32
        %parallel_loop3A_343 = vector.broadcast %parallel_loop3A_342 : f32 to vector<16xf32>
        %parallel_loop3A_344 = arith.mulf %parallel_loop3A_341, %parallel_loop3A_343 : vector<16xf32>
        %parallel_loop3A_345 = arith.index_cast %parallel_loop3A_313 : i32 to index
        %parallel_loop3A_346 = arith.constant 32 : index
        %parallel_loop3A_347 = tpu.vector_load %arg15[%parallel_loop3A_345, %parallel_loop3A_346] {strides = array<i32>} : memref<80x128xf32, #tpu.memory_space<vmem>>, vector<1x16xf32>,
        %parallel_loop3A_348 = vector.shape_cast %parallel_loop3A_347 : vector<1x16xf32> to vector<16xf32>
        %parallel_loop3A_349 = vector.shape_cast %parallel_loop3A_344 : vector<16xf32> to vector<1x16xf32>
        tpu.vector_store %arg15[%parallel_loop3A_345, %parallel_loop3A_346], %parallel_loop3A_349 {strides = array<i32>} : memref<80x128xf32, #tpu.memory_space<vmem>>, vector<1x16xf32>,
        %parallel_loop3A_350 = arith.index_cast %parallel_loop3A_313 : i32 to index
        %parallel_loop3A_351 = arith.constant 48 : index
        %parallel_loop3A_352 = tpu.vector_load %arg11[%parallel_loop3A_350, %parallel_loop3A_351] {strides = array<i32>} : memref<80x128xf32, #tpu.memory_space<vmem>>, vector<1x16xf32>,
        %parallel_loop3A_353 = vector.shape_cast %parallel_loop3A_352 : vector<1x16xf32> to vector<16xf32>
        %parallel_loop3A_354 = arith.constant 11.3137083 : f32
        %parallel_loop3A_355 = vector.broadcast %parallel_loop3A_354 : f32 to vector<16xf32>
        %parallel_loop3A_356 = arith.mulf %parallel_loop3A_353, %parallel_loop3A_355 : vector<16xf32>
        %parallel_loop3A_357 = arith.index_cast %parallel_loop3A_313 : i32 to index
        %parallel_loop3A_358 = arith.constant 48 : index
        %parallel_loop3A_359 = tpu.vector_load %arg15[%parallel_loop3A_357, %parallel_loop3A_358] {strides = array<i32>} : memref<80x128xf32, #tpu.memory_space<vmem>>, vector<1x16xf32>,
        %parallel_loop3A_360 = vector.shape_cast %parallel_loop3A_359 : vector<1x16xf32> to vector<16xf32>
        %parallel_loop3A_361 = vector.shape_cast %parallel_loop3A_356 : vector<16xf32> to vector<1x16xf32>
        tpu.vector_store %arg15[%parallel_loop3A_357, %parallel_loop3A_358], %parallel_loop3A_361 {strides = array<i32>} : memref<80x128xf32, #tpu.memory_space<vmem>>, vector<1x16xf32>,
        %parallel_loop3A_362 = arith.index_cast %parallel_loop3A_313 : i32 to index
        %parallel_loop3A_363 = arith.constant 64 : index
        %parallel_loop3A_364 = tpu.vector_load %arg11[%parallel_loop3A_362, %parallel_loop3A_363] {strides = array<i32>} : memref<80x128xf32, #tpu.memory_space<vmem>>, vector<1x16xf32>,
        %parallel_loop3A_365 = vector.shape_cast %parallel_loop3A_364 : vector<1x16xf32> to vector<16xf32>
        %parallel_loop3A_366 = arith.constant 11.3137083 : f32
        %parallel_loop3A_367 = vector.broadcast %parallel_loop3A_366 : f32 to vector<16xf32>
        %parallel_loop3A_368 = arith.mulf %parallel_loop3A_365, %parallel_loop3A_367 : vector<16xf32>
        %parallel_loop3A_369 = arith.index_cast %parallel_loop3A_313 : i32 to index
        %parallel_loop3A_370 = arith.constant 64 : index
        %parallel_loop3A_371 = tpu.vector_load %arg15[%parallel_loop3A_369, %parallel_loop3A_370] {strides = array<i32>} : memref<80x128xf32, #tpu.memory_space<vmem>>, vector<1x16xf32>,
        %parallel_loop3A_372 = vector.shape_cast %parallel_loop3A_371 : vector<1x16xf32> to vector<16xf32>
        %parallel_loop3A_373 = vector.shape_cast %parallel_loop3A_368 : vector<16xf32> to vector<1x16xf32>
        tpu.vector_store %arg15[%parallel_loop3A_369, %parallel_loop3A_370], %parallel_loop3A_373 {strides = array<i32>} : memref<80x128xf32, #tpu.memory_space<vmem>>, vector<1x16xf32>,
        %parallel_loop3A_374 = arith.index_cast %parallel_loop3A_313 : i32 to index
        %parallel_loop3A_375 = arith.constant 80 : index
        %parallel_loop3A_376 = tpu.vector_load %arg11[%parallel_loop3A_374, %parallel_loop3A_375] {strides = array<i32>} : memref<80x128xf32, #tpu.memory_space<vmem>>, vector<1x16xf32>,
        %parallel_loop3A_377 = vector.shape_cast %parallel_loop3A_376 : vector<1x16xf32> to vector<16xf32>
        %parallel_loop3A_378 = arith.constant 11.3137083 : f32
        %parallel_loop3A_379 = vector.broadcast %parallel_loop3A_378 : f32 to vector<16xf32>
        %parallel_loop3A_380 = arith.mulf %parallel_loop3A_377, %parallel_loop3A_379 : vector<16xf32>
        %parallel_loop3A_381 = arith.index_cast %parallel_loop3A_313 : i32 to index
        %parallel_loop3A_382 = arith.constant 80 : index
        %parallel_loop3A_383 = tpu.vector_load %arg15[%parallel_loop3A_381, %parallel_loop3A_382] {strides = array<i32>} : memref<80x128xf32, #tpu.memory_space<vmem>>, vector<1x16xf32>,
        %parallel_loop3A_384 = vector.shape_cast %parallel_loop3A_383 : vector<1x16xf32> to vector<16xf32>
        %parallel_loop3A_385 = vector.shape_cast %parallel_loop3A_380 : vector<16xf32> to vector<1x16xf32>
        tpu.vector_store %arg15[%parallel_loop3A_381, %parallel_loop3A_382], %parallel_loop3A_385 {strides = array<i32>} : memref<80x128xf32, #tpu.memory_space<vmem>>, vector<1x16xf32>,
        %parallel_loop3A_386 = arith.index_cast %parallel_loop3A_313 : i32 to index
        %parallel_loop3A_387 = arith.constant 96 : index
        %parallel_loop3A_388 = tpu.vector_load %arg11[%parallel_loop3A_386, %parallel_loop3A_387] {strides = array<i32>} : memref<80x128xf32, #tpu.memory_space<vmem>>, vector<1x16xf32>,
        %parallel_loop3A_389 = vector.shape_cast %parallel_loop3A_388 : vector<1x16xf32> to vector<16xf32>
        %parallel_loop3A_390 = arith.constant 11.3137083 : f32
        %parallel_loop3A_391 = vector.broadcast %parallel_loop3A_390 : f32 to vector<16xf32>
        %parallel_loop3A_392 = arith.mulf %parallel_loop3A_389, %parallel_loop3A_391 : vector<16xf32>
        %parallel_loop3A_393 = arith.index_cast %parallel_loop3A_313 : i32 to index
        %parallel_loop3A_394 = arith.constant 96 : index
        %parallel_loop3A_395 = tpu.vector_load %arg15[%parallel_loop3A_393, %parallel_loop3A_394] {strides = array<i32>} : memref<80x128xf32, #tpu.memory_space<vmem>>, vector<1x16xf32>,
        %parallel_loop3A_396 = vector.shape_cast %parallel_loop3A_395 : vector<1x16xf32> to vector<16xf32>
        %parallel_loop3A_397 = vector.shape_cast %parallel_loop3A_392 : vector<16xf32> to vector<1x16xf32>
        tpu.vector_store %arg15[%parallel_loop3A_393, %parallel_loop3A_394], %parallel_loop3A_397 {strides = array<i32>} : memref<80x128xf32, #tpu.memory_space<vmem>>, vector<1x16xf32>,
        %parallel_loop3A_398 = arith.index_cast %parallel_loop3A_313 : i32 to index
        %parallel_loop3A_399 = arith.constant 112 : index
        %parallel_loop3A_400 = tpu.vector_load %arg11[%parallel_loop3A_398, %parallel_loop3A_399] {strides = array<i32>} : memref<80x128xf32, #tpu.memory_space<vmem>>, vector<1x16xf32>,
        %parallel_loop3A_401 = vector.shape_cast %parallel_loop3A_400 : vector<1x16xf32> to vector<16xf32>
        %parallel_loop3A_402 = arith.constant 11.3137083 : f32
        %parallel_loop3A_403 = vector.broadcast %parallel_loop3A_402 : f32 to vector<16xf32>
        %parallel_loop3A_404 = arith.mulf %parallel_loop3A_401, %parallel_loop3A_403 : vector<16xf32>
        %parallel_loop3A_405 = arith.index_cast %parallel_loop3A_313 : i32 to index
        %parallel_loop3A_406 = arith.constant 112 : index
        %parallel_loop3A_407 = tpu.vector_load %arg15[%parallel_loop3A_405, %parallel_loop3A_406] {strides = array<i32>} : memref<80x128xf32, #tpu.memory_space<vmem>>, vector<1x16xf32>,
        %parallel_loop3A_408 = vector.shape_cast %parallel_loop3A_407 : vector<1x16xf32> to vector<16xf32>
        %parallel_loop3A_409 = vector.shape_cast %parallel_loop3A_404 : vector<16xf32> to vector<1x16xf32>
        tpu.vector_store %arg15[%parallel_loop3A_405, %parallel_loop3A_406], %parallel_loop3A_409 {strides = array<i32>} : memref<80x128xf32, #tpu.memory_space<vmem>>, vector<1x16xf32>,
      } {sc.loop_unroll_factor = 4 : i64, sc.parallel_access}
      %mul3A_239 = arith.constant 80 : i32
      %mul3A_240 = arith.muli %add3A_224, %mul3A_239 : i32
      %add3A_241 = arith.addi %mul3A_2, %mul3A_240 : i32
      %dma_start3A_242 = arith.constant 0 : i32
      %dma_start3A_243 = tpu.memref_slice %arg4[%add3A_241, %dma_start3A_242] : memref<204800x128xf32, #tpu.memory_space<hbm>> -> memref<80x128xf32, #tpu.memory_space<hbm>>
      %dma_start3A_244 = arith.constant 0 : i32
      %dma_start3A_245 = tpu.memref_slice %arg4[%add3A_241, %dma_start3A_244] : memref<204800x128xf32, #tpu.memory_space<hbm>> -> memref<80x128xf32, #tpu.memory_space<hbm>>
      tpu.enqueue_dma source(%arg15 : memref<80x128xf32, #tpu.memory_space<vmem>>) target(%dma_start3A_245 : memref<80x128xf32, #tpu.memory_space<hbm>>) target_semaphore(%arg25 : memref<!tpu.dma_semaphore, #tpu.memory_space<semaphore_mem>>)
      %add3A_246 = arith.constant 8 : i32
      %add3A_247 = arith.addi %add3A_224, %add3A_246 : i32
      %lt3A_248 = arith.constant 80 : i32
      %lt3A_249 = arith.cmpi slt, %add3A_247, %lt3A_248 : i32
      %convert_element_type3A_250 = arith.extui %lt3A_249 : i1 to i32
      %cond3A_251 = arith.constant 0 : i32
      %cond3A_252 = arith.cmpi ne, %convert_element_type3A_250, %cond3A_251 : i32
      scf.if %cond3A_252 {
        %add3A_313 = arith.constant 8 : i32
        %add3A_314 = arith.addi %add3A_224, %add3A_313 : i32
        %dma_start3A_315 = arith.constant 0 : i32
        %dma_start3A_316 = tpu.memref_slice %arg5[%add3A_314, %dma_start3A_315] : memref<80x80xi32, #tpu.memory_space<vmem>> -> memref<1x80xi32, #tpu.memory_space<vmem>>
        %dma_start3A_317 = tpu.memref_squeeze %dma_start3A_316 : memref<1x80xi32, #tpu.memory_space<vmem>> -> memref<80xi32, #tpu.memory_space<vmem>>
        %dma_start3A_318 = arith.constant 0 : i32
        %dma_start3A_319 = arith.constant 0 : i32
        %dma_start3A_320 = tpu.memref_slice %arg3[%dma_start3A_318, %dma_start3A_319] : memref<100000x128xf32, #tpu.memory_space<hbm>> -> memref<100000x128xf32, #tpu.memory_space<hbm>>
        tpu.enqueue_indirect_dma source(%dma_start3A_320 : memref<100000x128xf32, #tpu.memory_space<hbm>>) target(%arg11 : memref<80x128xf32, #tpu.memory_space<vmem>>) offsets(%dma_start3A_317 : memref<80xi32, #tpu.memory_space<vmem>>) semaphore(%arg21 : memref<!tpu.dma_semaphore, #tpu.memory_space<semaphore_mem>>)
      } else {
      }
      %add3A_253 = arith.constant 6 : i32
      %add3A_254 = arith.addi %add3A_77, %add3A_253 : i32
      %dma_wait3A_255 = arith.constant 0 : i32
      %dma_wait3A_256 = tpu.memref_slice %arg5[%add3A_254, %dma_wait3A_255] : memref<80x80xi32, #tpu.memory_space<vmem>> -> memref<1x80xi32, #tpu.memory_space<vmem>>
      %dma_wait3A_257 = tpu.memref_squeeze %dma_wait3A_256 : memref<1x80xi32, #tpu.memory_space<vmem>> -> memref<80xi32, #tpu.memory_space<vmem>>
      %dma_wait3A_258 = arith.constant 0 : i32
      %dma_wait3A_259 = arith.constant 0 : i32
      %dma_wait3A_260 = tpu.memref_slice %arg3[%dma_wait3A_258, %dma_wait3A_259] : memref<100000x128xf32, #tpu.memory_space<hbm>> -> memref<100000x128xf32, #tpu.memory_space<hbm>>
      tpu.wait_indirect_dma semaphore(%arg22 : memref<!tpu.dma_semaphore, #tpu.memory_space<semaphore_mem>>) src(%dma_wait3A_260 : memref<100000x128xf32, #tpu.memory_space<hbm>>) dst(%arg12 : memref<80x128xf32, #tpu.memory_space<vmem>>)
      %ge3A_261 = arith.constant 2 : i32
      %ge3A_262 = arith.cmpi sge, %add3A_254, %ge3A_261 : i32
      %convert_element_type3A_263 = arith.extui %ge3A_262 : i1 to i32
      %cond3A_264 = arith.constant 0 : i32
      %cond3A_265 = arith.cmpi ne, %convert_element_type3A_263, %cond3A_264 : i32
      scf.if %cond3A_265 {
        %sub3A = arith.constant 2 : i32
        %sub3A_313 = arith.subi %add3A_254, %sub3A : i32
        %mul3A_314 = arith.constant 80 : i32
        %mul3A_315 = arith.muli %sub3A_313, %mul3A_314 : i32
        %add3A_316 = arith.addi %mul3A_2, %mul3A_315 : i32
        %dma_wait3A_317 = arith.constant 0 : i32
        %dma_wait3A_318 = tpu.memref_slice %arg4[%add3A_316, %dma_wait3A_317] : memref<204800x128xf32, #tpu.memory_space<hbm>> -> memref<80x128xf32, #tpu.memory_space<hbm>>
        %dma_wait3A_319 = arith.constant 0 : i32
        %dma_wait3A_320 = tpu.memref_slice %arg4[%add3A_316, %dma_wait3A_319] : memref<204800x128xf32, #tpu.memory_space<hbm>> -> memref<80x128xf32, #tpu.memory_space<hbm>>
        tpu.wait_dma2 semaphore(%arg24 : memref<!tpu.dma_semaphore, #tpu.memory_space<semaphore_mem>>) src(%arg14 : memref<80x128xf32, #tpu.memory_space<vmem>>) dst(%dma_wait3A_320 : memref<80x128xf32, #tpu.memory_space<hbm>>)
      } else {
      }
      %parallel_loop3A_266 = arith.constant 0 : i32
      %parallel_loop3A_267 = arith.constant 80 : i32
      %parallel_loop3A_268 = arith.constant 1 : i32
      scf.for %parallel_loop3A_313 = %parallel_loop3A_266 to %parallel_loop3A_267 step %parallel_loop3A_268  : i32 {
        %parallel_loop3A_314 = arith.index_cast %parallel_loop3A_313 : i32 to index
        %parallel_loop3A_315 = arith.constant 0 : index
        %parallel_loop3A_316 = tpu.vector_load %arg12[%parallel_loop3A_314, %parallel_loop3A_315] {strides = array<i32>} : memref<80x128xf32, #tpu.memory_space<vmem>>, vector<1x16xf32>,
        %parallel_loop3A_317 = vector.shape_cast %parallel_loop3A_316 : vector<1x16xf32> to vector<16xf32>
        %parallel_loop3A_318 = arith.constant 11.3137083 : f32
        %parallel_loop3A_319 = vector.broadcast %parallel_loop3A_318 : f32 to vector<16xf32>
        %parallel_loop3A_320 = arith.mulf %parallel_loop3A_317, %parallel_loop3A_319 : vector<16xf32>
        %parallel_loop3A_321 = arith.index_cast %parallel_loop3A_313 : i32 to index
        %parallel_loop3A_322 = arith.constant 0 : index
        %parallel_loop3A_323 = tpu.vector_load %arg14[%parallel_loop3A_321, %parallel_loop3A_322] {strides = array<i32>} : memref<80x128xf32, #tpu.memory_space<vmem>>, vector<1x16xf32>,
        %parallel_loop3A_324 = vector.shape_cast %parallel_loop3A_323 : vector<1x16xf32> to vector<16xf32>
        %parallel_loop3A_325 = vector.shape_cast %parallel_loop3A_320 : vector<16xf32> to vector<1x16xf32>
        tpu.vector_store %arg14[%parallel_loop3A_321, %parallel_loop3A_322], %parallel_loop3A_325 {strides = array<i32>} : memref<80x128xf32, #tpu.memory_space<vmem>>, vector<1x16xf32>,
        %parallel_loop3A_326 = arith.index_cast %parallel_loop3A_313 : i32 to index
        %parallel_loop3A_327 = arith.constant 16 : index
        %parallel_loop3A_328 = tpu.vector_load %arg12[%parallel_loop3A_326, %parallel_loop3A_327] {strides = array<i32>} : memref<80x128xf32, #tpu.memory_space<vmem>>, vector<1x16xf32>,
        %parallel_loop3A_329 = vector.shape_cast %parallel_loop3A_328 : vector<1x16xf32> to vector<16xf32>
        %parallel_loop3A_330 = arith.constant 11.3137083 : f32
        %parallel_loop3A_331 = vector.broadcast %parallel_loop3A_330 : f32 to vector<16xf32>
        %parallel_loop3A_332 = arith.mulf %parallel_loop3A_329, %parallel_loop3A_331 : vector<16xf32>
        %parallel_loop3A_333 = arith.index_cast %parallel_loop3A_313 : i32 to index
        %parallel_loop3A_334 = arith.constant 16 : index
        %parallel_loop3A_335 = tpu.vector_load %arg14[%parallel_loop3A_333, %parallel_loop3A_334] {strides = array<i32>} : memref<80x128xf32, #tpu.memory_space<vmem>>, vector<1x16xf32>,
        %parallel_loop3A_336 = vector.shape_cast %parallel_loop3A_335 : vector<1x16xf32> to vector<16xf32>
        %parallel_loop3A_337 = vector.shape_cast %parallel_loop3A_332 : vector<16xf32> to vector<1x16xf32>
        tpu.vector_store %arg14[%parallel_loop3A_333, %parallel_loop3A_334], %parallel_loop3A_337 {strides = array<i32>} : memref<80x128xf32, #tpu.memory_space<vmem>>, vector<1x16xf32>,
        %parallel_loop3A_338 = arith.index_cast %parallel_loop3A_313 : i32 to index
        %parallel_loop3A_339 = arith.constant 32 : index
        %parallel_loop3A_340 = tpu.vector_load %arg12[%parallel_loop3A_338, %parallel_loop3A_339] {strides = array<i32>} : memref<80x128xf32, #tpu.memory_space<vmem>>, vector<1x16xf32>,
        %parallel_loop3A_341 = vector.shape_cast %parallel_loop3A_340 : vector<1x16xf32> to vector<16xf32>
        %parallel_loop3A_342 = arith.constant 11.3137083 : f32
        %parallel_loop3A_343 = vector.broadcast %parallel_loop3A_342 : f32 to vector<16xf32>
        %parallel_loop3A_344 = arith.mulf %parallel_loop3A_341, %parallel_loop3A_343 : vector<16xf32>
        %parallel_loop3A_345 = arith.index_cast %parallel_loop3A_313 : i32 to index
        %parallel_loop3A_346 = arith.constant 32 : index
        %parallel_loop3A_347 = tpu.vector_load %arg14[%parallel_loop3A_345, %parallel_loop3A_346] {strides = array<i32>} : memref<80x128xf32, #tpu.memory_space<vmem>>, vector<1x16xf32>,
        %parallel_loop3A_348 = vector.shape_cast %parallel_loop3A_347 : vector<1x16xf32> to vector<16xf32>
        %parallel_loop3A_349 = vector.shape_cast %parallel_loop3A_344 : vector<16xf32> to vector<1x16xf32>
        tpu.vector_store %arg14[%parallel_loop3A_345, %parallel_loop3A_346], %parallel_loop3A_349 {strides = array<i32>} : memref<80x128xf32, #tpu.memory_space<vmem>>, vector<1x16xf32>,
        %parallel_loop3A_350 = arith.index_cast %parallel_loop3A_313 : i32 to index
        %parallel_loop3A_351 = arith.constant 48 : index
        %parallel_loop3A_352 = tpu.vector_load %arg12[%parallel_loop3A_350, %parallel_loop3A_351] {strides = array<i32>} : memref<80x128xf32, #tpu.memory_space<vmem>>, vector<1x16xf32>,
        %parallel_loop3A_353 = vector.shape_cast %parallel_loop3A_352 : vector<1x16xf32> to vector<16xf32>
        %parallel_loop3A_354 = arith.constant 11.3137083 : f32
        %parallel_loop3A_355 = vector.broadcast %parallel_loop3A_354 : f32 to vector<16xf32>
        %parallel_loop3A_356 = arith.mulf %parallel_loop3A_353, %parallel_loop3A_355 : vector<16xf32>
        %parallel_loop3A_357 = arith.index_cast %parallel_loop3A_313 : i32 to index
        %parallel_loop3A_358 = arith.constant 48 : index
        %parallel_loop3A_359 = tpu.vector_load %arg14[%parallel_loop3A_357, %parallel_loop3A_358] {strides = array<i32>} : memref<80x128xf32, #tpu.memory_space<vmem>>, vector<1x16xf32>,
        %parallel_loop3A_360 = vector.shape_cast %parallel_loop3A_359 : vector<1x16xf32> to vector<16xf32>
        %parallel_loop3A_361 = vector.shape_cast %parallel_loop3A_356 : vector<16xf32> to vector<1x16xf32>
        tpu.vector_store %arg14[%parallel_loop3A_357, %parallel_loop3A_358], %parallel_loop3A_361 {strides = array<i32>} : memref<80x128xf32, #tpu.memory_space<vmem>>, vector<1x16xf32>,
        %parallel_loop3A_362 = arith.index_cast %parallel_loop3A_313 : i32 to index
        %parallel_loop3A_363 = arith.constant 64 : index
        %parallel_loop3A_364 = tpu.vector_load %arg12[%parallel_loop3A_362, %parallel_loop3A_363] {strides = array<i32>} : memref<80x128xf32, #tpu.memory_space<vmem>>, vector<1x16xf32>,
        %parallel_loop3A_365 = vector.shape_cast %parallel_loop3A_364 : vector<1x16xf32> to vector<16xf32>
        %parallel_loop3A_366 = arith.constant 11.3137083 : f32
        %parallel_loop3A_367 = vector.broadcast %parallel_loop3A_366 : f32 to vector<16xf32>
        %parallel_loop3A_368 = arith.mulf %parallel_loop3A_365, %parallel_loop3A_367 : vector<16xf32>
        %parallel_loop3A_369 = arith.index_cast %parallel_loop3A_313 : i32 to index
        %parallel_loop3A_370 = arith.constant 64 : index
        %parallel_loop3A_371 = tpu.vector_load %arg14[%parallel_loop3A_369, %parallel_loop3A_370] {strides = array<i32>} : memref<80x128xf32, #tpu.memory_space<vmem>>, vector<1x16xf32>,
        %parallel_loop3A_372 = vector.shape_cast %parallel_loop3A_371 : vector<1x16xf32> to vector<16xf32>
        %parallel_loop3A_373 = vector.shape_cast %parallel_loop3A_368 : vector<16xf32> to vector<1x16xf32>
        tpu.vector_store %arg14[%parallel_loop3A_369, %parallel_loop3A_370], %parallel_loop3A_373 {strides = array<i32>} : memref<80x128xf32, #tpu.memory_space<vmem>>, vector<1x16xf32>,
        %parallel_loop3A_374 = arith.index_cast %parallel_loop3A_313 : i32 to index
        %parallel_loop3A_375 = arith.constant 80 : index
        %parallel_loop3A_376 = tpu.vector_load %arg12[%parallel_loop3A_374, %parallel_loop3A_375] {strides = array<i32>} : memref<80x128xf32, #tpu.memory_space<vmem>>, vector<1x16xf32>,
        %parallel_loop3A_377 = vector.shape_cast %parallel_loop3A_376 : vector<1x16xf32> to vector<16xf32>
        %parallel_loop3A_378 = arith.constant 11.3137083 : f32
        %parallel_loop3A_379 = vector.broadcast %parallel_loop3A_378 : f32 to vector<16xf32>
        %parallel_loop3A_380 = arith.mulf %parallel_loop3A_377, %parallel_loop3A_379 : vector<16xf32>
        %parallel_loop3A_381 = arith.index_cast %parallel_loop3A_313 : i32 to index
        %parallel_loop3A_382 = arith.constant 80 : index
        %parallel_loop3A_383 = tpu.vector_load %arg14[%parallel_loop3A_381, %parallel_loop3A_382] {strides = array<i32>} : memref<80x128xf32, #tpu.memory_space<vmem>>, vector<1x16xf32>,
        %parallel_loop3A_384 = vector.shape_cast %parallel_loop3A_383 : vector<1x16xf32> to vector<16xf32>
        %parallel_loop3A_385 = vector.shape_cast %parallel_loop3A_380 : vector<16xf32> to vector<1x16xf32>
        tpu.vector_store %arg14[%parallel_loop3A_381, %parallel_loop3A_382], %parallel_loop3A_385 {strides = array<i32>} : memref<80x128xf32, #tpu.memory_space<vmem>>, vector<1x16xf32>,
        %parallel_loop3A_386 = arith.index_cast %parallel_loop3A_313 : i32 to index
        %parallel_loop3A_387 = arith.constant 96 : index
        %parallel_loop3A_388 = tpu.vector_load %arg12[%parallel_loop3A_386, %parallel_loop3A_387] {strides = array<i32>} : memref<80x128xf32, #tpu.memory_space<vmem>>, vector<1x16xf32>,
        %parallel_loop3A_389 = vector.shape_cast %parallel_loop3A_388 : vector<1x16xf32> to vector<16xf32>
        %parallel_loop3A_390 = arith.constant 11.3137083 : f32
        %parallel_loop3A_391 = vector.broadcast %parallel_loop3A_390 : f32 to vector<16xf32>
        %parallel_loop3A_392 = arith.mulf %parallel_loop3A_389, %parallel_loop3A_391 : vector<16xf32>
        %parallel_loop3A_393 = arith.index_cast %parallel_loop3A_313 : i32 to index
        %parallel_loop3A_394 = arith.constant 96 : index
        %parallel_loop3A_395 = tpu.vector_load %arg14[%parallel_loop3A_393, %parallel_loop3A_394] {strides = array<i32>} : memref<80x128xf32, #tpu.memory_space<vmem>>, vector<1x16xf32>,
        %parallel_loop3A_396 = vector.shape_cast %parallel_loop3A_395 : vector<1x16xf32> to vector<16xf32>
        %parallel_loop3A_397 = vector.shape_cast %parallel_loop3A_392 : vector<16xf32> to vector<1x16xf32>
        tpu.vector_store %arg14[%parallel_loop3A_393, %parallel_loop3A_394], %parallel_loop3A_397 {strides = array<i32>} : memref<80x128xf32, #tpu.memory_space<vmem>>, vector<1x16xf32>,
        %parallel_loop3A_398 = arith.index_cast %parallel_loop3A_313 : i32 to index
        %parallel_loop3A_399 = arith.constant 112 : index
        %parallel_loop3A_400 = tpu.vector_load %arg12[%parallel_loop3A_398, %parallel_loop3A_399] {strides = array<i32>} : memref<80x128xf32, #tpu.memory_space<vmem>>, vector<1x16xf32>,
        %parallel_loop3A_401 = vector.shape_cast %parallel_loop3A_400 : vector<1x16xf32> to vector<16xf32>
        %parallel_loop3A_402 = arith.constant 11.3137083 : f32
        %parallel_loop3A_403 = vector.broadcast %parallel_loop3A_402 : f32 to vector<16xf32>
        %parallel_loop3A_404 = arith.mulf %parallel_loop3A_401, %parallel_loop3A_403 : vector<16xf32>
        %parallel_loop3A_405 = arith.index_cast %parallel_loop3A_313 : i32 to index
        %parallel_loop3A_406 = arith.constant 112 : index
        %parallel_loop3A_407 = tpu.vector_load %arg14[%parallel_loop3A_405, %parallel_loop3A_406] {strides = array<i32>} : memref<80x128xf32, #tpu.memory_space<vmem>>, vector<1x16xf32>,
        %parallel_loop3A_408 = vector.shape_cast %parallel_loop3A_407 : vector<1x16xf32> to vector<16xf32>
        %parallel_loop3A_409 = vector.shape_cast %parallel_loop3A_404 : vector<16xf32> to vector<1x16xf32>
        tpu.vector_store %arg14[%parallel_loop3A_405, %parallel_loop3A_406], %parallel_loop3A_409 {strides = array<i32>} : memref<80x128xf32, #tpu.memory_space<vmem>>, vector<1x16xf32>,
      } {sc.loop_unroll_factor = 4 : i64, sc.parallel_access}
      %mul3A_269 = arith.constant 80 : i32
      %mul3A_270 = arith.muli %add3A_254, %mul3A_269 : i32
      %add3A_271 = arith.addi %mul3A_2, %mul3A_270 : i32
      %dma_start3A_272 = arith.constant 0 : i32
      %dma_start3A_273 = tpu.memref_slice %arg4[%add3A_271, %dma_start3A_272] : memref<204800x128xf32, #tpu.memory_space<hbm>> -> memref<80x128xf32, #tpu.memory_space<hbm>>
      %dma_start3A_274 = arith.constant 0 : i32
      %dma_start3A_275 = tpu.memref_slice %arg4[%add3A_271, %dma_start3A_274] : memref<204800x128xf32, #tpu.memory_space<hbm>> -> memref<80x128xf32, #tpu.memory_space<hbm>>
      tpu.enqueue_dma source(%arg14 : memref<80x128xf32, #tpu.memory_space<vmem>>) target(%dma_start3A_275 : memref<80x128xf32, #tpu.memory_space<hbm>>) target_semaphore(%arg24 : memref<!tpu.dma_semaphore, #tpu.memory_space<semaphore_mem>>)
      %add3A_276 = arith.constant 8 : i32
      %add3A_277 = arith.addi %add3A_254, %add3A_276 : i32
      %lt3A_278 = arith.constant 80 : i32
      %lt3A_279 = arith.cmpi slt, %add3A_277, %lt3A_278 : i32
      %convert_element_type3A_280 = arith.extui %lt3A_279 : i1 to i32
      %cond3A_281 = arith.constant 0 : i32
      %cond3A_282 = arith.cmpi ne, %convert_element_type3A_280, %cond3A_281 : i32
      scf.if %cond3A_282 {
        %add3A_313 = arith.constant 8 : i32
        %add3A_314 = arith.addi %add3A_254, %add3A_313 : i32
        %dma_start3A_315 = arith.constant 0 : i32
        %dma_start3A_316 = tpu.memref_slice %arg5[%add3A_314, %dma_start3A_315] : memref<80x80xi32, #tpu.memory_space<vmem>> -> memref<1x80xi32, #tpu.memory_space<vmem>>
        %dma_start3A_317 = tpu.memref_squeeze %dma_start3A_316 : memref<1x80xi32, #tpu.memory_space<vmem>> -> memref<80xi32, #tpu.memory_space<vmem>>
        %dma_start3A_318 = arith.constant 0 : i32
        %dma_start3A_319 = arith.constant 0 : i32
        %dma_start3A_320 = tpu.memref_slice %arg3[%dma_start3A_318, %dma_start3A_319] : memref<100000x128xf32, #tpu.memory_space<hbm>> -> memref<100000x128xf32, #tpu.memory_space<hbm>>
        tpu.enqueue_indirect_dma source(%dma_start3A_320 : memref<100000x128xf32, #tpu.memory_space<hbm>>) target(%arg12 : memref<80x128xf32, #tpu.memory_space<vmem>>) offsets(%dma_start3A_317 : memref<80xi32, #tpu.memory_space<vmem>>) semaphore(%arg22 : memref<!tpu.dma_semaphore, #tpu.memory_space<semaphore_mem>>)
      } else {
      }
      %add3A_283 = arith.constant 7 : i32
      %add3A_284 = arith.addi %add3A_77, %add3A_283 : i32
      %dma_wait3A_285 = arith.constant 0 : i32
      %dma_wait3A_286 = tpu.memref_slice %arg5[%add3A_284, %dma_wait3A_285] : memref<80x80xi32, #tpu.memory_space<vmem>> -> memref<1x80xi32, #tpu.memory_space<vmem>>
      %dma_wait3A_287 = tpu.memref_squeeze %dma_wait3A_286 : memref<1x80xi32, #tpu.memory_space<vmem>> -> memref<80xi32, #tpu.memory_space<vmem>>
      %dma_wait3A_288 = arith.constant 0 : i32
      %dma_wait3A_289 = arith.constant 0 : i32
      %dma_wait3A_290 = tpu.memref_slice %arg3[%dma_wait3A_288, %dma_wait3A_289] : memref<100000x128xf32, #tpu.memory_space<hbm>> -> memref<100000x128xf32, #tpu.memory_space<hbm>>
      tpu.wait_indirect_dma semaphore(%arg23 : memref<!tpu.dma_semaphore, #tpu.memory_space<semaphore_mem>>) src(%dma_wait3A_290 : memref<100000x128xf32, #tpu.memory_space<hbm>>) dst(%arg13 : memref<80x128xf32, #tpu.memory_space<vmem>>)
      %ge3A_291 = arith.constant 2 : i32
      %ge3A_292 = arith.cmpi sge, %add3A_284, %ge3A_291 : i32
      %convert_element_type3A_293 = arith.extui %ge3A_292 : i1 to i32
      %cond3A_294 = arith.constant 0 : i32
      %cond3A_295 = arith.cmpi ne, %convert_element_type3A_293, %cond3A_294 : i32
      scf.if %cond3A_295 {
        %sub3A = arith.constant 2 : i32
        %sub3A_313 = arith.subi %add3A_284, %sub3A : i32
        %mul3A_314 = arith.constant 80 : i32
        %mul3A_315 = arith.muli %sub3A_313, %mul3A_314 : i32
        %add3A_316 = arith.addi %mul3A_2, %mul3A_315 : i32
        %dma_wait3A_317 = arith.constant 0 : i32
        %dma_wait3A_318 = tpu.memref_slice %arg4[%add3A_316, %dma_wait3A_317] : memref<204800x128xf32, #tpu.memory_space<hbm>> -> memref<80x128xf32, #tpu.memory_space<hbm>>
        %dma_wait3A_319 = arith.constant 0 : i32
        %dma_wait3A_320 = tpu.memref_slice %arg4[%add3A_316, %dma_wait3A_319] : memref<204800x128xf32, #tpu.memory_space<hbm>> -> memref<80x128xf32, #tpu.memory_space<hbm>>
        tpu.wait_dma2 semaphore(%arg25 : memref<!tpu.dma_semaphore, #tpu.memory_space<semaphore_mem>>) src(%arg15 : memref<80x128xf32, #tpu.memory_space<vmem>>) dst(%dma_wait3A_320 : memref<80x128xf32, #tpu.memory_space<hbm>>)
      } else {
      }
      %parallel_loop3A_296 = arith.constant 0 : i32
      %parallel_loop3A_297 = arith.constant 80 : i32
      %parallel_loop3A_298 = arith.constant 1 : i32
      scf.for %parallel_loop3A_313 = %parallel_loop3A_296 to %parallel_loop3A_297 step %parallel_loop3A_298  : i32 {
        %parallel_loop3A_314 = arith.index_cast %parallel_loop3A_313 : i32 to index
        %parallel_loop3A_315 = arith.constant 0 : index
        %parallel_loop3A_316 = tpu.vector_load %arg13[%parallel_loop3A_314, %parallel_loop3A_315] {strides = array<i32>} : memref<80x128xf32, #tpu.memory_space<vmem>>, vector<1x16xf32>,
        %parallel_loop3A_317 = vector.shape_cast %parallel_loop3A_316 : vector<1x16xf32> to vector<16xf32>
        %parallel_loop3A_318 = arith.constant 11.3137083 : f32
        %parallel_loop3A_319 = vector.broadcast %parallel_loop3A_318 : f32 to vector<16xf32>
        %parallel_loop3A_320 = arith.mulf %parallel_loop3A_317, %parallel_loop3A_319 : vector<16xf32>
        %parallel_loop3A_321 = arith.index_cast %parallel_loop3A_313 : i32 to index
        %parallel_loop3A_322 = arith.constant 0 : index
        %parallel_loop3A_323 = tpu.vector_load %arg15[%parallel_loop3A_321, %parallel_loop3A_322] {strides = array<i32>} : memref<80x128xf32, #tpu.memory_space<vmem>>, vector<1x16xf32>,
        %parallel_loop3A_324 = vector.shape_cast %parallel_loop3A_323 : vector<1x16xf32> to vector<16xf32>
        %parallel_loop3A_325 = vector.shape_cast %parallel_loop3A_320 : vector<16xf32> to vector<1x16xf32>
        tpu.vector_store %arg15[%parallel_loop3A_321, %parallel_loop3A_322], %parallel_loop3A_325 {strides = array<i32>} : memref<80x128xf32, #tpu.memory_space<vmem>>, vector<1x16xf32>,
        %parallel_loop3A_326 = arith.index_cast %parallel_loop3A_313 : i32 to index
        %parallel_loop3A_327 = arith.constant 16 : index
        %parallel_loop3A_328 = tpu.vector_load %arg13[%parallel_loop3A_326, %parallel_loop3A_327] {strides = array<i32>} : memref<80x128xf32, #tpu.memory_space<vmem>>, vector<1x16xf32>,
        %parallel_loop3A_329 = vector.shape_cast %parallel_loop3A_328 : vector<1x16xf32> to vector<16xf32>
        %parallel_loop3A_330 = arith.constant 11.3137083 : f32
        %parallel_loop3A_331 = vector.broadcast %parallel_loop3A_330 : f32 to vector<16xf32>
        %parallel_loop3A_332 = arith.mulf %parallel_loop3A_329, %parallel_loop3A_331 : vector<16xf32>
        %parallel_loop3A_333 = arith.index_cast %parallel_loop3A_313 : i32 to index
        %parallel_loop3A_334 = arith.constant 16 : index
        %parallel_loop3A_335 = tpu.vector_load %arg15[%parallel_loop3A_333, %parallel_loop3A_334] {strides = array<i32>} : memref<80x128xf32, #tpu.memory_space<vmem>>, vector<1x16xf32>,
        %parallel_loop3A_336 = vector.shape_cast %parallel_loop3A_335 : vector<1x16xf32> to vector<16xf32>
        %parallel_loop3A_337 = vector.shape_cast %parallel_loop3A_332 : vector<16xf32> to vector<1x16xf32>
        tpu.vector_store %arg15[%parallel_loop3A_333, %parallel_loop3A_334], %parallel_loop3A_337 {strides = array<i32>} : memref<80x128xf32, #tpu.memory_space<vmem>>, vector<1x16xf32>,
        %parallel_loop3A_338 = arith.index_cast %parallel_loop3A_313 : i32 to index
        %parallel_loop3A_339 = arith.constant 32 : index
        %parallel_loop3A_340 = tpu.vector_load %arg13[%parallel_loop3A_338, %parallel_loop3A_339] {strides = array<i32>} : memref<80x128xf32, #tpu.memory_space<vmem>>, vector<1x16xf32>,
        %parallel_loop3A_341 = vector.shape_cast %parallel_loop3A_340 : vector<1x16xf32> to vector<16xf32>
        %parallel_loop3A_342 = arith.constant 11.3137083 : f32
        %parallel_loop3A_343 = vector.broadcast %parallel_loop3A_342 : f32 to vector<16xf32>
        %parallel_loop3A_344 = arith.mulf %parallel_loop3A_341, %parallel_loop3A_343 : vector<16xf32>
        %parallel_loop3A_345 = arith.index_cast %parallel_loop3A_313 : i32 to index
        %parallel_loop3A_346 = arith.constant 32 : index
        %parallel_loop3A_347 = tpu.vector_load %arg15[%parallel_loop3A_345, %parallel_loop3A_346] {strides = array<i32>} : memref<80x128xf32, #tpu.memory_space<vmem>>, vector<1x16xf32>,
        %parallel_loop3A_348 = vector.shape_cast %parallel_loop3A_347 : vector<1x16xf32> to vector<16xf32>
        %parallel_loop3A_349 = vector.shape_cast %parallel_loop3A_344 : vector<16xf32> to vector<1x16xf32>
        tpu.vector_store %arg15[%parallel_loop3A_345, %parallel_loop3A_346], %parallel_loop3A_349 {strides = array<i32>} : memref<80x128xf32, #tpu.memory_space<vmem>>, vector<1x16xf32>,
        %parallel_loop3A_350 = arith.index_cast %parallel_loop3A_313 : i32 to index
        %parallel_loop3A_351 = arith.constant 48 : index
        %parallel_loop3A_352 = tpu.vector_load %arg13[%parallel_loop3A_350, %parallel_loop3A_351] {strides = array<i32>} : memref<80x128xf32, #tpu.memory_space<vmem>>, vector<1x16xf32>,
        %parallel_loop3A_353 = vector.shape_cast %parallel_loop3A_352 : vector<1x16xf32> to vector<16xf32>
        %parallel_loop3A_354 = arith.constant 11.3137083 : f32
        %parallel_loop3A_355 = vector.broadcast %parallel_loop3A_354 : f32 to vector<16xf32>
        %parallel_loop3A_356 = arith.mulf %parallel_loop3A_353, %parallel_loop3A_355 : vector<16xf32>
        %parallel_loop3A_357 = arith.index_cast %parallel_loop3A_313 : i32 to index
        %parallel_loop3A_358 = arith.constant 48 : index
        %parallel_loop3A_359 = tpu.vector_load %arg15[%parallel_loop3A_357, %parallel_loop3A_358] {strides = array<i32>} : memref<80x128xf32, #tpu.memory_space<vmem>>, vector<1x16xf32>,
        %parallel_loop3A_360 = vector.shape_cast %parallel_loop3A_359 : vector<1x16xf32> to vector<16xf32>
        %parallel_loop3A_361 = vector.shape_cast %parallel_loop3A_356 : vector<16xf32> to vector<1x16xf32>
        tpu.vector_store %arg15[%parallel_loop3A_357, %parallel_loop3A_358], %parallel_loop3A_361 {strides = array<i32>} : memref<80x128xf32, #tpu.memory_space<vmem>>, vector<1x16xf32>,
        %parallel_loop3A_362 = arith.index_cast %parallel_loop3A_313 : i32 to index
        %parallel_loop3A_363 = arith.constant 64 : index
        %parallel_loop3A_364 = tpu.vector_load %arg13[%parallel_loop3A_362, %parallel_loop3A_363] {strides = array<i32>} : memref<80x128xf32, #tpu.memory_space<vmem>>, vector<1x16xf32>,
        %parallel_loop3A_365 = vector.shape_cast %parallel_loop3A_364 : vector<1x16xf32> to vector<16xf32>
        %parallel_loop3A_366 = arith.constant 11.3137083 : f32
        %parallel_loop3A_367 = vector.broadcast %parallel_loop3A_366 : f32 to vector<16xf32>
        %parallel_loop3A_368 = arith.mulf %parallel_loop3A_365, %parallel_loop3A_367 : vector<16xf32>
        %parallel_loop3A_369 = arith.index_cast %parallel_loop3A_313 : i32 to index
        %parallel_loop3A_370 = arith.constant 64 : index
        %parallel_loop3A_371 = tpu.vector_load %arg15[%parallel_loop3A_369, %parallel_loop3A_370] {strides = array<i32>} : memref<80x128xf32, #tpu.memory_space<vmem>>, vector<1x16xf32>,
        %parallel_loop3A_372 = vector.shape_cast %parallel_loop3A_371 : vector<1x16xf32> to vector<16xf32>
        %parallel_loop3A_373 = vector.shape_cast %parallel_loop3A_368 : vector<16xf32> to vector<1x16xf32>
        tpu.vector_store %arg15[%parallel_loop3A_369, %parallel_loop3A_370], %parallel_loop3A_373 {strides = array<i32>} : memref<80x128xf32, #tpu.memory_space<vmem>>, vector<1x16xf32>,
        %parallel_loop3A_374 = arith.index_cast %parallel_loop3A_313 : i32 to index
        %parallel_loop3A_375 = arith.constant 80 : index
        %parallel_loop3A_376 = tpu.vector_load %arg13[%parallel_loop3A_374, %parallel_loop3A_375] {strides = array<i32>} : memref<80x128xf32, #tpu.memory_space<vmem>>, vector<1x16xf32>,
        %parallel_loop3A_377 = vector.shape_cast %parallel_loop3A_376 : vector<1x16xf32> to vector<16xf32>
        %parallel_loop3A_378 = arith.constant 11.3137083 : f32
        %parallel_loop3A_379 = vector.broadcast %parallel_loop3A_378 : f32 to vector<16xf32>
        %parallel_loop3A_380 = arith.mulf %parallel_loop3A_377, %parallel_loop3A_379 : vector<16xf32>
        %parallel_loop3A_381 = arith.index_cast %parallel_loop3A_313 : i32 to index
        %parallel_loop3A_382 = arith.constant 80 : index
        %parallel_loop3A_383 = tpu.vector_load %arg15[%parallel_loop3A_381, %parallel_loop3A_382] {strides = array<i32>} : memref<80x128xf32, #tpu.memory_space<vmem>>, vector<1x16xf32>,
        %parallel_loop3A_384 = vector.shape_cast %parallel_loop3A_383 : vector<1x16xf32> to vector<16xf32>
        %parallel_loop3A_385 = vector.shape_cast %parallel_loop3A_380 : vector<16xf32> to vector<1x16xf32>
        tpu.vector_store %arg15[%parallel_loop3A_381, %parallel_loop3A_382], %parallel_loop3A_385 {strides = array<i32>} : memref<80x128xf32, #tpu.memory_space<vmem>>, vector<1x16xf32>,
        %parallel_loop3A_386 = arith.index_cast %parallel_loop3A_313 : i32 to index
        %parallel_loop3A_387 = arith.constant 96 : index
        %parallel_loop3A_388 = tpu.vector_load %arg13[%parallel_loop3A_386, %parallel_loop3A_387] {strides = array<i32>} : memref<80x128xf32, #tpu.memory_space<vmem>>, vector<1x16xf32>,
        %parallel_loop3A_389 = vector.shape_cast %parallel_loop3A_388 : vector<1x16xf32> to vector<16xf32>
        %parallel_loop3A_390 = arith.constant 11.3137083 : f32
        %parallel_loop3A_391 = vector.broadcast %parallel_loop3A_390 : f32 to vector<16xf32>
        %parallel_loop3A_392 = arith.mulf %parallel_loop3A_389, %parallel_loop3A_391 : vector<16xf32>
        %parallel_loop3A_393 = arith.index_cast %parallel_loop3A_313 : i32 to index
        %parallel_loop3A_394 = arith.constant 96 : index
        %parallel_loop3A_395 = tpu.vector_load %arg15[%parallel_loop3A_393, %parallel_loop3A_394] {strides = array<i32>} : memref<80x128xf32, #tpu.memory_space<vmem>>, vector<1x16xf32>,
        %parallel_loop3A_396 = vector.shape_cast %parallel_loop3A_395 : vector<1x16xf32> to vector<16xf32>
        %parallel_loop3A_397 = vector.shape_cast %parallel_loop3A_392 : vector<16xf32> to vector<1x16xf32>
        tpu.vector_store %arg15[%parallel_loop3A_393, %parallel_loop3A_394], %parallel_loop3A_397 {strides = array<i32>} : memref<80x128xf32, #tpu.memory_space<vmem>>, vector<1x16xf32>,
        %parallel_loop3A_398 = arith.index_cast %parallel_loop3A_313 : i32 to index
        %parallel_loop3A_399 = arith.constant 112 : index
        %parallel_loop3A_400 = tpu.vector_load %arg13[%parallel_loop3A_398, %parallel_loop3A_399] {strides = array<i32>} : memref<80x128xf32, #tpu.memory_space<vmem>>, vector<1x16xf32>,
        %parallel_loop3A_401 = vector.shape_cast %parallel_loop3A_400 : vector<1x16xf32> to vector<16xf32>
        %parallel_loop3A_402 = arith.constant 11.3137083 : f32
        %parallel_loop3A_403 = vector.broadcast %parallel_loop3A_402 : f32 to vector<16xf32>
        %parallel_loop3A_404 = arith.mulf %parallel_loop3A_401, %parallel_loop3A_403 : vector<16xf32>
        %parallel_loop3A_405 = arith.index_cast %parallel_loop3A_313 : i32 to index
        %parallel_loop3A_406 = arith.constant 112 : index
        %parallel_loop3A_407 = tpu.vector_load %arg15[%parallel_loop3A_405, %parallel_loop3A_406] {strides = array<i32>} : memref<80x128xf32, #tpu.memory_space<vmem>>, vector<1x16xf32>,
        %parallel_loop3A_408 = vector.shape_cast %parallel_loop3A_407 : vector<1x16xf32> to vector<16xf32>
        %parallel_loop3A_409 = vector.shape_cast %parallel_loop3A_404 : vector<16xf32> to vector<1x16xf32>
        tpu.vector_store %arg15[%parallel_loop3A_405, %parallel_loop3A_406], %parallel_loop3A_409 {strides = array<i32>} : memref<80x128xf32, #tpu.memory_space<vmem>>, vector<1x16xf32>,
      } {sc.loop_unroll_factor = 4 : i64, sc.parallel_access}
      %mul3A_299 = arith.constant 80 : i32
      %mul3A_300 = arith.muli %add3A_284, %mul3A_299 : i32
      %add3A_301 = arith.addi %mul3A_2, %mul3A_300 : i32
      %dma_start3A_302 = arith.constant 0 : i32
      %dma_start3A_303 = tpu.memref_slice %arg4[%add3A_301, %dma_start3A_302] : memref<204800x128xf32, #tpu.memory_space<hbm>> -> memref<80x128xf32, #tpu.memory_space<hbm>>
      %dma_start3A_304 = arith.constant 0 : i32
      %dma_start3A_305 = tpu.memref_slice %arg4[%add3A_301, %dma_start3A_304] : memref<204800x128xf32, #tpu.memory_space<hbm>> -> memref<80x128xf32, #tpu.memory_space<hbm>>
      tpu.enqueue_dma source(%arg15 : memref<80x128xf32, #tpu.memory_space<vmem>>) target(%dma_start3A_305 : memref<80x128xf32, #tpu.memory_space<hbm>>) target_semaphore(%arg25 : memref<!tpu.dma_semaphore, #tpu.memory_space<semaphore_mem>>)
      %add3A_306 = arith.constant 8 : i32
      %add3A_307 = arith.addi %add3A_284, %add3A_306 : i32
      %lt3A_308 = arith.constant 80 : i32
      %lt3A_309 = arith.cmpi slt, %add3A_307, %lt3A_308 : i32
      %convert_element_type3A_310 = arith.extui %lt3A_309 : i1 to i32
      %cond3A_311 = arith.constant 0 : i32
      %cond3A_312 = arith.cmpi ne, %convert_element_type3A_310, %cond3A_311 : i32
      scf.if %cond3A_312 {
        %add3A_313 = arith.constant 8 : i32
        %add3A_314 = arith.addi %add3A_284, %add3A_313 : i32
        %dma_start3A_315 = arith.constant 0 : i32
        %dma_start3A_316 = tpu.memref_slice %arg5[%add3A_314, %dma_start3A_315] : memref<80x80xi32, #tpu.memory_space<vmem>> -> memref<1x80xi32, #tpu.memory_space<vmem>>
        %dma_start3A_317 = tpu.memref_squeeze %dma_start3A_316 : memref<1x80xi32, #tpu.memory_space<vmem>> -> memref<80xi32, #tpu.memory_space<vmem>>
        %dma_start3A_318 = arith.constant 0 : i32
        %dma_start3A_319 = arith.constant 0 : i32
        %dma_start3A_320 = tpu.memref_slice %arg3[%dma_start3A_318, %dma_start3A_319] : memref<100000x128xf32, #tpu.memory_space<hbm>> -> memref<100000x128xf32, #tpu.memory_space<hbm>>
        tpu.enqueue_indirect_dma source(%dma_start3A_320 : memref<100000x128xf32, #tpu.memory_space<hbm>>) target(%arg13 : memref<80x128xf32, #tpu.memory_space<vmem>>) offsets(%dma_start3A_317 : memref<80xi32, #tpu.memory_space<vmem>>) semaphore(%arg23 : memref<!tpu.dma_semaphore, #tpu.memory_space<semaphore_mem>>)
      } else {
      }
    }
    %scan3A_61 = arith.constant 10 : i32
    %add3A_62 = arith.constant 6240 : i32
    %add3A_63 = arith.addi %mul3A_2, %add3A_62 : i32
    %dma_wait3A = arith.constant 0 : i32
    %dma_wait3A_64 = tpu.memref_slice %arg4[%add3A_63, %dma_wait3A] : memref<204800x128xf32, #tpu.memory_space<hbm>> -> memref<80x128xf32, #tpu.memory_space<hbm>>
    %dma_wait3A_65 = arith.constant 0 : i32
    %dma_wait3A_66 = tpu.memref_slice %arg4[%add3A_63, %dma_wait3A_65] : memref<204800x128xf32, #tpu.memory_space<hbm>> -> memref<80x128xf32, #tpu.memory_space<hbm>>
    tpu.wait_dma2 semaphore(%arg24 : memref<!tpu.dma_semaphore, #tpu.memory_space<semaphore_mem>>) src(%arg14 : memref<80x128xf32, #tpu.memory_space<vmem>>) dst(%dma_wait3A_66 : memref<80x128xf32, #tpu.memory_space<hbm>>)
    %add3A_67 = arith.constant 6320 : i32
    %add3A_68 = arith.addi %mul3A_2, %add3A_67 : i32
    %dma_wait3A_69 = arith.constant 0 : i32
    %dma_wait3A_70 = tpu.memref_slice %arg4[%add3A_68, %dma_wait3A_69] : memref<204800x128xf32, #tpu.memory_space<hbm>> -> memref<80x128xf32, #tpu.memory_space<hbm>>
    %dma_wait3A_71 = arith.constant 0 : i32
    %dma_wait3A_72 = tpu.memref_slice %arg4[%add3A_68, %dma_wait3A_71] : memref<204800x128xf32, #tpu.memory_space<hbm>> -> memref<80x128xf32, #tpu.memory_space<hbm>>
    tpu.wait_dma2 semaphore(%arg25 : memref<!tpu.dma_semaphore, #tpu.memory_space<semaphore_mem>>) src(%arg15 : memref<80x128xf32, #tpu.memory_space<vmem>>) dst(%dma_wait3A_72 : memref<80x128xf32, #tpu.memory_space<hbm>>)
    return
  }
}

</mosaic_0001>

<sc_bundles>
// kernel: kernel.3.cloned.1.call-start
scs
__scs_entry_jumppad:
0x0: {  	(pc) =	sbr.rel $0x88, $3  }
0x1: {  	(tag) =	ssettag $0x0;
	lr =	simm.s32 $0x1  }
0x2: {  	[smem:$0x3F9F] =	sst lr;
	_ =	strace $0xD0000000  }
0x3: {  	_ = 	snop  }
0x4: {  	_ = 	snop  }
0x5: {  	_ = 	snop  }
0x6: {  	_ = 	snop  }
0x7: {  	_ = 	snop  }
__scs_overlays_trampoline_lowered:
0x8: {  	[smem:$0x3FAE] =	sst s0  }
0x9: {  	[smem:$0x3FAF] =	sst s1  }
0xa: {  	[smem:$0x3FB0] =	sst s2  }
0xb: {  	[smem:$0x3FB1] =	sst s3  }
0xc: {  	[smem:$0x3FB2] =	sst s4  }
0xd: {  	[smem:$0x3FB3] =	sst s5  }
0xe: {  	[smem:$0x3FB4] =	sst s6  }
0xf: {  	[smem:$0x3FB5] =	sst s7  }
0x10: {  	[smem:$0x3FB6] =	sst s8  }
0x11: {  	[smem:$0x3FB7] =	sst s9;
	s0 =	simm.s32 @!p0 $0x0  }
0x12: {  	s1 =	sld [smem:$0x3F9D];
	s0 =	simm.s32 @p0 $0x1  }
0x13: {  	[smem:$0x3FB8] =	sst s0;
	s0 =	simm.s32 @!p1 $0x0  }
0x14: {  	s2 =	sld [smem:$0x3F9C];
	s0 =	simm.s32 @p1 $0x1  }
0x15: {  	[smem:$0x3FB9] =	sst s0;
	s0 =	simm.s32 @!p2 $0x0  }
0x16: {  	s3 =	sld [smem:$0x3FDB];
	s0 =	simm.s32 @p2 $0x1  }
0x17: {  	s4 =	simm.s32 $0x1BF5;
	[smem:$0x3FBB] =	sst s0  }
0x18: {  	s0 =	sld [smem:$0x3F9E];
	_ =	swait.ge [sflag:s4], $0x0  }
0x19: {  	s7 =	sld [smem:$0x3F9F]  }
0x1a: {  	s8 =	sadd.s32 $0xFFFFE003, lr  }
0x1b: {  	s9 =	sadd.s32 $0xFFFFFEF7, lr;
	s5 =	simm.s32 $0xFFFFFFFF;
	p2 =	slt.u32 s8, $0xFFFFF086  }
0x1c: {  	p1 =	slt.u32 s9, $0xF7A;
	s5 =	simm.s32 @!p2 $0x0  }
0x1d: {  	s5 =	simm.s32 @p1 $0x1;
	p0 =	seq.s32 s7, s2  }
0x1e: {  	s7 =	smul.u32 @!p0 $0xF7A, s2;
	p2 =	seq.s32 @!p0 s5, $0x0  }
0x1f: {  	s9 =	smul.u32 $0xF7A, s1;
	s8 =	simm.s32 @!p0 $0x1BF5;
	p2 =	por !p2, p0  }
0x20: {  	[sflag:s8] =	ssyncset.s32 @!p0 $0xFFFFF086;
	s6 =	sadd.s32 @!p0 s3, s7;
	s7 =	simm.s32 @!p0 $0x108  }
0x21: {  	s3 =	sadd.s32 s3, s9;
	s6 =	sadd.s32 @!p0 $0x88, s6;
	s7 =	simm.s32 @p2 $0x1082  }
0x22: {  	[simem:s7], [sflag:s8] =	dma.local @!p0 [hbm:s6], $0xF7A  }
0x23: {  	s9 =	sor.u32 $0xD0000000, s2;
	s6 =	simm.s32 $0x108;
	_ =	swait.ge @!p0 [sflag:s8], $0x0  }
0x24: {  	s3 =	sadd.s32 $0x88, s3;
	s6 =	simm.s32 @!p1 $0x1082;
	[sflag:s4] =	ssyncset.s32 $0xFFFFF086  }
0x25: {  	[simem:s6], [sflag:s4] =	dma.local [hbm:s3], $0xF7A  }
0x26: {  	[smem:$0x3F9F] =	sst s1;
	(tag) =	ssettag s2;
	_ =	strace s9  }
0x27: {  	s1 =	sld [smem:$0x3FAF]  }
0x28: {  	s2 =	sld [smem:$0x3FB0]  }
0x29: {  	s4 =	sld [smem:$0x3FB2]  }
0x2a: {  	p0 =	seq.s32 s5, $0x0;
	s5 =	sld [smem:$0x3FB3]  }
0x2b: {  	s6 =	sld [smem:$0x3FB4]  }
0x2c: {  	s7 =	sld [smem:$0x3FB5]  }
0x2d: {  	s3 =	simm.s32 $0x108;
	s8 =	sld [smem:$0x3FB6]  }
0x2e: {  	s3 =	simm.s32 @!p0 $0x1082;
	s9 =	sld [smem:$0x3FB7]  }
0x2f: {  	lr =	sadd.s32 s0, s3;
	s0 =	sld [smem:$0x3FAE]  }
0x30: {  	s3 =	sld [smem:$0x3FB1]  }
0x31: {  	[smem:$0x3FBA] =	sst s10  }
0x32: {  	s10 =	sld [smem:$0x3FB8];
	_ =	sdelay $0x3  }
0x33: {  	p0 =	seq.s32 s10, $0x1;
	s10 =	sld [smem:$0x3FBA];
	_ =	sdelay $0x3  }
0x34: {  	[smem:$0x3FBA] =	sst s10  }
0x35: {  	s10 =	sld [smem:$0x3FB9];
	_ =	sdelay $0x3  }
0x36: {  	p1 =	seq.s32 s10, $0x1;
	s10 =	sld [smem:$0x3FBA];
	_ =	sdelay $0x3  }
0x37: {  	[smem:$0x3FBA] =	sst s10  }
0x38: {  	s10 =	sld [smem:$0x3FBB]  }
0x39: {  	_ = 	snop;
	(pc) =	sbr.ind lr, $3  }
0x3a: {  	_ = 	snop  }
0x3b: {  	_ = 	snop  }
0x3c: {  	p2 =	seq.s32 s10, $0x1;
	s10 =	sld [smem:$0x3FBA]  }
0x3d: {  	_ =	shalt  }
0x3e: {  	_ =	shalt  }
0x3f: {  	_ =	shalt  }
0x40: {  	_ =	shalt  }
0x41: {  	_ =	shalt  }
0x42: {  	_ =	shalt  }
0x43: {  	_ =	shalt  }
0x44: {  	_ =	shalt  }
0x45: {  	_ =	shalt  }
0x46: {  	_ =	shalt  }
0x47: {  	_ =	shalt  }
0x48: {  	_ =	shalt  }
0x49: {  	_ =	shalt  }
0x4a: {  	_ =	shalt  }
0x4b: {  	_ =	shalt  }
0x4c: {  	_ =	shalt  }
0x4d: {  	_ =	shalt  }
0x4e: {  	_ =	shalt  }
0x4f: {  	_ =	shalt  }
0x50: {  	_ =	shalt  }
0x51: {  	_ =	shalt  }
0x52: {  	_ =	shalt  }
0x53: {  	_ =	shalt  }
0x54: {  	_ =	shalt  }
0x55: {  	_ =	shalt  }
0x56: {  	_ =	shalt  }
0x57: {  	_ =	shalt  }
0x58: {  	_ =	shalt  }
0x59: {  	_ =	shalt  }
0x5a: {  	_ =	shalt  }
0x5b: {  	_ =	shalt  }
0x5c: {  	_ =	shalt  }
0x5d: {  	_ =	shalt  }
0x5e: {  	_ =	shalt  }
0x5f: {  	_ =	shalt  }
0x60: {  	_ =	shalt  }
0x61: {  	_ =	shalt  }
0x62: {  	_ =	shalt  }
0x63: {  	_ =	shalt  }
0x64: {  	_ =	shalt  }
0x65: {  	_ =	shalt  }
0x66: {  	_ =	shalt  }
0x67: {  	_ =	shalt  }
0x68: {  	_ =	shalt  }
0x69: {  	_ =	shalt  }
0x6a: {  	_ =	shalt  }
0x6b: {  	_ =	shalt  }
0x6c: {  	_ =	shalt  }
0x6d: {  	_ =	shalt  }
0x6e: {  	_ =	shalt  }
0x6f: {  	_ =	shalt  }
0x70: {  	_ =	shalt  }
0x71: {  	_ =	shalt  }
0x72: {  	_ =	shalt  }
0x73: {  	_ =	shalt  }
0x74: {  	_ =	shalt  }
0x75: {  	_ =	shalt  }
0x76: {  	_ =	shalt  }
0x77: {  	_ =	shalt  }
0x78: {  	_ =	shalt  }
0x79: {  	_ =	shalt  }
0x7a: {  	_ =	shalt  }
0x7b: {  	_ =	shalt  }
0x7c: {  	_ =	shalt  }
0x7d: {  	_ =	shalt  }
0x7e: {  	_ =	shalt  }
0x7f: {  	_ =	shalt  }
0x80: {  	_ =	shalt  }
0x81: {  	_ =	shalt  }
0x82: {  	_ =	shalt  }
0x83: {  	_ =	shalt  }
0x84: {  	_ =	shalt  }
0x85: {  	_ =	shalt  }
0x86: {  	_ =	shalt  }
0x87: {  	_ =	shalt  }
.Lfunc_end0:
.L_simem_size_0:
called_computation_lowered:
.L_overlay_start_0:
0x88: {  	s2 =	sld [smem:$0x3FD9]  }
0x89: {  	s3 =	sld [smem:$0x3FFE];
	_ =	sdelay $0x1  }
0x8a: {  	s1 =	srdreg.scid  }
0x8b: {  	s0 =	sand.u32 $0x1, s1  }
0x8c: {  	s17 =	sshll.u32 s0, $0xA;
	s2 =	sadd.s32 s3, s2  }
0x8d: {  	s2 =	sadd.s32 s2, s17  }
0x8e: {  	[smem:$0x3FC6] =	sst s2  }
0x8f: {  	_ = 	snop  }
0x90: {  	s2 =	sld [smem:$0x3FC8]  }
0x91: {  	s18 =	sld [smem:$0x3FD0];
	(tm) =	ssettm $0x1  }
0x92: {  	s4 =	sld [smem:$0x3FFB];
	_ =	sdelay $0x3  }
0x93: {  	_ =	strace s4  }
0x94: {  	s4 =	sld [smem:$0x3FFC];
	_ =	sdelay $0x3  }
0x95: {  	_ =	strace s4  }
0x96: {  	s4 =	sld [smem:$0x3FFD];
	_ =	sdelay $0x3  }
0x97: {  	_ =	strace s4  }
0x98: {  	_ =	strace $0x8FFFFFFF  }
0x99: {  	s19 =	sld [smem:$0x3FDB];
	_ =	sdelay $0x1  }
0x9a: {  	s5 =	simm.s32 $_scs_section_size  }
0x9b: {  	s6 =	simm.s32 $_size__tile_overlayer_lowered;
	s7 =	simm.s32 $_tile_overlayer_lowered  }
0x9c: {  	s22 =	simm.s32 $0x1BFF;
	s21 =	sshll.u32 s7, $0x1;
	s4 =	sadd.s32 s5, s19  }
0x9d: {  	s8 =	simm.s32 $0x0;
	s20 =	sshll.u32 s6, $0x1;
	s6 =	sadd.s32 s21, s4  }
0x9e: {  	[timem:s8], [sflag:s22] =	dma.local [hbm:s6], s20  }
0x9f: {  	_ =	swait.ge [sflag:s22], s20  }
0xa0: {  	s5 =	ssub.s32 $0x0, s20;
	[sflag:s22] =	ssyncset.done $0x0  }
0xa1: {  	[sflag:s22] =	ssyncadd.s32 s5;
	_ =	sdelay $0x1  }
0xa2: {  	s23 =	simm.s32 $0x1B8B  }
0xa3: {  	_ =	swait.ge [sflag:s23], $0x1  }
0xa4: {  	[sflag:s23] =	ssyncset.done $0x0  }
0xa5: {  	s25 =	simm.s32 $0x1B8E;
	s24 =	sld [smem:$0x3FFE];
	[sflag:s23] =	ssyncadd.s32 $0xFFFFFFFF  }
0xa6: {  	s26 =	simm.s32 $execute0_lowered;
	[smem:$0x3FD2] =	sst s25  }
0xa7: {  	s6 =	sshll.u32 s26, $0x1;
	_ =	strace $0x80000046;
	[dreg:$0x1] =	wrdreg $0xFFFFFFFF  }
0xa8: {  	s28 =	simm.s32 $_size_execute0_lowered;
	s4 =	sadd.s32 s4, s6;
	[dreg:$0x0] =	wrdreg $0x0  }
0xa9: {  	s6 =	sshll.u32 s28, $0x1;
	[dreg:$0x2] =	wrdreg s4  }
0xaa: {  	[dreg:$0x3] =	wrdreg s6  }
0xab: {  	[dreg:$0x4] =	wrdreg $0xC0  }
0xac: {  	_ =	task [dreg:s8], $0x5FFFF  }
0xad: {  	[dreg:$0x1] =	wrdreg $0xFFFFFFFF  }
0xae: {  	[dreg:$0x0] =	wrdreg $0x60  }
0xaf: {  	[dreg:$0x2] =	wrdreg s24  }
0xb0: {  	[dreg:$0x3] =	wrdreg s2  }
0xb1: {  	[dreg:$0x4] =	wrdreg s18  }
0xb2: {  	[dreg:$0x5] =	wrdreg $0x9  }
0xb3: {  	_ =	task.clear_ibuf [dreg:s8], $0x6FFFF;
	_ =	strace $0x90000046  }
0xb4: {  	s29 =	simm.s32 $0x9;
	_ =	strace $0x80000048  }
0xb5: {  	_ =	swait.ge [sflag:s29], $0x1  }
0xb6: {  	[sflag:s29] =	ssyncadd.s32 $0xFFFFFFFF  }
0xb7: {  	_ =	strace $0x90000048  }
0xb8: {  	_ =	sfence  }
0xb9: {  	s30 =	sld [smem:$0x0];
	_ =	sdelay $0x2  }
0xba: {  	s31 =	sshll.u32 s1, $0xD;
	s1 =	sshrl.u32 s1, $0x2  }
0xbb: {  	s3 =	sand.u32 $0x4000, s31;
	s1 =	sadd.s32 s1, s30  }
0xbc: {  	s0 =	sor.u32 s3, s0;
	s1 =	sshll.u32 s1, $0x11  }
0xbd: {  	s0 =	sor.u32 s1, s0  }
0xbe: {  	s0 =	sadd.s32 $0x8F2B, s0  }
0xbf: {  	[sflag:s0] =	ssyncadd.remote.s32 $0x1  }
0xc0: {  	_ =	sfence.sel $0xFFFF  }
0xc1: {  	[dreg:$0x0] =	wrdreg $0xFFFFFFFF;
	(pc) =	sbr.abs _section_cstart, $3  }
0xc2: {  	[dreg:$0x1] =	wrdreg $0xFFFFFFFF  }
0xc3: {  	_ =	task.clear_ibuf [dreg:s8], $0x2FFFF;
	_ =	strace $0x9FFFFFFF  }
0xc4: {  	(tm) =	ssettm $0x7FFFFFFF  }
0xc5: {  	_ =	shalt  }
tec
execute0_lowered:
.L_overlay_start_1:
0x0: {  	(tag) =	ssettag $0x1  }
0x1: {  	s0 =	rddreg [dreg:$0x0]  }
0x2: {  	s2 =	rddreg [dreg:$0x1];
	s1 =	srdreg.scid  }
0x3: {  	s4 =	stileid.u32;
	s3 =	rddreg [dreg:$0x2]  }
0x4: {  	s18 =	simm.s32 $0x16800;
	s19 =	simm.s32 $0x2;
	s20 =	simm.s32 $0xA  }
0x5: {  	s21 =	simm.s32 $0x19000;
	s22 =	simm.s32 $0x3;
	s23 =	simm.s32 $0x9  }
0x6: {  	s24 =	simm.s32 $0x4;
	s1 =	sand.u32 $0x1, s1;
	s4 =	sshll.u32 s4, $0x1  }
0x7: {  	s25 =	simm.s32 $0x5;
	s28 =	simm.s32 $0x7;
	s5 =	sor.u32 s1, s4  }
0x8: {  	s4 =	simm.s32 $0x0;
	s1 =	ssub.s32 $0x2, s1;
	s6 =	smul.u32 $0x500, s5  }
0x9: {  	[smem:$0x7FF] =	sst s4;
	s7 =	sshrl.u32 s1, $0x1;
	s5 =	smul.u32 $0x1900, s5  }
0xa: {  	s29 =	simm.s32 $0x8;
	_ =	strace $0x80000047;
	s1 =	ssub.s32 s1, s7  }
0xb: {  	s0 =	sadd.s32 s6, s0;
	s26 =	sor.u32 $0x50, s5;
	s30 =	sor.u32 $0xA0, s5  }
.Ltmp0:
0xc: {  	s9 =	sor.u32 $0xF0, s5;
	s10 =	sadd.s32 $0x140, s5;
	(pc) =	sbr.rel .LBB2_1-.Ltmp0, $4  }
0xd: {  	s11 =	sadd.s32 $0x190, s5;
	s12 =	sadd.s32 $0x1E0, s5;
	[dreg:$0x5] =	wrdreg s26  }
0xe: {  	s13 =	sadd.s32 $0x230, s5;
	s31 =	smax.u32 s1, $0x1;
	[dreg:$0x6] =	wrdreg s30  }
0xf: {  	s6 =	simm.s32 $0x0;
	s0 =	sadd.s32 $0x400, s0;
	[dreg:$0x7] =	wrdreg s31  }
0x10: {  	s26 =	simm.s32 $0x6;
	[dreg:$0x4] =	wrdreg s0;
	s0 =	simm.s32 $0x1  }
.LBB2_24:
0x11: {  	_ =	swait.ge [sflag:s23], $0x2800  }
0x12: {  	[sflag:s23] =	ssyncset.done $0x0  }
0x13: {  	[sflag:s23] =	ssyncadd.s32 $0xFFFFD800  }
0x14: {  	_ =	swait.ge [sflag:s20], $0x2800  }
0x15: {  	s6 =	rddreg [dreg:$0x8]  }
0x16: {  	s1 =	rddreg [dreg:$0x7];
	s6 =	sadd.s32 $0x1, s6  }
0x17: {  	p0 =	sne.s32 s6, s1  }
.Ltmp1:
0x18: {  	_ = 	snop;
	(pc) =	sbr.rel @!p0 .LBB2_25-.Ltmp1, $3  }
0x19: {  	_ =	sdelay $0x1  }
0x1a: {  	[sflag:s20] =	ssyncset.done $0x0  }
0x1b: {  	[sflag:s20] =	ssyncadd.s32 $0xFFFFD800  }
.LBB2_1:
0x1c: {  	[dreg:$0x8] =	wrdreg s6  }
0x1d: {  	s1 =	rddreg [dreg:$0x4];
	s16 =	simm.s32 $0xB  }
0x1e: {  	[tilespmem:s4], [sflag:$0xB] =	stream.linear.gather [hbm4b:s1+s4], $0x2800, $0x38;
	[tilespmem:$0x1B800] =	vst v63  }
0x1f: {  	_ =	swait.ge [sflag:s16], $0x2800  }
0x20: {  	[sflag:s16] =	ssyncset.done $0x0  }
0x21: {  	s17 =	simm.s32 $0x2800;
	s1 =	simm.s32 $0x50;
	[sflag:s16] =	ssyncadd.s32 $0xFFFFD800  }
0x22: {  	[tilespmem:s17], [sflag:$0x1] =	stream.indirect.gather [hbm4b:s2+s1], $0x80, s4, s1, $0xb8;
	[tilespmem:$0x1B800] =	vst v63  }
0x23: {  	s30 =	simm.s32 $0x80;
	s7 =	simm.s32 $0x5000  }
0x24: {  	[tilespmem:s7], [sflag:$0x2] =	stream.indirect.gather [hbm4b:s2+s1], $0x80, s30, s1, $0xb8;
	[tilespmem:$0x1B800] =	vst v63  }
0x25: {  	s8 =	simm.s32 $0x100;
	s14 =	simm.s32 $0x7800  }
0x26: {  	[tilespmem:s14], [sflag:$0x3] =	stream.indirect.gather [hbm4b:s2+s1], $0x80, s8, s1, $0xb8;
	[tilespmem:$0x1B800] =	vst v63  }
0x27: {  	s15 =	simm.s32 $0x180;
	s16 =	simm.s32 $0xA000  }
0x28: {  	[tilespmem:s16], [sflag:$0x4] =	stream.indirect.gather [hbm4b:s2+s1], $0x80, s15, s1, $0xb8;
	[tilespmem:$0x1B800] =	vst v63  }
0x29: {  	s17 =	simm.s32 $0x200;
	s30 =	simm.s32 $0xC800  }
0x2a: {  	[tilespmem:s30], [sflag:$0x5] =	stream.indirect.gather [hbm4b:s2+s1], $0x80, s17, s1, $0xb8;
	[tilespmem:$0x1B800] =	vst v63  }
0x2b: {  	s8 =	simm.s32 $0x280;
	s14 =	simm.s32 $0xF000  }
0x2c: {  	[tilespmem:s14], [sflag:$0x6] =	stream.indirect.gather [hbm4b:s2+s1], $0x80, s8, s1, $0xb8;
	[tilespmem:$0x1B800] =	vst v63  }
0x2d: {  	s15 =	simm.s32 $0x300;
	s16 =	simm.s32 $0x11800  }
0x2e: {  	[tilespmem:s16], [sflag:$0x7] =	stream.indirect.gather [hbm4b:s2+s1], $0x80, s15, s1, $0xb8;
	[tilespmem:$0x1B800] =	vst v63  }
0x2f: {  	s31 =	simm.s32 $0x0;
	s17 =	simm.s32 $0x380;
	s30 =	simm.s32 $0x14000  }
0x30: {  	[tilespmem:s30], [sflag:$0x8] =	stream.indirect.gather [hbm4b:s2+s1], $0x80, s17, s1, $0xb8;
	[tilespmem:$0x1B800] =	vst v63  }
.LBB2_2:
0x31: {  	_ =	swait.ge [sflag:s0], $0x2800  }
0x32: {  	p0 =	seq.s32 s31, $0x0;
	[sflag:s0] =	ssyncset.done $0x0  }
0x33: {  	s1 =	simm.s32 @!p0 $0x9;
	[sflag:s0] =	ssyncadd.s32 $0xFFFFD800  }
0x34: {  	_ =	swait.ge @!p0 [sflag:s1], $0x2800  }
0x35: {  	[sflag:s1] =	ssyncset.done @!p0 $0x0  }
0x36: {  	s7 =	simm.s32 $0x2900;
	[sflag:s1] =	ssyncadd.s32 @!p0 $0xFFFFD800  }
0x37: {  	v0 =	vld [tilespmem:s7+$0x80];
	_ =	sdelay $0x3  }
0x38: {  	v1 =	vld [tilespmem:s7+$0xFFFFFF00]  }
0x39: {  	v2 =	vld [tilespmem:s7+$0xFFFFFF80];
	v0 =	vmul.f32 $1.131370830e+01, v0  }
0x3a: {  	s14 =	simm.s32 $0x16900;
	v3 =	vld [tilespmem:s7+$0x0]  }
0x3b: {  	[tilespmem:s14+$0x80] =	vst v0  }
0x3c: {  	v0 =	vld [tilespmem:s7+$0x90]  }
0x3d: {  	v1 =	vmul.f32 $1.131370830e+01, v1  }
0x3e: {  	v2 =	vmul.f32 $1.131370830e+01, v2  }
0x3f: {  	v3 =	vmul.f32 $1.131370830e+01, v3;
	[tilespmem:s14+$0xFFFFFF00] =	vst v1  }
0x40: {  	[tilespmem:s14+$0xFFFFFF80] =	vst v2;
	v1 =	vld [tilespmem:s7+$0xFFFFFF10]  }
0x41: {  	[tilespmem:s14+$0x0] =	vst v3;
	v2 =	vld [tilespmem:s7+$0xFFFFFF90];
	v0 =	vmul.f32 $1.131370830e+01, v0  }
0x42: {  	v3 =	vld [tilespmem:s7+$0x10]  }
0x43: {  	[tilespmem:s14+$0x90] =	vst v0  }
0x44: {  	v0 =	vld [tilespmem:s7+$0xA0]  }
0x45: {  	v1 =	vmul.f32 $1.131370830e+01, v1  }
0x46: {  	v2 =	vmul.f32 $1.131370830e+01, v2  }
0x47: {  	v3 =	vmul.f32 $1.131370830e+01, v3;
	[tilespmem:s14+$0xFFFFFF10] =	vst v1  }
0x48: {  	[tilespmem:s14+$0xFFFFFF90] =	vst v2;
	v1 =	vld [tilespmem:s7+$0xFFFFFF20]  }
0x49: {  	[tilespmem:s14+$0x10] =	vst v3;
	v2 =	vld [tilespmem:s7+$0xFFFFFFA0];
	v0 =	vmul.f32 $1.131370830e+01, v0  }
0x4a: {  	v3 =	vld [tilespmem:s7+$0x20]  }
0x4b: {  	[tilespmem:s14+$0xA0] =	vst v0  }
0x4c: {  	v0 =	vld [tilespmem:s7+$0xB0]  }
0x4d: {  	v1 =	vmul.f32 $1.131370830e+01, v1  }
0x4e: {  	v2 =	vmul.f32 $1.131370830e+01, v2  }
0x4f: {  	v3 =	vmul.f32 $1.131370830e+01, v3;
	[tilespmem:s14+$0xFFFFFF20] =	vst v1  }
0x50: {  	[tilespmem:s14+$0xFFFFFFA0] =	vst v2;
	v1 =	vld [tilespmem:s7+$0xFFFFFF30]  }
0x51: {  	[tilespmem:s14+$0x20] =	vst v3;
	v2 =	vld [tilespmem:s7+$0xFFFFFFB0];
	v0 =	vmul.f32 $1.131370830e+01, v0  }
0x52: {  	s15 =	simm.s32 $0x2B00;
	v3 =	vld [tilespmem:s7+$0x30]  }
0x53: {  	[tilespmem:s14+$0xB0] =	vst v0;
	v0 =	vld [tilespmem:s15+$0x80]  }
0x54: {  	v4 =	vld [tilespmem:s7+$0xC0]  }
0x55: {  	v5 =	vld [tilespmem:s15+$0xFFFFFF80];
	v1 =	vmul.f32 $1.131370830e+01, v1  }
0x56: {  	v6 =	vld [tilespmem:s15+$0x0];
	v2 =	vmul.f32 $1.131370830e+01, v2  }
0x57: {  	v3 =	vmul.f32 $1.131370830e+01, v3;
	[tilespmem:s14+$0xFFFFFF30] =	vst v1;
	v1 =	vld [tilespmem:s15+$0xFFFFFF00]  }
0x58: {  	[tilespmem:s14+$0xFFFFFFB0] =	vst v2;
	v2 =	vld [tilespmem:s7+$0xFFFFFF40];
	v0 =	vmul.f32 $1.131370830e+01, v0  }
0x59: {  	s17 =	simm.s32 $0x16B00;
	[tilespmem:s14+$0x30] =	vst v3;
	v3 =	vld [tilespmem:s7+$0xFFFFFFC0];
	v4 =	vmul.f32 $1.131370830e+01, v4  }
0x5a: {  	v5 =	vmul.f32 $1.131370830e+01, v5;
	[tilespmem:s17+$0x80] =	vst v0;
	v0 =	vld [tilespmem:s7+$0x40]  }
0x5b: {  	v6 =	vmul.f32 $1.131370830e+01, v6;
	v7 =	vld [tilespmem:s15+$0x90];
	[tilespmem:s14+$0xC0] =	vst v4  }
0x5c: {  	[tilespmem:s17+$0xFFFFFF80] =	vst v5;
	v1 =	vmul.f32 $1.131370830e+01, v1;
	v4 =	vld [tilespmem:s7+$0xD0]  }
0x5d: {  	[tilespmem:s17+$0x0] =	vst v6;
	v5 =	vld [tilespmem:s15+$0xFFFFFF90];
	v2 =	vmul.f32 $1.131370830e+01, v2  }
0x5e: {  	v3 =	vmul.f32 $1.131370830e+01, v3;
	[tilespmem:s17+$0xFFFFFF00] =	vst v1;
	v1 =	vld [tilespmem:s15+$0x10]  }
0x5f: {  	v6 =	vld [tilespmem:s15+$0xFFFFFF10];
	[tilespmem:s14+$0xFFFFFF40] =	vst v2;
	v0 =	vmul.f32 $1.131370830e+01, v0  }
0x60: {  	[tilespmem:s14+$0xFFFFFFC0] =	vst v3;
	v2 =	vmul.f32 $1.131370830e+01, v7;
	v7 =	vld [tilespmem:s7+$0xFFFFFF50]  }
0x61: {  	v3 =	vld [tilespmem:s7+$0xFFFFFFD0];
	[tilespmem:s14+$0x40] =	vst v0;
	v0 =	vmul.f32 $1.131370830e+01, v4  }
0x62: {  	v4 =	vmul.f32 $1.131370830e+01, v5;
	[tilespmem:s17+$0x90] =	vst v2;
	v2 =	vld [tilespmem:s7+$0x50]  }
0x63: {  	v1 =	vmul.f32 $1.131370830e+01, v1;
	v5 =	vld [tilespmem:s15+$0xA0];
	[tilespmem:s14+$0xD0] =	vst v0  }
0x64: {  	v0 =	vmul.f32 $1.131370830e+01, v6;
	[tilespmem:s17+$0xFFFFFF90] =	vst v4;
	v4 =	vld [tilespmem:s7+$0xE0]  }
0x65: {  	[tilespmem:s17+$0x10] =	vst v1;
	v6 =	vld [tilespmem:s15+$0xFFFFFFA0];
	v1 =	vmul.f32 $1.131370830e+01, v7  }
0x66: {  	v3 =	vmul.f32 $1.131370830e+01, v3;
	[tilespmem:s17+$0xFFFFFF10] =	vst v0;
	v0 =	vld [tilespmem:s15+$0x20]  }
0x67: {  	v7 =	vld [tilespmem:s15+$0xFFFFFF20];
	[tilespmem:s14+$0xFFFFFF50] =	vst v1;
	v1 =	vmul.f32 $1.131370830e+01, v2  }
0x68: {  	[tilespmem:s14+$0xFFFFFFD0] =	vst v3;
	v2 =	vmul.f32 $1.131370830e+01, v5;
	v5 =	vld [tilespmem:s7+$0xFFFFFF60]  }
0x69: {  	v3 =	vld [tilespmem:s7+$0xFFFFFFE0];
	[tilespmem:s14+$0x50] =	vst v1;
	v1 =	vmul.f32 $1.131370830e+01, v4  }
0x6a: {  	v4 =	vmul.f32 $1.131370830e+01, v6;
	[tilespmem:s17+$0xA0] =	vst v2;
	v2 =	vld [tilespmem:s7+$0x60]  }
0x6b: {  	v0 =	vmul.f32 $1.131370830e+01, v0;
	v6 =	vld [tilespmem:s15+$0xB0];
	[tilespmem:s14+$0xE0] =	vst v1  }
0x6c: {  	v1 =	vmul.f32 $1.131370830e+01, v7;
	[tilespmem:s17+$0xFFFFFFA0] =	vst v4;
	v7 =	vld [tilespmem:s7+$0xF0]  }
0x6d: {  	v8 =	vld [tilespmem:s15+$0xFFFFFFB0];
	[tilespmem:s17+$0x20] =	vst v0;
	v0 =	vmul.f32 $1.131370830e+01, v5  }
0x6e: {  	v3 =	vmul.f32 $1.131370830e+01, v3;
	[tilespmem:s17+$0xFFFFFF20] =	vst v1;
	v4 =	vld [tilespmem:s15+$0x30]  }
0x6f: {  	v5 =	vld [tilespmem:s15+$0xFFFFFF30];
	[tilespmem:s14+$0xFFFFFF60] =	vst v0;
	v2 =	vmul.f32 $1.131370830e+01, v2  }
0x70: {  	[tilespmem:s14+$0xFFFFFFE0] =	vst v3;
	v9 =	vmul.f32 $1.131370830e+01, v6;
	v1 =	vld [tilespmem:s7+$0xFFFFFF70]  }
0x71: {  	v0 =	vld [tilespmem:s7+$0xFFFFFFF0];
	[tilespmem:s14+$0x60] =	vst v2;
	v3 =	vmul.f32 $1.131370830e+01, v7  }
0x72: {  	s6 =	sshll.u32 s31, $0xC;
	s16 =	simm.s32 $0x2D00;
	s1 =	simm.s32 $0x4;
	v6 =	vmul.f32 $1.131370830e+01, v8;
	[tilespmem:s17+$0xB0] =	vst v9;
	v2 =	vld [tilespmem:s7+$0x70]  }
.LBB2_3:
0x73: {  	v7 =	vld [tilespmem:s16+$0x80];
	v4 =	vmul.f32 $1.131370830e+01, v4;
	[tilespmem:s14+$0xF0] =	vst v3  }
0x74: {  	s1 =	sadd.s32 $0x4, s1;
	v3 =	vmul.f32 $1.131370830e+01, v5;
	[tilespmem:s17+$0xFFFFFFB0] =	vst v6;
	v5 =	vld [tilespmem:s15+$0xC0]  }
0x75: {  	p1 =	slt.u32 s1, $0x4C;
	v6 =	vld [tilespmem:s16+$0xFFFFFF80];
	[tilespmem:s17+$0x30] =	vst v4;
	v1 =	vmul.f32 $1.131370830e+01, v1  }
0x76: {  	v4 =	vld [tilespmem:s16+$0x0];
	[tilespmem:s17+$0xFFFFFF30] =	vst v3;
	v0 =	vmul.f32 $1.131370830e+01, v0  }
0x77: {  	v3 =	vld [tilespmem:s16+$0xFFFFFF00];
	[tilespmem:s14+$0xFFFFFF70] =	vst v1;
	v1 =	vmul.f32 $1.131370830e+01, v2  }
0x78: {  	v2 =	vmul.f32 $1.131370830e+01, v7;
	v7 =	vld [tilespmem:s15+$0xFFFFFF40];
	[tilespmem:s14+$0xFFFFFFF0] =	vst v0  }
0x79: {  	v0 =	vld [tilespmem:s15+$0xFFFFFFC0];
	v5 =	vmul.f32 $1.131370830e+01, v5;
	[tilespmem:s14+$0x70] =	vst v1;
	s14 =	smov.u32 s17;
	s17 =	sadd.s32 $0x200, s17  }
0x7a: {  	v1 =	vmul.f32 $1.131370830e+01, v6;
	[tilespmem:s17+$0x80] =	vst v2;
	v2 =	vld [tilespmem:s15+$0x40]  }
0x7b: {  	v4 =	vmul.f32 $1.131370830e+01, v4;
	v6 =	vld [tilespmem:s16+$0x90];
	[tilespmem:s14+$0xC0] =	vst v5  }
0x7c: {  	v3 =	vmul.f32 $1.131370830e+01, v3;
	[tilespmem:s17+$0xFFFFFF80] =	vst v1;
	v1 =	vld [tilespmem:s15+$0xD0]  }
0x7d: {  	v5 =	vld [tilespmem:s16+$0xFFFFFF90];
	[tilespmem:s17+$0x0] =	vst v4;
	v4 =	vmul.f32 $1.131370830e+01, v7  }
0x7e: {  	[tilespmem:s17+$0xFFFFFF00] =	vst v3;
	v3 =	vld [tilespmem:s16+$0x10];
	v0 =	vmul.f32 $1.131370830e+01, v0  }
0x7f: {  	v7 =	vld [tilespmem:s16+$0xFFFFFF10];
	[tilespmem:s14+$0xFFFFFF40] =	vst v4;
	v2 =	vmul.f32 $1.131370830e+01, v2  }
0x80: {  	v4 =	vmul.f32 $1.131370830e+01, v6;
	v6 =	vld [tilespmem:s15+$0xFFFFFF50];
	[tilespmem:s14+$0xFFFFFFC0] =	vst v0  }
0x81: {  	v0 =	vld [tilespmem:s15+$0xFFFFFFD0];
	[tilespmem:s14+$0x40] =	vst v2;
	v1 =	vmul.f32 $1.131370830e+01, v1  }
0x82: {  	v2 =	vmul.f32 $1.131370830e+01, v5;
	[tilespmem:s17+$0x90] =	vst v4;
	v4 =	vld [tilespmem:s15+$0x50]  }
0x83: {  	v3 =	vmul.f32 $1.131370830e+01, v3;
	v5 =	vld [tilespmem:s16+$0xA0];
	[tilespmem:s14+$0xD0] =	vst v1  }
0x84: {  	v1 =	vmul.f32 $1.131370830e+01, v7;
	[tilespmem:s17+$0xFFFFFF90] =	vst v2;
	v2 =	vld [tilespmem:s15+$0xE0]  }
0x85: {  	v7 =	vld [tilespmem:s16+$0xFFFFFFA0];
	[tilespmem:s17+$0x10] =	vst v3;
	v3 =	vmul.f32 $1.131370830e+01, v6  }
0x86: {  	[tilespmem:s17+$0xFFFFFF10] =	vst v1;
	v1 =	vld [tilespmem:s16+$0x20];
	v0 =	vmul.f32 $1.131370830e+01, v0  }
0x87: {  	v6 =	vld [tilespmem:s16+$0xFFFFFF20];
	[tilespmem:s14+$0xFFFFFF50] =	vst v3;
	v3 =	vmul.f32 $1.131370830e+01, v4  }
0x88: {  	v4 =	vmul.f32 $1.131370830e+01, v5;
	v5 =	vld [tilespmem:s15+$0xFFFFFF60];
	[tilespmem:s14+$0xFFFFFFD0] =	vst v0  }
0x89: {  	v0 =	vld [tilespmem:s15+$0xFFFFFFE0];
	[tilespmem:s14+$0x50] =	vst v3;
	v2 =	vmul.f32 $1.131370830e+01, v2  }
0x8a: {  	v3 =	vmul.f32 $1.131370830e+01, v7;
	[tilespmem:s17+$0xA0] =	vst v4;
	v7 =	vld [tilespmem:s15+$0x60]  }
0x8b: {  	v1 =	vmul.f32 $1.131370830e+01, v1;
	v8 =	vld [tilespmem:s16+$0xB0];
	[tilespmem:s14+$0xE0] =	vst v2  }
0x8c: {  	v2 =	vmul.f32 $1.131370830e+01, v6;
	[tilespmem:s17+$0xFFFFFFA0] =	vst v3;
	v3 =	vld [tilespmem:s15+$0xF0]  }
0x8d: {  	v6 =	vld [tilespmem:s16+$0xFFFFFFB0];
	[tilespmem:s17+$0x20] =	vst v1;
	v1 =	vmul.f32 $1.131370830e+01, v5  }
.Ltmp2:
0x8e: {  	[tilespmem:s17+$0xFFFFFF20] =	vst v2;
	v4 =	vld [tilespmem:s16+$0x30];
	v0 =	vmul.f32 $1.131370830e+01, v0;
	(pc) =	sbr.rel @p1 .LBB2_3-.Ltmp2, $4  }
0x8f: {  	v5 =	vld [tilespmem:s16+$0xFFFFFF30];
	[tilespmem:s14+$0xFFFFFF60] =	vst v1;
	v2 =	vmul.f32 $1.131370830e+01, v7  }
0x90: {  	v7 =	vmul.f32 $1.131370830e+01, v8;
	v1 =	vld [tilespmem:s15+$0xFFFFFF70];
	[tilespmem:s14+$0xFFFFFFE0] =	vst v0  }
0x91: {  	v0 =	vld [tilespmem:s15+$0xFFFFFFF0];
	[tilespmem:s14+$0x60] =	vst v2;
	v3 =	vmul.f32 $1.131370830e+01, v3  }
0x92: {  	v6 =	vmul.f32 $1.131370830e+01, v6;
	[tilespmem:s17+$0xB0] =	vst v7;
	v2 =	vld [tilespmem:s15+$0x70];
	s15 =	smov.u32 s16;
	s16 =	sadd.s32 $0x200, s16  }
0x93: {  	v4 =	vmul.f32 $1.131370830e+01, v4  }
0x94: {  	v7 =	vld [tilespmem:s15+$0xC0];
	v5 =	vmul.f32 $1.131370830e+01, v5;
	[tilespmem:s17+$0xFFFFFFB0] =	vst v6  }
0x95: {  	[tilespmem:s17+$0x30] =	vst v4;
	v51 =	vld [tilespmem:s15+$0xFFFFFFC0]  }
0x96: {  	[tilespmem:s17+$0xFFFFFF30] =	vst v5;
	v52 =	vld [tilespmem:s15+$0x40]  }
0x97: {  	v5 =	vld [tilespmem:s15+$0xFFFFFF40];
	_ =	sdelay $0x1  }
0x98: {  	v7 =	vmul.f32 $1.131370830e+01, v7  }
0x99: {  	v4 =	vmul.f32 $1.131370830e+01, v51  }
0x9a: {  	[tilespmem:s17+$0xC0] =	vst v7;
	v53 =	vmul.f32 $1.131370830e+01, v52  }
0x9b: {  	v7 =	vld [tilespmem:s15+$0xD0];
	v5 =	vmul.f32 $1.131370830e+01, v5;
	[tilespmem:s17+$0xFFFFFFC0] =	vst v4  }
0x9c: {  	v4 =	vld [tilespmem:s15+$0xFFFFFFD0];
	[tilespmem:s17+$0x40] =	vst v53  }
0x9d: {  	[tilespmem:s17+$0xFFFFFF40] =	vst v5;
	v5 =	vld [tilespmem:s15+$0x50]  }
0x9e: {  	v54 =	vld [tilespmem:s15+$0xFFFFFF50];
	_ =	sdelay $0x1  }
0x9f: {  	v7 =	vmul.f32 $1.131370830e+01, v7  }
0xa0: {  	v4 =	vmul.f32 $1.131370830e+01, v4  }
0xa1: {  	[tilespmem:s17+$0xD0] =	vst v7;
	v5 =	vmul.f32 $1.131370830e+01, v5  }
0xa2: {  	v7 =	vld [tilespmem:s15+$0xE0];
	v6 =	vmul.f32 $1.131370830e+01, v54;
	[tilespmem:s17+$0xFFFFFFD0] =	vst v4  }
0xa3: {  	v4 =	vld [tilespmem:s15+$0xFFFFFFE0];
	[tilespmem:s17+$0x50] =	vst v5  }
0xa4: {  	[tilespmem:s17+$0xFFFFFF50] =	vst v6;
	v5 =	vld [tilespmem:s15+$0x60]  }
0xa5: {  	v6 =	vld [tilespmem:s15+$0xFFFFFF60];
	_ =	sdelay $0x1  }
0xa6: {  	v7 =	vmul.f32 $1.131370830e+01, v7  }
0xa7: {  	v4 =	vmul.f32 $1.131370830e+01, v4  }
0xa8: {  	[tilespmem:s17+$0xE0] =	vst v7;
	v5 =	vmul.f32 $1.131370830e+01, v5  }
0xa9: {  	v55 =	vld [tilespmem:s15+$0xF0];
	v6 =	vmul.f32 $1.131370830e+01, v6;
	[tilespmem:s17+$0xFFFFFFE0] =	vst v4  }
0xaa: {  	[tilespmem:s17+$0x60] =	vst v5;
	v57 =	vld [tilespmem:s15+$0xFFFFFFF0]  }
0xab: {  	v1 =	vmul.f32 $1.131370830e+01, v1;
	[tilespmem:s17+$0xFFFFFF60] =	vst v6;
	v58 =	vld [tilespmem:s15+$0x70]  }
0xac: {  	[tilespmem:s14+$0xF0] =	vst v3;
	v0 =	vmul.f32 $1.131370830e+01, v0;
	v56 =	vld [tilespmem:s15+$0xFFFFFF70]  }
0xad: {  	[tilespmem:s14+$0xFFFFFF70] =	vst v1;
	v59 =	vmul.f32 $1.131370830e+01, v2  }
0xae: {  	[tilespmem:s14+$0xFFFFFFF0] =	vst v0;
	v60 =	vmul.f32 $1.131370830e+01, v55  }
0xaf: {  	p1 =	sne.s32 s31, $0x9;
	[tilespmem:s14+$0x70] =	vst v59;
	s14 =	smul.u32 $0x280, s31;
	v62 =	vmul.f32 $1.131370830e+01, v57  }
.Ltmp3:
0xb0: {  	[tilespmem:s17+$0xF0] =	vst v60;
	v63 =	vmul.f32 $1.131370830e+01, v58;
	(pc) =	sbr.rel @p1 .LBB2_6-.Ltmp3, $4  }
0xb1: {  	s1 =	sadd.s32 s5, s14;
	v61 =	vmul.f32 $1.131370830e+01, v56;
	[tilespmem:s17+$0xFFFFFFF0] =	vst v62  }
0xb2: {  	s1 =	sshll.u32 s1, $0x4;
	[tilespmem:s17+$0x70] =	vst v63  }
0xb3: {  	s1 =	sadd.s32 s3, s1;
	[tilespmem:s17+$0xFFFFFF70] =	vst v61  }
0xb4: {  	[hbm4b:s1+s4] =	stream.linear.scatter [tilespmem:s18], [sflag:$0x9], $0x2800, $0x38;
	[tilespmem:$0x1B800] =	vst v63  }
.Ltmp4:
0xb5: {  	(pc) =	sbr.rel .LBB2_7-.Ltmp4, $4  }
0xb6: {  	_ = 	snop  }
0xb7: {  	_ =	swait.ge [sflag:s19], $0x2800  }
0xb8: {  	[sflag:s19] =	ssyncset.done $0x0  }
0xb9: {  	[sflag:s19] =	ssyncadd.s32 $0xFFFFD800  }
.LBB2_6:
0xba: {  	s1 =	sshrl.u32 s6, $0x2;
	s7 =	simm.s32 $0x50  }
.Ltmp5:
0xbb: {  	s8 =	simm.s32 $0x2800;
	s1 =	sadd.s32 $0x400, s1;
	(pc) =	sbr.rel @p0 .LBB2_8-.Ltmp5, $4  }
0xbc: {  	[tilespmem:s8], [sflag:$0x1] =	stream.indirect.gather [hbm4b:s2+s7], $0x80, s1, s7, $0xb8;
	[tilespmem:$0x1B800] =	vst v63  }
0xbd: {  	_ =	swait.ge [sflag:s19], $0x2800  }
0xbe: {  	[sflag:s19] =	ssyncset.done $0x0  }
0xbf: {  	[sflag:s19] =	ssyncadd.s32 $0xFFFFD800  }
.LBB2_7:
0xc0: {  	_ =	swait.ge [sflag:s20], $0x2800  }
0xc1: {  	[sflag:s20] =	ssyncset.done $0x0  }
0xc2: {  	[sflag:s20] =	ssyncadd.s32 $0xFFFFD800  }
.LBB2_8:
0xc3: {  	s7 =	simm.s32 $0x5100  }
0xc4: {  	v0 =	vld [tilespmem:s7+$0x80];
	_ =	sdelay $0x3  }
0xc5: {  	v1 =	vld [tilespmem:s7+$0xFFFFFF00]  }
0xc6: {  	v2 =	vld [tilespmem:s7+$0xFFFFFF80];
	v0 =	vmul.f32 $1.131370830e+01, v0  }
0xc7: {  	s15 =	simm.s32 $0x19100;
	v3 =	vld [tilespmem:s7+$0x0]  }
0xc8: {  	[tilespmem:s15+$0x80] =	vst v0  }
0xc9: {  	v0 =	vld [tilespmem:s7+$0x90]  }
0xca: {  	v1 =	vmul.f32 $1.131370830e+01, v1  }
0xcb: {  	v2 =	vmul.f32 $1.131370830e+01, v2  }
0xcc: {  	v3 =	vmul.f32 $1.131370830e+01, v3;
	[tilespmem:s15+$0xFFFFFF00] =	vst v1  }
0xcd: {  	[tilespmem:s15+$0xFFFFFF80] =	vst v2;
	v1 =	vld [tilespmem:s7+$0xFFFFFF10]  }
0xce: {  	[tilespmem:s15+$0x0] =	vst v3;
	v2 =	vld [tilespmem:s7+$0xFFFFFF90];
	v0 =	vmul.f32 $1.131370830e+01, v0  }
0xcf: {  	v3 =	vld [tilespmem:s7+$0x10]  }
0xd0: {  	[tilespmem:s15+$0x90] =	vst v0  }
0xd1: {  	v0 =	vld [tilespmem:s7+$0xA0]  }
0xd2: {  	v1 =	vmul.f32 $1.131370830e+01, v1  }
0xd3: {  	v2 =	vmul.f32 $1.131370830e+01, v2  }
0xd4: {  	v3 =	vmul.f32 $1.131370830e+01, v3;
	[tilespmem:s15+$0xFFFFFF10] =	vst v1  }
0xd5: {  	[tilespmem:s15+$0xFFFFFF90] =	vst v2;
	v1 =	vld [tilespmem:s7+$0xFFFFFF20]  }
0xd6: {  	[tilespmem:s15+$0x10] =	vst v3;
	v2 =	vld [tilespmem:s7+$0xFFFFFFA0];
	v0 =	vmul.f32 $1.131370830e+01, v0  }
0xd7: {  	v3 =	vld [tilespmem:s7+$0x20]  }
0xd8: {  	[tilespmem:s15+$0xA0] =	vst v0  }
0xd9: {  	v0 =	vld [tilespmem:s7+$0xB0]  }
0xda: {  	v1 =	vmul.f32 $1.131370830e+01, v1  }
0xdb: {  	v2 =	vmul.f32 $1.131370830e+01, v2  }
0xdc: {  	v3 =	vmul.f32 $1.131370830e+01, v3;
	[tilespmem:s15+$0xFFFFFF20] =	vst v1  }
0xdd: {  	[tilespmem:s15+$0xFFFFFFA0] =	vst v2;
	v1 =	vld [tilespmem:s7+$0xFFFFFF30]  }
0xde: {  	[tilespmem:s15+$0x20] =	vst v3;
	v2 =	vld [tilespmem:s7+$0xFFFFFFB0];
	v0 =	vmul.f32 $1.131370830e+01, v0  }
0xdf: {  	s30 =	simm.s32 $0x5300;
	v3 =	vld [tilespmem:s7+$0x30]  }
0xe0: {  	[tilespmem:s15+$0xB0] =	vst v0;
	v0 =	vld [tilespmem:s30+$0x80]  }
0xe1: {  	v4 =	vld [tilespmem:s7+$0xC0]  }
0xe2: {  	v5 =	vld [tilespmem:s30+$0xFFFFFF80];
	v1 =	vmul.f32 $1.131370830e+01, v1  }
0xe3: {  	v6 =	vld [tilespmem:s30+$0x0];
	v2 =	vmul.f32 $1.131370830e+01, v2  }
0xe4: {  	v3 =	vmul.f32 $1.131370830e+01, v3;
	[tilespmem:s15+$0xFFFFFF30] =	vst v1;
	v1 =	vld [tilespmem:s30+$0xFFFFFF00]  }
0xe5: {  	[tilespmem:s15+$0xFFFFFFB0] =	vst v2;
	v2 =	vld [tilespmem:s7+$0xFFFFFF40];
	v0 =	vmul.f32 $1.131370830e+01, v0  }
0xe6: {  	s17 =	simm.s32 $0x19300;
	[tilespmem:s15+$0x30] =	vst v3;
	v3 =	vld [tilespmem:s7+$0xFFFFFFC0];
	v4 =	vmul.f32 $1.131370830e+01, v4  }
0xe7: {  	v5 =	vmul.f32 $1.131370830e+01, v5;
	[tilespmem:s17+$0x80] =	vst v0;
	v0 =	vld [tilespmem:s7+$0x40]  }
0xe8: {  	v6 =	vmul.f32 $1.131370830e+01, v6;
	v7 =	vld [tilespmem:s30+$0x90];
	[tilespmem:s15+$0xC0] =	vst v4  }
0xe9: {  	[tilespmem:s17+$0xFFFFFF80] =	vst v5;
	v1 =	vmul.f32 $1.131370830e+01, v1;
	v4 =	vld [tilespmem:s7+$0xD0]  }
0xea: {  	[tilespmem:s17+$0x0] =	vst v6;
	v5 =	vld [tilespmem:s30+$0xFFFFFF90];
	v2 =	vmul.f32 $1.131370830e+01, v2  }
0xeb: {  	v3 =	vmul.f32 $1.131370830e+01, v3;
	[tilespmem:s17+$0xFFFFFF00] =	vst v1;
	v1 =	vld [tilespmem:s30+$0x10]  }
0xec: {  	v6 =	vld [tilespmem:s30+$0xFFFFFF10];
	[tilespmem:s15+$0xFFFFFF40] =	vst v2;
	v0 =	vmul.f32 $1.131370830e+01, v0  }
0xed: {  	[tilespmem:s15+$0xFFFFFFC0] =	vst v3;
	v2 =	vmul.f32 $1.131370830e+01, v7;
	v7 =	vld [tilespmem:s7+$0xFFFFFF50]  }
0xee: {  	v3 =	vld [tilespmem:s7+$0xFFFFFFD0];
	[tilespmem:s15+$0x40] =	vst v0;
	v0 =	vmul.f32 $1.131370830e+01, v4  }
0xef: {  	v4 =	vmul.f32 $1.131370830e+01, v5;
	[tilespmem:s17+$0x90] =	vst v2;
	v2 =	vld [tilespmem:s7+$0x50]  }
0xf0: {  	v1 =	vmul.f32 $1.131370830e+01, v1;
	v5 =	vld [tilespmem:s30+$0xA0];
	[tilespmem:s15+$0xD0] =	vst v0  }
0xf1: {  	v0 =	vmul.f32 $1.131370830e+01, v6;
	[tilespmem:s17+$0xFFFFFF90] =	vst v4;
	v4 =	vld [tilespmem:s7+$0xE0]  }
0xf2: {  	[tilespmem:s17+$0x10] =	vst v1;
	v6 =	vld [tilespmem:s30+$0xFFFFFFA0];
	v1 =	vmul.f32 $1.131370830e+01, v7  }
0xf3: {  	v3 =	vmul.f32 $1.131370830e+01, v3;
	[tilespmem:s17+$0xFFFFFF10] =	vst v0;
	v0 =	vld [tilespmem:s30+$0x20]  }
0xf4: {  	v7 =	vld [tilespmem:s30+$0xFFFFFF20];
	[tilespmem:s15+$0xFFFFFF50] =	vst v1;
	v1 =	vmul.f32 $1.131370830e+01, v2  }
0xf5: {  	[tilespmem:s15+$0xFFFFFFD0] =	vst v3;
	v2 =	vmul.f32 $1.131370830e+01, v5;
	v5 =	vld [tilespmem:s7+$0xFFFFFF60]  }
0xf6: {  	v3 =	vld [tilespmem:s7+$0xFFFFFFE0];
	[tilespmem:s15+$0x50] =	vst v1;
	v1 =	vmul.f32 $1.131370830e+01, v4  }
0xf7: {  	v4 =	vmul.f32 $1.131370830e+01, v6;
	[tilespmem:s17+$0xA0] =	vst v2;
	v2 =	vld [tilespmem:s7+$0x60]  }
0xf8: {  	v0 =	vmul.f32 $1.131370830e+01, v0;
	v6 =	vld [tilespmem:s30+$0xB0];
	[tilespmem:s15+$0xE0] =	vst v1  }
0xf9: {  	v1 =	vmul.f32 $1.131370830e+01, v7;
	[tilespmem:s17+$0xFFFFFFA0] =	vst v4;
	v7 =	vld [tilespmem:s7+$0xF0]  }
0xfa: {  	v8 =	vld [tilespmem:s30+$0xFFFFFFB0];
	[tilespmem:s17+$0x20] =	vst v0;
	v0 =	vmul.f32 $1.131370830e+01, v5  }
0xfb: {  	v3 =	vmul.f32 $1.131370830e+01, v3;
	[tilespmem:s17+$0xFFFFFF20] =	vst v1;
	v4 =	vld [tilespmem:s30+$0x30]  }
0xfc: {  	v5 =	vld [tilespmem:s30+$0xFFFFFF30];
	[tilespmem:s15+$0xFFFFFF60] =	vst v0;
	v2 =	vmul.f32 $1.131370830e+01, v2  }
0xfd: {  	[tilespmem:s15+$0xFFFFFFE0] =	vst v3;
	v9 =	vmul.f32 $1.131370830e+01, v6;
	v1 =	vld [tilespmem:s7+$0xFFFFFF70]  }
0xfe: {  	v0 =	vld [tilespmem:s7+$0xFFFFFFF0];
	[tilespmem:s15+$0x60] =	vst v2;
	v3 =	vmul.f32 $1.131370830e+01, v7  }
0xff: {  	s1 =	simm.s32 $0x4;
	s16 =	simm.s32 $0x5500;
	v6 =	vmul.f32 $1.131370830e+01, v8;
	[tilespmem:s17+$0xB0] =	vst v9;
	v2 =	vld [tilespmem:s7+$0x70]  }
.LBB2_9:
0x100: {  	v7 =	vld [tilespmem:s16+$0x80];
	v4 =	vmul.f32 $1.131370830e+01, v4;
	[tilespmem:s15+$0xF0] =	vst v3  }
0x101: {  	s1 =	sadd.s32 $0x4, s1;
	v3 =	vmul.f32 $1.131370830e+01, v5;
	[tilespmem:s17+$0xFFFFFFB0] =	vst v6;
	v5 =	vld [tilespmem:s30+$0xC0]  }
0x102: {  	p0 =	slt.u32 s1, $0x4C;
	v6 =	vld [tilespmem:s16+$0xFFFFFF80];
	[tilespmem:s17+$0x30] =	vst v4;
	v1 =	vmul.f32 $1.131370830e+01, v1  }
0x103: {  	v4 =	vld [tilespmem:s16+$0x0];
	[tilespmem:s17+$0xFFFFFF30] =	vst v3;
	v0 =	vmul.f32 $1.131370830e+01, v0  }
0x104: {  	v3 =	vld [tilespmem:s16+$0xFFFFFF00];
	[tilespmem:s15+$0xFFFFFF70] =	vst v1;
	v1 =	vmul.f32 $1.131370830e+01, v2  }
0x105: {  	v2 =	vmul.f32 $1.131370830e+01, v7;
	v7 =	vld [tilespmem:s30+$0xFFFFFF40];
	[tilespmem:s15+$0xFFFFFFF0] =	vst v0  }
0x106: {  	v0 =	vld [tilespmem:s30+$0xFFFFFFC0];
	v5 =	vmul.f32 $1.131370830e+01, v5;
	[tilespmem:s15+$0x70] =	vst v1;
	s15 =	smov.u32 s17;
	s17 =	sadd.s32 $0x200, s17  }
0x107: {  	v1 =	vmul.f32 $1.131370830e+01, v6;
	[tilespmem:s17+$0x80] =	vst v2;
	v2 =	vld [tilespmem:s30+$0x40]  }
0x108: {  	v4 =	vmul.f32 $1.131370830e+01, v4;
	v6 =	vld [tilespmem:s16+$0x90];
	[tilespmem:s15+$0xC0] =	vst v5  }
0x109: {  	v3 =	vmul.f32 $1.131370830e+01, v3;
	[tilespmem:s17+$0xFFFFFF80] =	vst v1;
	v1 =	vld [tilespmem:s30+$0xD0]  }
0x10a: {  	v5 =	vld [tilespmem:s16+$0xFFFFFF90];
	[tilespmem:s17+$0x0] =	vst v4;
	v4 =	vmul.f32 $1.131370830e+01, v7  }
0x10b: {  	[tilespmem:s17+$0xFFFFFF00] =	vst v3;
	v3 =	vld [tilespmem:s16+$0x10];
	v0 =	vmul.f32 $1.131370830e+01, v0  }
0x10c: {  	v7 =	vld [tilespmem:s16+$0xFFFFFF10];
	[tilespmem:s15+$0xFFFFFF40] =	vst v4;
	v2 =	vmul.f32 $1.131370830e+01, v2  }
0x10d: {  	v4 =	vmul.f32 $1.131370830e+01, v6;
	v6 =	vld [tilespmem:s30+$0xFFFFFF50];
	[tilespmem:s15+$0xFFFFFFC0] =	vst v0  }
0x10e: {  	v0 =	vld [tilespmem:s30+$0xFFFFFFD0];
	[tilespmem:s15+$0x40] =	vst v2;
	v1 =	vmul.f32 $1.131370830e+01, v1  }
0x10f: {  	v2 =	vmul.f32 $1.131370830e+01, v5;
	[tilespmem:s17+$0x90] =	vst v4;
	v4 =	vld [tilespmem:s30+$0x50]  }
0x110: {  	v3 =	vmul.f32 $1.131370830e+01, v3;
	v5 =	vld [tilespmem:s16+$0xA0];
	[tilespmem:s15+$0xD0] =	vst v1  }
0x111: {  	v1 =	vmul.f32 $1.131370830e+01, v7;
	[tilespmem:s17+$0xFFFFFF90] =	vst v2;
	v2 =	vld [tilespmem:s30+$0xE0]  }
0x112: {  	v7 =	vld [tilespmem:s16+$0xFFFFFFA0];
	[tilespmem:s17+$0x10] =	vst v3;
	v3 =	vmul.f32 $1.131370830e+01, v6  }
0x113: {  	[tilespmem:s17+$0xFFFFFF10] =	vst v1;
	v1 =	vld [tilespmem:s16+$0x20];
	v0 =	vmul.f32 $1.131370830e+01, v0  }
0x114: {  	v6 =	vld [tilespmem:s16+$0xFFFFFF20];
	[tilespmem:s15+$0xFFFFFF50] =	vst v3;
	v3 =	vmul.f32 $1.131370830e+01, v4  }
0x115: {  	v4 =	vmul.f32 $1.131370830e+01, v5;
	v5 =	vld [tilespmem:s30+$0xFFFFFF60];
	[tilespmem:s15+$0xFFFFFFD0] =	vst v0  }
0x116: {  	v0 =	vld [tilespmem:s30+$0xFFFFFFE0];
	[tilespmem:s15+$0x50] =	vst v3;
	v2 =	vmul.f32 $1.131370830e+01, v2  }
0x117: {  	v3 =	vmul.f32 $1.131370830e+01, v7;
	[tilespmem:s17+$0xA0] =	vst v4;
	v7 =	vld [tilespmem:s30+$0x60]  }
0x118: {  	v1 =	vmul.f32 $1.131370830e+01, v1;
	v8 =	vld [tilespmem:s16+$0xB0];
	[tilespmem:s15+$0xE0] =	vst v2  }
0x119: {  	v2 =	vmul.f32 $1.131370830e+01, v6;
	[tilespmem:s17+$0xFFFFFFA0] =	vst v3;
	v3 =	vld [tilespmem:s30+$0xF0]  }
0x11a: {  	v6 =	vld [tilespmem:s16+$0xFFFFFFB0];
	[tilespmem:s17+$0x20] =	vst v1;
	v1 =	vmul.f32 $1.131370830e+01, v5  }
.Ltmp6:
0x11b: {  	[tilespmem:s17+$0xFFFFFF20] =	vst v2;
	v4 =	vld [tilespmem:s16+$0x30];
	v0 =	vmul.f32 $1.131370830e+01, v0;
	(pc) =	sbr.rel @p0 .LBB2_9-.Ltmp6, $4  }
0x11c: {  	v5 =	vld [tilespmem:s16+$0xFFFFFF30];
	[tilespmem:s15+$0xFFFFFF60] =	vst v1;
	v2 =	vmul.f32 $1.131370830e+01, v7  }
0x11d: {  	v7 =	vmul.f32 $1.131370830e+01, v8;
	v1 =	vld [tilespmem:s30+$0xFFFFFF70];
	[tilespmem:s15+$0xFFFFFFE0] =	vst v0  }
0x11e: {  	v0 =	vld [tilespmem:s30+$0xFFFFFFF0];
	[tilespmem:s15+$0x60] =	vst v2;
	v3 =	vmul.f32 $1.131370830e+01, v3  }
0x11f: {  	v6 =	vmul.f32 $1.131370830e+01, v6;
	[tilespmem:s17+$0xB0] =	vst v7;
	v2 =	vld [tilespmem:s30+$0x70];
	s30 =	smov.u32 s16;
	s16 =	sadd.s32 $0x200, s16  }
0x120: {  	_ = 	snop  }
0x121: {  	v5 =	vmul.f32 $1.131370830e+01, v5;
	_ =	sdelay $0x1  }
0x122: {  	v7 =	vld [tilespmem:s30+$0xC0];
	[tilespmem:s17+$0xFFFFFF30] =	vst v5  }
0x123: {  	v4 =	vmul.f32 $1.131370830e+01, v4;
	v5 =	vld [tilespmem:s30+$0xFFFFFF40]  }
0x124: {  	[tilespmem:s17+$0xFFFFFFB0] =	vst v6  }
0x125: {  	[tilespmem:s17+$0x30] =	vst v4;
	v4 =	vld [tilespmem:s30+$0xFFFFFFC0]  }
0x126: {  	v6 =	vld [tilespmem:s30+$0x40]  }
0x127: {  	v7 =	vmul.f32 $1.131370830e+01, v7  }
0x128: {  	v5 =	vmul.f32 $1.131370830e+01, v5  }
0x129: {  	[tilespmem:s17+$0xC0] =	vst v7  }
0x12a: {  	v7 =	vld [tilespmem:s30+$0xD0];
	[tilespmem:s17+$0xFFFFFF40] =	vst v5  }
0x12b: {  	v4 =	vmul.f32 $1.131370830e+01, v4;
	v5 =	vmul.f32 $1.131370830e+01, v6;
	v6 =	vld [tilespmem:s30+$0xFFFFFF50];
	_ =	sdelay $0x1  }
0x12c: {  	[tilespmem:s17+$0xFFFFFFC0] =	vst v4  }
0x12d: {  	v4 =	vld [tilespmem:s30+$0xFFFFFFD0];
	[tilespmem:s17+$0x40] =	vst v5  }
0x12e: {  	v7 =	vmul.f32 $1.131370830e+01, v7;
	v5 =	vld [tilespmem:s30+$0x50]  }
0x12f: {  	v6 =	vmul.f32 $1.131370830e+01, v6  }
0x130: {  	[tilespmem:s17+$0xD0] =	vst v7  }
0x131: {  	v7 =	vld [tilespmem:s30+$0xE0];
	[tilespmem:s17+$0xFFFFFF50] =	vst v6  }
0x132: {  	v4 =	vmul.f32 $1.131370830e+01, v4;
	v6 =	vld [tilespmem:s30+$0xFFFFFF60]  }
0x133: {  	v5 =	vmul.f32 $1.131370830e+01, v5  }
0x134: {  	[tilespmem:s17+$0xFFFFFFD0] =	vst v4  }
0x135: {  	v4 =	vld [tilespmem:s30+$0xFFFFFFE0];
	[tilespmem:s17+$0x50] =	vst v5  }
0x136: {  	v7 =	vmul.f32 $1.131370830e+01, v7;
	v5 =	vld [tilespmem:s30+$0x60]  }
0x137: {  	v6 =	vmul.f32 $1.131370830e+01, v6  }
0x138: {  	[tilespmem:s17+$0xE0] =	vst v7  }
0x139: {  	v1 =	vmul.f32 $1.131370830e+01, v1;
	v7 =	vld [tilespmem:s30+$0xF0];
	[tilespmem:s17+$0xFFFFFF60] =	vst v6  }
0x13a: {  	[tilespmem:s15+$0xF0] =	vst v3;
	v4 =	vmul.f32 $1.131370830e+01, v4;
	v6 =	vld [tilespmem:s30+$0xFFFFFF70]  }
0x13b: {  	[tilespmem:s15+$0xFFFFFF70] =	vst v1;
	v5 =	vmul.f32 $1.131370830e+01, v5  }
0x13c: {  	v0 =	vmul.f32 $1.131370830e+01, v0;
	[tilespmem:s17+$0xFFFFFFE0] =	vst v4  }
0x13d: {  	v1 =	vmul.f32 $1.131370830e+01, v2;
	v4 =	vld [tilespmem:s30+$0xFFFFFFF0];
	[tilespmem:s17+$0x60] =	vst v5  }
0x13e: {  	[tilespmem:s15+$0xFFFFFFF0] =	vst v0;
	v0 =	vmul.f32 $1.131370830e+01, v7;
	v3 =	vld [tilespmem:s30+$0x70]  }
0x13f: {  	[tilespmem:s15+$0x70] =	vst v1;
	v1 =	vmul.f32 $1.131370830e+01, v6  }
0x140: {  	[tilespmem:s17+$0xF0] =	vst v0  }
0x141: {  	[tilespmem:s17+$0xFFFFFF70] =	vst v1  }
0x142: {  	v0 =	vmul.f32 $1.131370830e+01, v4;
	s1 =	rddreg [dreg:$0x5]  }
0x143: {  	v1 =	vmul.f32 $1.131370830e+01, v3;
	s1 =	sadd.s32 s14, s1  }
0x144: {  	p0 =	seq.s32 s31, $0x9;
	[tilespmem:s17+$0xFFFFFFF0] =	vst v0;
	s1 =	sshll.u32 s1, $0x4  }
0x145: {  	s15 =	sshrl.u32 @!p0 s6, $0x2;
	[tilespmem:s17+$0x70] =	vst v1;
	s1 =	sadd.s32 s3, s1  }
0x146: {  	[hbm4b:s1+s4] =	stream.linear.scatter [tilespmem:s21], [sflag:$0xA], $0x2800, $0x38;
	[tilespmem:$0x1B800] =	vst v63  }
0x147: {  	s7 =	simm.s32 @!p0 $0x50;
	s8 =	simm.s32 @!p0 $0x5000;
	s1 =	sadd.s32 @!p0 $0x480, s15  }
0x148: {  	[tilespmem:s8], [sflag:$0x2] =	stream.indirect.gather @!p0 [hbm4b:s2+s7], $0x80, s1, s7, $0xb8;
	[tilespmem:$0x1B800] =	vst v63  }
0x149: {  	_ =	swait.ge [sflag:s22], $0x2800  }
0x14a: {  	[sflag:s22] =	ssyncset.done $0x0  }
0x14b: {  	[sflag:s22] =	ssyncadd.s32 $0xFFFFD800  }
0x14c: {  	_ =	swait.ge [sflag:s23], $0x2800  }
0x14d: {  	[sflag:s23] =	ssyncset.done $0x0  }
0x14e: {  	s8 =	simm.s32 $0x7900;
	[sflag:s23] =	ssyncadd.s32 $0xFFFFD800  }
0x14f: {  	v0 =	vld [tilespmem:s8+$0x80];
	_ =	sdelay $0x3  }
0x150: {  	v1 =	vld [tilespmem:s8+$0xFFFFFF00]  }
0x151: {  	v2 =	vld [tilespmem:s8+$0xFFFFFF80];
	v0 =	vmul.f32 $1.131370830e+01, v0  }
0x152: {  	s30 =	simm.s32 $0x16900;
	v3 =	vld [tilespmem:s8+$0x0]  }
0x153: {  	[tilespmem:s30+$0x80] =	vst v0  }
0x154: {  	v0 =	vld [tilespmem:s8+$0x90]  }
0x155: {  	v1 =	vmul.f32 $1.131370830e+01, v1  }
0x156: {  	v2 =	vmul.f32 $1.131370830e+01, v2  }
0x157: {  	v3 =	vmul.f32 $1.131370830e+01, v3;
	[tilespmem:s30+$0xFFFFFF00] =	vst v1  }
0x158: {  	[tilespmem:s30+$0xFFFFFF80] =	vst v2;
	v1 =	vld [tilespmem:s8+$0xFFFFFF10]  }
0x159: {  	[tilespmem:s30+$0x0] =	vst v3;
	v2 =	vld [tilespmem:s8+$0xFFFFFF90];
	v0 =	vmul.f32 $1.131370830e+01, v0  }
0x15a: {  	v3 =	vld [tilespmem:s8+$0x10]  }
0x15b: {  	[tilespmem:s30+$0x90] =	vst v0  }
0x15c: {  	v0 =	vld [tilespmem:s8+$0xA0]  }
0x15d: {  	v1 =	vmul.f32 $1.131370830e+01, v1  }
0x15e: {  	v2 =	vmul.f32 $1.131370830e+01, v2  }
0x15f: {  	v3 =	vmul.f32 $1.131370830e+01, v3;
	[tilespmem:s30+$0xFFFFFF10] =	vst v1  }
0x160: {  	[tilespmem:s30+$0xFFFFFF90] =	vst v2;
	v1 =	vld [tilespmem:s8+$0xFFFFFF20]  }
0x161: {  	[tilespmem:s30+$0x10] =	vst v3;
	v2 =	vld [tilespmem:s8+$0xFFFFFFA0];
	v0 =	vmul.f32 $1.131370830e+01, v0  }
0x162: {  	v3 =	vld [tilespmem:s8+$0x20]  }
0x163: {  	[tilespmem:s30+$0xA0] =	vst v0  }
0x164: {  	v0 =	vld [tilespmem:s8+$0xB0]  }
0x165: {  	v1 =	vmul.f32 $1.131370830e+01, v1  }
0x166: {  	v2 =	vmul.f32 $1.131370830e+01, v2  }
0x167: {  	v3 =	vmul.f32 $1.131370830e+01, v3;
	[tilespmem:s30+$0xFFFFFF20] =	vst v1  }
0x168: {  	[tilespmem:s30+$0xFFFFFFA0] =	vst v2;
	v1 =	vld [tilespmem:s8+$0xFFFFFF30]  }
0x169: {  	[tilespmem:s30+$0x20] =	vst v3;
	v2 =	vld [tilespmem:s8+$0xFFFFFFB0];
	v0 =	vmul.f32 $1.131370830e+01, v0  }
0x16a: {  	s17 =	simm.s32 $0x7B00;
	v3 =	vld [tilespmem:s8+$0x30]  }
0x16b: {  	[tilespmem:s30+$0xB0] =	vst v0;
	v0 =	vld [tilespmem:s17+$0x80]  }
0x16c: {  	v4 =	vld [tilespmem:s8+$0xC0]  }
0x16d: {  	v5 =	vld [tilespmem:s17+$0xFFFFFF80];
	v1 =	vmul.f32 $1.131370830e+01, v1  }
0x16e: {  	v6 =	vld [tilespmem:s17+$0x0];
	v2 =	vmul.f32 $1.131370830e+01, v2  }
0x16f: {  	v3 =	vmul.f32 $1.131370830e+01, v3;
	[tilespmem:s30+$0xFFFFFF30] =	vst v1;
	v1 =	vld [tilespmem:s17+$0xFFFFFF00]  }
0x170: {  	[tilespmem:s30+$0xFFFFFFB0] =	vst v2;
	v2 =	vld [tilespmem:s8+$0xFFFFFF40];
	v0 =	vmul.f32 $1.131370830e+01, v0  }
0x171: {  	s1 =	simm.s32 $0x16B00;
	[tilespmem:s30+$0x30] =	vst v3;
	v3 =	vld [tilespmem:s8+$0xFFFFFFC0];
	v4 =	vmul.f32 $1.131370830e+01, v4  }
0x172: {  	v5 =	vmul.f32 $1.131370830e+01, v5;
	[tilespmem:s1+$0x80] =	vst v0;
	v0 =	vld [tilespmem:s8+$0x40]  }
0x173: {  	v6 =	vmul.f32 $1.131370830e+01, v6;
	v7 =	vld [tilespmem:s17+$0x90];
	[tilespmem:s30+$0xC0] =	vst v4  }
0x174: {  	[tilespmem:s1+$0xFFFFFF80] =	vst v5;
	v1 =	vmul.f32 $1.131370830e+01, v1;
	v4 =	vld [tilespmem:s8+$0xD0]  }
0x175: {  	[tilespmem:s1+$0x0] =	vst v6;
	v5 =	vld [tilespmem:s17+$0xFFFFFF90];
	v2 =	vmul.f32 $1.131370830e+01, v2  }
0x176: {  	v3 =	vmul.f32 $1.131370830e+01, v3;
	[tilespmem:s1+$0xFFFFFF00] =	vst v1;
	v1 =	vld [tilespmem:s17+$0x10]  }
0x177: {  	v6 =	vld [tilespmem:s17+$0xFFFFFF10];
	[tilespmem:s30+$0xFFFFFF40] =	vst v2;
	v0 =	vmul.f32 $1.131370830e+01, v0  }
0x178: {  	[tilespmem:s30+$0xFFFFFFC0] =	vst v3;
	v2 =	vmul.f32 $1.131370830e+01, v7;
	v7 =	vld [tilespmem:s8+$0xFFFFFF50]  }
0x179: {  	v3 =	vld [tilespmem:s8+$0xFFFFFFD0];
	[tilespmem:s30+$0x40] =	vst v0;
	v0 =	vmul.f32 $1.131370830e+01, v4  }
0x17a: {  	v4 =	vmul.f32 $1.131370830e+01, v5;
	[tilespmem:s1+$0x90] =	vst v2;
	v2 =	vld [tilespmem:s8+$0x50]  }
0x17b: {  	v1 =	vmul.f32 $1.131370830e+01, v1;
	v5 =	vld [tilespmem:s17+$0xA0];
	[tilespmem:s30+$0xD0] =	vst v0  }
0x17c: {  	v0 =	vmul.f32 $1.131370830e+01, v6;
	[tilespmem:s1+$0xFFFFFF90] =	vst v4;
	v4 =	vld [tilespmem:s8+$0xE0]  }
0x17d: {  	[tilespmem:s1+$0x10] =	vst v1;
	v6 =	vld [tilespmem:s17+$0xFFFFFFA0];
	v1 =	vmul.f32 $1.131370830e+01, v7  }
0x17e: {  	v3 =	vmul.f32 $1.131370830e+01, v3;
	[tilespmem:s1+$0xFFFFFF10] =	vst v0;
	v0 =	vld [tilespmem:s17+$0x20]  }
0x17f: {  	v7 =	vld [tilespmem:s17+$0xFFFFFF20];
	[tilespmem:s30+$0xFFFFFF50] =	vst v1;
	v1 =	vmul.f32 $1.131370830e+01, v2  }
0x180: {  	[tilespmem:s30+$0xFFFFFFD0] =	vst v3;
	v2 =	vmul.f32 $1.131370830e+01, v5;
	v5 =	vld [tilespmem:s8+$0xFFFFFF60]  }
0x181: {  	v3 =	vld [tilespmem:s8+$0xFFFFFFE0];
	[tilespmem:s30+$0x50] =	vst v1;
	v1 =	vmul.f32 $1.131370830e+01, v4  }
0x182: {  	v4 =	vmul.f32 $1.131370830e+01, v6;
	[tilespmem:s1+$0xA0] =	vst v2;
	v2 =	vld [tilespmem:s8+$0x60]  }
0x183: {  	v0 =	vmul.f32 $1.131370830e+01, v0;
	v6 =	vld [tilespmem:s17+$0xB0];
	[tilespmem:s30+$0xE0] =	vst v1  }
0x184: {  	v1 =	vmul.f32 $1.131370830e+01, v7;
	[tilespmem:s1+$0xFFFFFFA0] =	vst v4;
	v7 =	vld [tilespmem:s8+$0xF0]  }
0x185: {  	v8 =	vld [tilespmem:s17+$0xFFFFFFB0];
	[tilespmem:s1+$0x20] =	vst v0;
	v0 =	vmul.f32 $1.131370830e+01, v5  }
0x186: {  	v3 =	vmul.f32 $1.131370830e+01, v3;
	[tilespmem:s1+$0xFFFFFF20] =	vst v1;
	v4 =	vld [tilespmem:s17+$0x30]  }
0x187: {  	v5 =	vld [tilespmem:s17+$0xFFFFFF30];
	[tilespmem:s30+$0xFFFFFF60] =	vst v0;
	v2 =	vmul.f32 $1.131370830e+01, v2  }
0x188: {  	[tilespmem:s30+$0xFFFFFFE0] =	vst v3;
	v9 =	vmul.f32 $1.131370830e+01, v6;
	v1 =	vld [tilespmem:s8+$0xFFFFFF70]  }
0x189: {  	v0 =	vld [tilespmem:s8+$0xFFFFFFF0];
	[tilespmem:s30+$0x60] =	vst v2;
	v3 =	vmul.f32 $1.131370830e+01, v7  }
0x18a: {  	s16 =	simm.s32 $0x4;
	s7 =	simm.s32 $0x7D00;
	v6 =	vmul.f32 $1.131370830e+01, v8;
	[tilespmem:s1+$0xB0] =	vst v9;
	v2 =	vld [tilespmem:s8+$0x70]  }
.LBB2_11:
0x18b: {  	v7 =	vld [tilespmem:s7+$0x80];
	v4 =	vmul.f32 $1.131370830e+01, v4;
	[tilespmem:s30+$0xF0] =	vst v3  }
0x18c: {  	s16 =	sadd.s32 $0x4, s16;
	v3 =	vmul.f32 $1.131370830e+01, v5;
	[tilespmem:s1+$0xFFFFFFB0] =	vst v6;
	v5 =	vld [tilespmem:s17+$0xC0]  }
0x18d: {  	p1 =	slt.u32 s16, $0x4C;
	v6 =	vld [tilespmem:s7+$0xFFFFFF80];
	[tilespmem:s1+$0x30] =	vst v4;
	v1 =	vmul.f32 $1.131370830e+01, v1  }
0x18e: {  	v4 =	vld [tilespmem:s7+$0x0];
	[tilespmem:s1+$0xFFFFFF30] =	vst v3;
	v0 =	vmul.f32 $1.131370830e+01, v0  }
0x18f: {  	v3 =	vld [tilespmem:s7+$0xFFFFFF00];
	[tilespmem:s30+$0xFFFFFF70] =	vst v1;
	v1 =	vmul.f32 $1.131370830e+01, v2  }
0x190: {  	v2 =	vmul.f32 $1.131370830e+01, v7;
	v7 =	vld [tilespmem:s17+$0xFFFFFF40];
	[tilespmem:s30+$0xFFFFFFF0] =	vst v0  }
0x191: {  	v0 =	vld [tilespmem:s17+$0xFFFFFFC0];
	v5 =	vmul.f32 $1.131370830e+01, v5;
	[tilespmem:s30+$0x70] =	vst v1;
	s30 =	smov.u32 s1;
	s1 =	sadd.s32 $0x200, s1  }
0x192: {  	v1 =	vmul.f32 $1.131370830e+01, v6;
	[tilespmem:s1+$0x80] =	vst v2;
	v2 =	vld [tilespmem:s17+$0x40]  }
0x193: {  	v4 =	vmul.f32 $1.131370830e+01, v4;
	v6 =	vld [tilespmem:s7+$0x90];
	[tilespmem:s30+$0xC0] =	vst v5  }
0x194: {  	v3 =	vmul.f32 $1.131370830e+01, v3;
	[tilespmem:s1+$0xFFFFFF80] =	vst v1;
	v1 =	vld [tilespmem:s17+$0xD0]  }
0x195: {  	v5 =	vld [tilespmem:s7+$0xFFFFFF90];
	[tilespmem:s1+$0x0] =	vst v4;
	v4 =	vmul.f32 $1.131370830e+01, v7  }
0x196: {  	[tilespmem:s1+$0xFFFFFF00] =	vst v3;
	v3 =	vld [tilespmem:s7+$0x10];
	v0 =	vmul.f32 $1.131370830e+01, v0  }
0x197: {  	v7 =	vld [tilespmem:s7+$0xFFFFFF10];
	[tilespmem:s30+$0xFFFFFF40] =	vst v4;
	v2 =	vmul.f32 $1.131370830e+01, v2  }
0x198: {  	v4 =	vmul.f32 $1.131370830e+01, v6;
	v6 =	vld [tilespmem:s17+$0xFFFFFF50];
	[tilespmem:s30+$0xFFFFFFC0] =	vst v0  }
0x199: {  	v0 =	vld [tilespmem:s17+$0xFFFFFFD0];
	[tilespmem:s30+$0x40] =	vst v2;
	v1 =	vmul.f32 $1.131370830e+01, v1  }
0x19a: {  	v2 =	vmul.f32 $1.131370830e+01, v5;
	[tilespmem:s1+$0x90] =	vst v4;
	v4 =	vld [tilespmem:s17+$0x50]  }
0x19b: {  	v3 =	vmul.f32 $1.131370830e+01, v3;
	v5 =	vld [tilespmem:s7+$0xA0];
	[tilespmem:s30+$0xD0] =	vst v1  }
0x19c: {  	v1 =	vmul.f32 $1.131370830e+01, v7;
	[tilespmem:s1+$0xFFFFFF90] =	vst v2;
	v2 =	vld [tilespmem:s17+$0xE0]  }
0x19d: {  	v7 =	vld [tilespmem:s7+$0xFFFFFFA0];
	[tilespmem:s1+$0x10] =	vst v3;
	v3 =	vmul.f32 $1.131370830e+01, v6  }
0x19e: {  	[tilespmem:s1+$0xFFFFFF10] =	vst v1;
	v1 =	vld [tilespmem:s7+$0x20];
	v0 =	vmul.f32 $1.131370830e+01, v0  }
0x19f: {  	v6 =	vld [tilespmem:s7+$0xFFFFFF20];
	[tilespmem:s30+$0xFFFFFF50] =	vst v3;
	v3 =	vmul.f32 $1.131370830e+01, v4  }
0x1a0: {  	v4 =	vmul.f32 $1.131370830e+01, v5;
	v5 =	vld [tilespmem:s17+$0xFFFFFF60];
	[tilespmem:s30+$0xFFFFFFD0] =	vst v0  }
0x1a1: {  	v0 =	vld [tilespmem:s17+$0xFFFFFFE0];
	[tilespmem:s30+$0x50] =	vst v3;
	v2 =	vmul.f32 $1.131370830e+01, v2  }
0x1a2: {  	v3 =	vmul.f32 $1.131370830e+01, v7;
	[tilespmem:s1+$0xA0] =	vst v4;
	v7 =	vld [tilespmem:s17+$0x60]  }
0x1a3: {  	v1 =	vmul.f32 $1.131370830e+01, v1;
	v8 =	vld [tilespmem:s7+$0xB0];
	[tilespmem:s30+$0xE0] =	vst v2  }
0x1a4: {  	v2 =	vmul.f32 $1.131370830e+01, v6;
	[tilespmem:s1+$0xFFFFFFA0] =	vst v3;
	v3 =	vld [tilespmem:s17+$0xF0]  }
0x1a5: {  	v6 =	vld [tilespmem:s7+$0xFFFFFFB0];
	[tilespmem:s1+$0x20] =	vst v1;
	v1 =	vmul.f32 $1.131370830e+01, v5  }
.Ltmp7:
0x1a6: {  	[tilespmem:s1+$0xFFFFFF20] =	vst v2;
	v4 =	vld [tilespmem:s7+$0x30];
	v0 =	vmul.f32 $1.131370830e+01, v0;
	(pc) =	sbr.rel @p1 .LBB2_11-.Ltmp7, $4  }
0x1a7: {  	v5 =	vld [tilespmem:s7+$0xFFFFFF30];
	[tilespmem:s30+$0xFFFFFF60] =	vst v1;
	v2 =	vmul.f32 $1.131370830e+01, v7  }
0x1a8: {  	v7 =	vmul.f32 $1.131370830e+01, v8;
	v1 =	vld [tilespmem:s17+$0xFFFFFF70];
	[tilespmem:s30+$0xFFFFFFE0] =	vst v0  }
0x1a9: {  	v0 =	vld [tilespmem:s17+$0xFFFFFFF0];
	[tilespmem:s30+$0x60] =	vst v2;
	v3 =	vmul.f32 $1.131370830e+01, v3  }
0x1aa: {  	v6 =	vmul.f32 $1.131370830e+01, v6;
	[tilespmem:s1+$0xB0] =	vst v7;
	v2 =	vld [tilespmem:s17+$0x70];
	s17 =	smov.u32 s7;
	s7 =	sadd.s32 $0x200, s7  }
0x1ab: {  	_ = 	snop  }
0x1ac: {  	v5 =	vmul.f32 $1.131370830e+01, v5;
	_ =	sdelay $0x1  }
0x1ad: {  	v7 =	vld [tilespmem:s17+$0xC0];
	[tilespmem:s1+$0xFFFFFF30] =	vst v5  }
0x1ae: {  	v4 =	vmul.f32 $1.131370830e+01, v4;
	v5 =	vld [tilespmem:s17+$0xFFFFFF40]  }
0x1af: {  	[tilespmem:s1+$0xFFFFFFB0] =	vst v6  }
0x1b0: {  	[tilespmem:s1+$0x30] =	vst v4;
	v4 =	vld [tilespmem:s17+$0xFFFFFFC0]  }
0x1b1: {  	v6 =	vld [tilespmem:s17+$0x40]  }
0x1b2: {  	v7 =	vmul.f32 $1.131370830e+01, v7  }
0x1b3: {  	v5 =	vmul.f32 $1.131370830e+01, v5  }
0x1b4: {  	[tilespmem:s1+$0xC0] =	vst v7  }
0x1b5: {  	v7 =	vld [tilespmem:s17+$0xD0];
	[tilespmem:s1+$0xFFFFFF40] =	vst v5  }
0x1b6: {  	v4 =	vmul.f32 $1.131370830e+01, v4;
	v5 =	vmul.f32 $1.131370830e+01, v6;
	v6 =	vld [tilespmem:s17+$0xFFFFFF50];
	_ =	sdelay $0x1  }
0x1b7: {  	[tilespmem:s1+$0xFFFFFFC0] =	vst v4  }
0x1b8: {  	v4 =	vld [tilespmem:s17+$0xFFFFFFD0];
	[tilespmem:s1+$0x40] =	vst v5  }
0x1b9: {  	v7 =	vmul.f32 $1.131370830e+01, v7;
	v5 =	vld [tilespmem:s17+$0x50]  }
0x1ba: {  	v6 =	vmul.f32 $1.131370830e+01, v6  }
0x1bb: {  	[tilespmem:s1+$0xD0] =	vst v7  }
0x1bc: {  	v7 =	vld [tilespmem:s17+$0xE0];
	[tilespmem:s1+$0xFFFFFF50] =	vst v6  }
0x1bd: {  	v4 =	vmul.f32 $1.131370830e+01, v4;
	v6 =	vld [tilespmem:s17+$0xFFFFFF60]  }
0x1be: {  	v5 =	vmul.f32 $1.131370830e+01, v5  }
0x1bf: {  	[tilespmem:s1+$0xFFFFFFD0] =	vst v4  }
0x1c0: {  	v4 =	vld [tilespmem:s17+$0xFFFFFFE0];
	[tilespmem:s1+$0x50] =	vst v5  }
0x1c1: {  	v7 =	vmul.f32 $1.131370830e+01, v7;
	v5 =	vld [tilespmem:s17+$0x60]  }
0x1c2: {  	v6 =	vmul.f32 $1.131370830e+01, v6  }
0x1c3: {  	[tilespmem:s1+$0xE0] =	vst v7  }
0x1c4: {  	v1 =	vmul.f32 $1.131370830e+01, v1;
	v7 =	vld [tilespmem:s17+$0xF0];
	[tilespmem:s1+$0xFFFFFF60] =	vst v6  }
0x1c5: {  	[tilespmem:s30+$0xF0] =	vst v3;
	v4 =	vmul.f32 $1.131370830e+01, v4;
	v6 =	vld [tilespmem:s17+$0xFFFFFF70]  }
0x1c6: {  	[tilespmem:s30+$0xFFFFFF70] =	vst v1;
	v5 =	vmul.f32 $1.131370830e+01, v5  }
0x1c7: {  	v0 =	vmul.f32 $1.131370830e+01, v0;
	[tilespmem:s1+$0xFFFFFFE0] =	vst v4  }
0x1c8: {  	v1 =	vmul.f32 $1.131370830e+01, v2;
	v4 =	vld [tilespmem:s17+$0xFFFFFFF0];
	[tilespmem:s1+$0x60] =	vst v5  }
0x1c9: {  	[tilespmem:s30+$0xFFFFFFF0] =	vst v0;
	v0 =	vmul.f32 $1.131370830e+01, v7;
	v3 =	vld [tilespmem:s17+$0x70]  }
0x1ca: {  	[tilespmem:s30+$0x70] =	vst v1;
	v1 =	vmul.f32 $1.131370830e+01, v6  }
0x1cb: {  	[tilespmem:s1+$0xF0] =	vst v0  }
0x1cc: {  	[tilespmem:s1+$0xFFFFFF70] =	vst v1  }
0x1cd: {  	v0 =	vmul.f32 $1.131370830e+01, v4;
	s7 =	rddreg [dreg:$0x6]  }
0x1ce: {  	v1 =	vmul.f32 $1.131370830e+01, v3;
	s7 =	sadd.s32 s14, s7  }
0x1cf: {  	[tilespmem:s1+$0xFFFFFFF0] =	vst v0;
	s7 =	sshll.u32 s7, $0x4  }
0x1d0: {  	[tilespmem:s1+$0x70] =	vst v1;
	s17 =	sadd.s32 s3, s7  }
0x1d1: {  	[hbm4b:s17+s4] =	stream.linear.scatter [tilespmem:s18], [sflag:$0x9], $0x2800, $0x38;
	[tilespmem:$0x1B800] =	vst v63  }
0x1d2: {  	s8 =	simm.s32 @!p0 $0x7800;
	s1 =	sadd.s32 @!p0 $0x500, s15;
	s7 =	simm.s32 @!p0 $0x50  }
0x1d3: {  	[tilespmem:s8], [sflag:$0x3] =	stream.indirect.gather @!p0 [hbm4b:s2+s7], $0x80, s1, s7, $0xb8;
	[tilespmem:$0x1B800] =	vst v63  }
0x1d4: {  	_ =	swait.ge [sflag:s24], $0x2800  }
0x1d5: {  	[sflag:s24] =	ssyncset.done $0x0  }
0x1d6: {  	[sflag:s24] =	ssyncadd.s32 $0xFFFFD800  }
0x1d7: {  	_ =	swait.ge [sflag:s20], $0x2800  }
0x1d8: {  	[sflag:s20] =	ssyncset.done $0x0  }
0x1d9: {  	s8 =	simm.s32 $0xA100;
	[sflag:s20] =	ssyncadd.s32 $0xFFFFD800  }
0x1da: {  	v0 =	vld [tilespmem:s8+$0x80];
	_ =	sdelay $0x3  }
0x1db: {  	v1 =	vld [tilespmem:s8+$0xFFFFFF00]  }
0x1dc: {  	v2 =	vld [tilespmem:s8+$0xFFFFFF80];
	v0 =	vmul.f32 $1.131370830e+01, v0  }
0x1dd: {  	s30 =	simm.s32 $0x19100;
	v3 =	vld [tilespmem:s8+$0x0]  }
0x1de: {  	[tilespmem:s30+$0x80] =	vst v0  }
0x1df: {  	v0 =	vld [tilespmem:s8+$0x90]  }
0x1e0: {  	v1 =	vmul.f32 $1.131370830e+01, v1  }
0x1e1: {  	v2 =	vmul.f32 $1.131370830e+01, v2  }
0x1e2: {  	v3 =	vmul.f32 $1.131370830e+01, v3;
	[tilespmem:s30+$0xFFFFFF00] =	vst v1  }
0x1e3: {  	[tilespmem:s30+$0xFFFFFF80] =	vst v2;
	v1 =	vld [tilespmem:s8+$0xFFFFFF10]  }
0x1e4: {  	[tilespmem:s30+$0x0] =	vst v3;
	v2 =	vld [tilespmem:s8+$0xFFFFFF90];
	v0 =	vmul.f32 $1.131370830e+01, v0  }
0x1e5: {  	v3 =	vld [tilespmem:s8+$0x10]  }
0x1e6: {  	[tilespmem:s30+$0x90] =	vst v0  }
0x1e7: {  	v0 =	vld [tilespmem:s8+$0xA0]  }
0x1e8: {  	v1 =	vmul.f32 $1.131370830e+01, v1  }
0x1e9: {  	v2 =	vmul.f32 $1.131370830e+01, v2  }
0x1ea: {  	v3 =	vmul.f32 $1.131370830e+01, v3;
	[tilespmem:s30+$0xFFFFFF10] =	vst v1  }
0x1eb: {  	[tilespmem:s30+$0xFFFFFF90] =	vst v2;
	v1 =	vld [tilespmem:s8+$0xFFFFFF20]  }
0x1ec: {  	[tilespmem:s30+$0x10] =	vst v3;
	v2 =	vld [tilespmem:s8+$0xFFFFFFA0];
	v0 =	vmul.f32 $1.131370830e+01, v0  }
0x1ed: {  	v3 =	vld [tilespmem:s8+$0x20]  }
0x1ee: {  	[tilespmem:s30+$0xA0] =	vst v0  }
0x1ef: {  	v0 =	vld [tilespmem:s8+$0xB0]  }
0x1f0: {  	v1 =	vmul.f32 $1.131370830e+01, v1  }
0x1f1: {  	v2 =	vmul.f32 $1.131370830e+01, v2  }
0x1f2: {  	v3 =	vmul.f32 $1.131370830e+01, v3;
	[tilespmem:s30+$0xFFFFFF20] =	vst v1  }
0x1f3: {  	[tilespmem:s30+$0xFFFFFFA0] =	vst v2;
	v1 =	vld [tilespmem:s8+$0xFFFFFF30]  }
0x1f4: {  	[tilespmem:s30+$0x20] =	vst v3;
	v2 =	vld [tilespmem:s8+$0xFFFFFFB0];
	v0 =	vmul.f32 $1.131370830e+01, v0  }
0x1f5: {  	s17 =	simm.s32 $0xA300;
	v3 =	vld [tilespmem:s8+$0x30]  }
0x1f6: {  	[tilespmem:s30+$0xB0] =	vst v0;
	v0 =	vld [tilespmem:s17+$0x80]  }
0x1f7: {  	v4 =	vld [tilespmem:s8+$0xC0]  }
0x1f8: {  	v5 =	vld [tilespmem:s17+$0xFFFFFF80];
	v1 =	vmul.f32 $1.131370830e+01, v1  }
0x1f9: {  	v6 =	vld [tilespmem:s17+$0x0];
	v2 =	vmul.f32 $1.131370830e+01, v2  }
0x1fa: {  	v3 =	vmul.f32 $1.131370830e+01, v3;
	[tilespmem:s30+$0xFFFFFF30] =	vst v1;
	v1 =	vld [tilespmem:s17+$0xFFFFFF00]  }
0x1fb: {  	[tilespmem:s30+$0xFFFFFFB0] =	vst v2;
	v2 =	vld [tilespmem:s8+$0xFFFFFF40];
	v0 =	vmul.f32 $1.131370830e+01, v0  }
0x1fc: {  	s1 =	simm.s32 $0x19300;
	[tilespmem:s30+$0x30] =	vst v3;
	v3 =	vld [tilespmem:s8+$0xFFFFFFC0];
	v4 =	vmul.f32 $1.131370830e+01, v4  }
0x1fd: {  	v5 =	vmul.f32 $1.131370830e+01, v5;
	[tilespmem:s1+$0x80] =	vst v0;
	v0 =	vld [tilespmem:s8+$0x40]  }
0x1fe: {  	v6 =	vmul.f32 $1.131370830e+01, v6;
	v7 =	vld [tilespmem:s17+$0x90];
	[tilespmem:s30+$0xC0] =	vst v4  }
0x1ff: {  	[tilespmem:s1+$0xFFFFFF80] =	vst v5;
	v1 =	vmul.f32 $1.131370830e+01, v1;
	v4 =	vld [tilespmem:s8+$0xD0]  }
0x200: {  	[tilespmem:s1+$0x0] =	vst v6;
	v5 =	vld [tilespmem:s17+$0xFFFFFF90];
	v2 =	vmul.f32 $1.131370830e+01, v2  }
0x201: {  	v3 =	vmul.f32 $1.131370830e+01, v3;
	[tilespmem:s1+$0xFFFFFF00] =	vst v1;
	v1 =	vld [tilespmem:s17+$0x10]  }
0x202: {  	v6 =	vld [tilespmem:s17+$0xFFFFFF10];
	[tilespmem:s30+$0xFFFFFF40] =	vst v2;
	v0 =	vmul.f32 $1.131370830e+01, v0  }
0x203: {  	[tilespmem:s30+$0xFFFFFFC0] =	vst v3;
	v2 =	vmul.f32 $1.131370830e+01, v7;
	v7 =	vld [tilespmem:s8+$0xFFFFFF50]  }
0x204: {  	v3 =	vld [tilespmem:s8+$0xFFFFFFD0];
	[tilespmem:s30+$0x40] =	vst v0;
	v0 =	vmul.f32 $1.131370830e+01, v4  }
0x205: {  	v4 =	vmul.f32 $1.131370830e+01, v5;
	[tilespmem:s1+$0x90] =	vst v2;
	v2 =	vld [tilespmem:s8+$0x50]  }
0x206: {  	v1 =	vmul.f32 $1.131370830e+01, v1;
	v5 =	vld [tilespmem:s17+$0xA0];
	[tilespmem:s30+$0xD0] =	vst v0  }
0x207: {  	v0 =	vmul.f32 $1.131370830e+01, v6;
	[tilespmem:s1+$0xFFFFFF90] =	vst v4;
	v4 =	vld [tilespmem:s8+$0xE0]  }
0x208: {  	[tilespmem:s1+$0x10] =	vst v1;
	v6 =	vld [tilespmem:s17+$0xFFFFFFA0];
	v1 =	vmul.f32 $1.131370830e+01, v7  }
0x209: {  	v3 =	vmul.f32 $1.131370830e+01, v3;
	[tilespmem:s1+$0xFFFFFF10] =	vst v0;
	v0 =	vld [tilespmem:s17+$0x20]  }
0x20a: {  	v7 =	vld [tilespmem:s17+$0xFFFFFF20];
	[tilespmem:s30+$0xFFFFFF50] =	vst v1;
	v1 =	vmul.f32 $1.131370830e+01, v2  }
0x20b: {  	[tilespmem:s30+$0xFFFFFFD0] =	vst v3;
	v2 =	vmul.f32 $1.131370830e+01, v5;
	v5 =	vld [tilespmem:s8+$0xFFFFFF60]  }
0x20c: {  	v3 =	vld [tilespmem:s8+$0xFFFFFFE0];
	[tilespmem:s30+$0x50] =	vst v1;
	v1 =	vmul.f32 $1.131370830e+01, v4  }
0x20d: {  	v4 =	vmul.f32 $1.131370830e+01, v6;
	[tilespmem:s1+$0xA0] =	vst v2;
	v2 =	vld [tilespmem:s8+$0x60]  }
0x20e: {  	v0 =	vmul.f32 $1.131370830e+01, v0;
	v6 =	vld [tilespmem:s17+$0xB0];
	[tilespmem:s30+$0xE0] =	vst v1  }
0x20f: {  	v1 =	vmul.f32 $1.131370830e+01, v7;
	[tilespmem:s1+$0xFFFFFFA0] =	vst v4;
	v7 =	vld [tilespmem:s8+$0xF0]  }
0x210: {  	v8 =	vld [tilespmem:s17+$0xFFFFFFB0];
	[tilespmem:s1+$0x20] =	vst v0;
	v0 =	vmul.f32 $1.131370830e+01, v5  }
0x211: {  	v3 =	vmul.f32 $1.131370830e+01, v3;
	[tilespmem:s1+$0xFFFFFF20] =	vst v1;
	v4 =	vld [tilespmem:s17+$0x30]  }
0x212: {  	v5 =	vld [tilespmem:s17+$0xFFFFFF30];
	[tilespmem:s30+$0xFFFFFF60] =	vst v0;
	v2 =	vmul.f32 $1.131370830e+01, v2  }
0x213: {  	[tilespmem:s30+$0xFFFFFFE0] =	vst v3;
	v9 =	vmul.f32 $1.131370830e+01, v6;
	v1 =	vld [tilespmem:s8+$0xFFFFFF70]  }
0x214: {  	v0 =	vld [tilespmem:s8+$0xFFFFFFF0];
	[tilespmem:s30+$0x60] =	vst v2;
	v3 =	vmul.f32 $1.131370830e+01, v7  }
0x215: {  	s16 =	simm.s32 $0x4;
	s7 =	simm.s32 $0xA500;
	v6 =	vmul.f32 $1.131370830e+01, v8;
	[tilespmem:s1+$0xB0] =	vst v9;
	v2 =	vld [tilespmem:s8+$0x70]  }
.LBB2_13:
0x216: {  	v7 =	vld [tilespmem:s7+$0x80];
	v4 =	vmul.f32 $1.131370830e+01, v4;
	[tilespmem:s30+$0xF0] =	vst v3  }
0x217: {  	s16 =	sadd.s32 $0x4, s16;
	v3 =	vmul.f32 $1.131370830e+01, v5;
	[tilespmem:s1+$0xFFFFFFB0] =	vst v6;
	v5 =	vld [tilespmem:s17+$0xC0]  }
0x218: {  	p1 =	slt.u32 s16, $0x4C;
	v6 =	vld [tilespmem:s7+$0xFFFFFF80];
	[tilespmem:s1+$0x30] =	vst v4;
	v1 =	vmul.f32 $1.131370830e+01, v1  }
0x219: {  	v4 =	vld [tilespmem:s7+$0x0];
	[tilespmem:s1+$0xFFFFFF30] =	vst v3;
	v0 =	vmul.f32 $1.131370830e+01, v0  }
0x21a: {  	v3 =	vld [tilespmem:s7+$0xFFFFFF00];
	[tilespmem:s30+$0xFFFFFF70] =	vst v1;
	v1 =	vmul.f32 $1.131370830e+01, v2  }
0x21b: {  	v2 =	vmul.f32 $1.131370830e+01, v7;
	v7 =	vld [tilespmem:s17+$0xFFFFFF40];
	[tilespmem:s30+$0xFFFFFFF0] =	vst v0  }
0x21c: {  	v0 =	vld [tilespmem:s17+$0xFFFFFFC0];
	v5 =	vmul.f32 $1.131370830e+01, v5;
	[tilespmem:s30+$0x70] =	vst v1;
	s30 =	smov.u32 s1;
	s1 =	sadd.s32 $0x200, s1  }
0x21d: {  	v1 =	vmul.f32 $1.131370830e+01, v6;
	[tilespmem:s1+$0x80] =	vst v2;
	v2 =	vld [tilespmem:s17+$0x40]  }
0x21e: {  	v4 =	vmul.f32 $1.131370830e+01, v4;
	v6 =	vld [tilespmem:s7+$0x90];
	[tilespmem:s30+$0xC0] =	vst v5  }
0x21f: {  	v3 =	vmul.f32 $1.131370830e+01, v3;
	[tilespmem:s1+$0xFFFFFF80] =	vst v1;
	v1 =	vld [tilespmem:s17+$0xD0]  }
0x220: {  	v5 =	vld [tilespmem:s7+$0xFFFFFF90];
	[tilespmem:s1+$0x0] =	vst v4;
	v4 =	vmul.f32 $1.131370830e+01, v7  }
0x221: {  	[tilespmem:s1+$0xFFFFFF00] =	vst v3;
	v3 =	vld [tilespmem:s7+$0x10];
	v0 =	vmul.f32 $1.131370830e+01, v0  }
0x222: {  	v7 =	vld [tilespmem:s7+$0xFFFFFF10];
	[tilespmem:s30+$0xFFFFFF40] =	vst v4;
	v2 =	vmul.f32 $1.131370830e+01, v2  }
0x223: {  	v4 =	vmul.f32 $1.131370830e+01, v6;
	v6 =	vld [tilespmem:s17+$0xFFFFFF50];
	[tilespmem:s30+$0xFFFFFFC0] =	vst v0  }
0x224: {  	v0 =	vld [tilespmem:s17+$0xFFFFFFD0];
	[tilespmem:s30+$0x40] =	vst v2;
	v1 =	vmul.f32 $1.131370830e+01, v1  }
0x225: {  	v2 =	vmul.f32 $1.131370830e+01, v5;
	[tilespmem:s1+$0x90] =	vst v4;
	v4 =	vld [tilespmem:s17+$0x50]  }
0x226: {  	v3 =	vmul.f32 $1.131370830e+01, v3;
	v5 =	vld [tilespmem:s7+$0xA0];
	[tilespmem:s30+$0xD0] =	vst v1  }
0x227: {  	v1 =	vmul.f32 $1.131370830e+01, v7;
	[tilespmem:s1+$0xFFFFFF90] =	vst v2;
	v2 =	vld [tilespmem:s17+$0xE0]  }
0x228: {  	v7 =	vld [tilespmem:s7+$0xFFFFFFA0];
	[tilespmem:s1+$0x10] =	vst v3;
	v3 =	vmul.f32 $1.131370830e+01, v6  }
0x229: {  	[tilespmem:s1+$0xFFFFFF10] =	vst v1;
	v1 =	vld [tilespmem:s7+$0x20];
	v0 =	vmul.f32 $1.131370830e+01, v0  }
0x22a: {  	v6 =	vld [tilespmem:s7+$0xFFFFFF20];
	[tilespmem:s30+$0xFFFFFF50] =	vst v3;
	v3 =	vmul.f32 $1.131370830e+01, v4  }
0x22b: {  	v4 =	vmul.f32 $1.131370830e+01, v5;
	v5 =	vld [tilespmem:s17+$0xFFFFFF60];
	[tilespmem:s30+$0xFFFFFFD0] =	vst v0  }
0x22c: {  	v0 =	vld [tilespmem:s17+$0xFFFFFFE0];
	[tilespmem:s30+$0x50] =	vst v3;
	v2 =	vmul.f32 $1.131370830e+01, v2  }
0x22d: {  	v3 =	vmul.f32 $1.131370830e+01, v7;
	[tilespmem:s1+$0xA0] =	vst v4;
	v7 =	vld [tilespmem:s17+$0x60]  }
0x22e: {  	v1 =	vmul.f32 $1.131370830e+01, v1;
	v8 =	vld [tilespmem:s7+$0xB0];
	[tilespmem:s30+$0xE0] =	vst v2  }
0x22f: {  	v2 =	vmul.f32 $1.131370830e+01, v6;
	[tilespmem:s1+$0xFFFFFFA0] =	vst v3;
	v3 =	vld [tilespmem:s17+$0xF0]  }
0x230: {  	v6 =	vld [tilespmem:s7+$0xFFFFFFB0];
	[tilespmem:s1+$0x20] =	vst v1;
	v1 =	vmul.f32 $1.131370830e+01, v5  }
.Ltmp8:
0x231: {  	[tilespmem:s1+$0xFFFFFF20] =	vst v2;
	v4 =	vld [tilespmem:s7+$0x30];
	v0 =	vmul.f32 $1.131370830e+01, v0;
	(pc) =	sbr.rel @p1 .LBB2_13-.Ltmp8, $4  }
0x232: {  	v5 =	vld [tilespmem:s7+$0xFFFFFF30];
	[tilespmem:s30+$0xFFFFFF60] =	vst v1;
	v2 =	vmul.f32 $1.131370830e+01, v7  }
0x233: {  	v7 =	vmul.f32 $1.131370830e+01, v8;
	v1 =	vld [tilespmem:s17+$0xFFFFFF70];
	[tilespmem:s30+$0xFFFFFFE0] =	vst v0  }
0x234: {  	v0 =	vld [tilespmem:s17+$0xFFFFFFF0];
	[tilespmem:s30+$0x60] =	vst v2;
	v3 =	vmul.f32 $1.131370830e+01, v3  }
0x235: {  	v6 =	vmul.f32 $1.131370830e+01, v6;
	[tilespmem:s1+$0xB0] =	vst v7;
	v2 =	vld [tilespmem:s17+$0x70];
	s17 =	smov.u32 s7;
	s7 =	sadd.s32 $0x200, s7  }
0x236: {  	_ = 	snop  }
0x237: {  	v5 =	vmul.f32 $1.131370830e+01, v5;
	_ =	sdelay $0x1  }
0x238: {  	v4 =	vmul.f32 $1.131370830e+01, v4;
	v7 =	vld [tilespmem:s17+$0xC0];
	[tilespmem:s1+$0xFFFFFF30] =	vst v5  }
0x239: {  	[tilespmem:s1+$0xFFFFFFB0] =	vst v6;
	v5 =	vld [tilespmem:s17+$0xFFFFFF40]  }
0x23a: {  	[tilespmem:s1+$0x30] =	vst v4;
	v4 =	vld [tilespmem:s17+$0xFFFFFFC0]  }
0x23b: {  	v6 =	vld [tilespmem:s17+$0x40];
	_ =	sdelay $0x1  }
0x23c: {  	v7 =	vmul.f32 $1.131370830e+01, v7  }
0x23d: {  	v5 =	vmul.f32 $1.131370830e+01, v5  }
0x23e: {  	[tilespmem:s1+$0xC0] =	vst v7;
	v4 =	vmul.f32 $1.131370830e+01, v4  }
0x23f: {  	v7 =	vld [tilespmem:s17+$0xD0];
	[tilespmem:s1+$0xFFFFFF40] =	vst v5;
	v5 =	vmul.f32 $1.131370830e+01, v6  }
0x240: {  	[tilespmem:s1+$0xFFFFFFC0] =	vst v4;
	v6 =	vld [tilespmem:s17+$0xFFFFFF50]  }
0x241: {  	v4 =	vld [tilespmem:s17+$0xFFFFFFD0];
	[tilespmem:s1+$0x40] =	vst v5  }
0x242: {  	v5 =	vld [tilespmem:s17+$0x50];
	_ =	sdelay $0x1  }
0x243: {  	v7 =	vmul.f32 $1.131370830e+01, v7  }
0x244: {  	v6 =	vmul.f32 $1.131370830e+01, v6  }
0x245: {  	[tilespmem:s1+$0xD0] =	vst v7;
	v4 =	vmul.f32 $1.131370830e+01, v4  }
0x246: {  	v7 =	vld [tilespmem:s17+$0xE0];
	[tilespmem:s1+$0xFFFFFF50] =	vst v6;
	v5 =	vmul.f32 $1.131370830e+01, v5  }
0x247: {  	[tilespmem:s1+$0xFFFFFFD0] =	vst v4;
	v6 =	vld [tilespmem:s17+$0xFFFFFF60]  }
0x248: {  	v4 =	vld [tilespmem:s17+$0xFFFFFFE0];
	[tilespmem:s1+$0x50] =	vst v5  }
0x249: {  	v5 =	vld [tilespmem:s17+$0x60];
	_ =	sdelay $0x1  }
0x24a: {  	v7 =	vmul.f32 $1.131370830e+01, v7  }
0x24b: {  	v6 =	vmul.f32 $1.131370830e+01, v6  }
0x24c: {  	[tilespmem:s1+$0xE0] =	vst v7;
	v4 =	vmul.f32 $1.131370830e+01, v4  }
0x24d: {  	v7 =	vld [tilespmem:s17+$0xF0];
	[tilespmem:s1+$0xFFFFFF60] =	vst v6;
	v5 =	vmul.f32 $1.131370830e+01, v5  }
0x24e: {  	[tilespmem:s1+$0xFFFFFFE0] =	vst v4;
	v6 =	vld [tilespmem:s17+$0xFFFFFF70]  }
0x24f: {  	v1 =	vmul.f32 $1.131370830e+01, v1;
	v4 =	vld [tilespmem:s17+$0xFFFFFFF0];
	[tilespmem:s1+$0x60] =	vst v5  }
0x250: {  	[tilespmem:s30+$0xF0] =	vst v3;
	v0 =	vmul.f32 $1.131370830e+01, v0;
	v3 =	vld [tilespmem:s17+$0x70]  }
0x251: {  	[tilespmem:s30+$0xFFFFFF70] =	vst v1;
	v1 =	vmul.f32 $1.131370830e+01, v2  }
0x252: {  	[tilespmem:s30+$0xFFFFFFF0] =	vst v0;
	v0 =	vmul.f32 $1.131370830e+01, v7  }
0x253: {  	[tilespmem:s30+$0x70] =	vst v1;
	v1 =	vmul.f32 $1.131370830e+01, v6  }
0x254: {  	[tilespmem:s1+$0xF0] =	vst v0;
	v0 =	vmul.f32 $1.131370830e+01, v4  }
0x255: {  	s7 =	sadd.s32 s14, s9;
	[tilespmem:s1+$0xFFFFFF70] =	vst v1;
	v1 =	vmul.f32 $1.131370830e+01, v3  }
0x256: {  	s7 =	sshll.u32 s7, $0x4;
	[tilespmem:s1+$0xFFFFFFF0] =	vst v0  }
0x257: {  	s17 =	sadd.s32 s3, s7;
	[tilespmem:s1+$0x70] =	vst v1  }
0x258: {  	[hbm4b:s17+s4] =	stream.linear.scatter [tilespmem:s21], [sflag:$0xA], $0x2800, $0x38;
	[tilespmem:$0x1B800] =	vst v63  }
0x259: {  	s8 =	simm.s32 @!p0 $0xA000;
	s7 =	simm.s32 @!p0 $0x50;
	s1 =	sadd.s32 @!p0 $0x580, s15  }
0x25a: {  	[tilespmem:s8], [sflag:$0x4] =	stream.indirect.gather @!p0 [hbm4b:s2+s7], $0x80, s1, s7, $0xb8;
	[tilespmem:$0x1B800] =	vst v63  }
0x25b: {  	_ =	swait.ge [sflag:s25], $0x2800  }
0x25c: {  	[sflag:s25] =	ssyncset.done $0x0  }
0x25d: {  	[sflag:s25] =	ssyncadd.s32 $0xFFFFD800  }
0x25e: {  	_ =	swait.ge [sflag:s23], $0x2800  }
0x25f: {  	[sflag:s23] =	ssyncset.done $0x0  }
0x260: {  	s8 =	simm.s32 $0xC900;
	[sflag:s23] =	ssyncadd.s32 $0xFFFFD800  }
0x261: {  	v0 =	vld [tilespmem:s8+$0x80];
	_ =	sdelay $0x3  }
0x262: {  	v1 =	vld [tilespmem:s8+$0xFFFFFF00]  }
0x263: {  	v2 =	vld [tilespmem:s8+$0xFFFFFF80];
	v0 =	vmul.f32 $1.131370830e+01, v0  }
0x264: {  	s30 =	simm.s32 $0x16900;
	v3 =	vld [tilespmem:s8+$0x0]  }
0x265: {  	[tilespmem:s30+$0x80] =	vst v0  }
0x266: {  	v0 =	vld [tilespmem:s8+$0x90]  }
0x267: {  	v1 =	vmul.f32 $1.131370830e+01, v1  }
0x268: {  	v2 =	vmul.f32 $1.131370830e+01, v2  }
0x269: {  	v3 =	vmul.f32 $1.131370830e+01, v3;
	[tilespmem:s30+$0xFFFFFF00] =	vst v1  }
0x26a: {  	[tilespmem:s30+$0xFFFFFF80] =	vst v2;
	v1 =	vld [tilespmem:s8+$0xFFFFFF10]  }
0x26b: {  	[tilespmem:s30+$0x0] =	vst v3;
	v2 =	vld [tilespmem:s8+$0xFFFFFF90];
	v0 =	vmul.f32 $1.131370830e+01, v0  }
0x26c: {  	v3 =	vld [tilespmem:s8+$0x10]  }
0x26d: {  	[tilespmem:s30+$0x90] =	vst v0  }
0x26e: {  	v0 =	vld [tilespmem:s8+$0xA0]  }
0x26f: {  	v1 =	vmul.f32 $1.131370830e+01, v1  }
0x270: {  	v2 =	vmul.f32 $1.131370830e+01, v2  }
0x271: {  	v3 =	vmul.f32 $1.131370830e+01, v3;
	[tilespmem:s30+$0xFFFFFF10] =	vst v1  }
0x272: {  	[tilespmem:s30+$0xFFFFFF90] =	vst v2;
	v1 =	vld [tilespmem:s8+$0xFFFFFF20]  }
0x273: {  	[tilespmem:s30+$0x10] =	vst v3;
	v2 =	vld [tilespmem:s8+$0xFFFFFFA0];
	v0 =	vmul.f32 $1.131370830e+01, v0  }
0x274: {  	v3 =	vld [tilespmem:s8+$0x20]  }
0x275: {  	[tilespmem:s30+$0xA0] =	vst v0  }
0x276: {  	v0 =	vld [tilespmem:s8+$0xB0]  }
0x277: {  	v1 =	vmul.f32 $1.131370830e+01, v1  }
0x278: {  	v2 =	vmul.f32 $1.131370830e+01, v2  }
0x279: {  	v3 =	vmul.f32 $1.131370830e+01, v3;
	[tilespmem:s30+$0xFFFFFF20] =	vst v1  }
0x27a: {  	[tilespmem:s30+$0xFFFFFFA0] =	vst v2;
	v1 =	vld [tilespmem:s8+$0xFFFFFF30]  }
0x27b: {  	[tilespmem:s30+$0x20] =	vst v3;
	v2 =	vld [tilespmem:s8+$0xFFFFFFB0];
	v0 =	vmul.f32 $1.131370830e+01, v0  }
0x27c: {  	s17 =	simm.s32 $0xCB00;
	v3 =	vld [tilespmem:s8+$0x30]  }
0x27d: {  	[tilespmem:s30+$0xB0] =	vst v0;
	v0 =	vld [tilespmem:s17+$0x80]  }
0x27e: {  	v4 =	vld [tilespmem:s8+$0xC0]  }
0x27f: {  	v5 =	vld [tilespmem:s17+$0xFFFFFF80];
	v1 =	vmul.f32 $1.131370830e+01, v1  }
0x280: {  	v6 =	vld [tilespmem:s17+$0x0];
	v2 =	vmul.f32 $1.131370830e+01, v2  }
0x281: {  	v3 =	vmul.f32 $1.131370830e+01, v3;
	[tilespmem:s30+$0xFFFFFF30] =	vst v1;
	v1 =	vld [tilespmem:s17+$0xFFFFFF00]  }
0x282: {  	[tilespmem:s30+$0xFFFFFFB0] =	vst v2;
	v2 =	vld [tilespmem:s8+$0xFFFFFF40];
	v0 =	vmul.f32 $1.131370830e+01, v0  }
0x283: {  	s1 =	simm.s32 $0x16B00;
	[tilespmem:s30+$0x30] =	vst v3;
	v3 =	vld [tilespmem:s8+$0xFFFFFFC0];
	v4 =	vmul.f32 $1.131370830e+01, v4  }
0x284: {  	v5 =	vmul.f32 $1.131370830e+01, v5;
	[tilespmem:s1+$0x80] =	vst v0;
	v0 =	vld [tilespmem:s8+$0x40]  }
0x285: {  	v6 =	vmul.f32 $1.131370830e+01, v6;
	v7 =	vld [tilespmem:s17+$0x90];
	[tilespmem:s30+$0xC0] =	vst v4  }
0x286: {  	[tilespmem:s1+$0xFFFFFF80] =	vst v5;
	v1 =	vmul.f32 $1.131370830e+01, v1;
	v4 =	vld [tilespmem:s8+$0xD0]  }
0x287: {  	[tilespmem:s1+$0x0] =	vst v6;
	v5 =	vld [tilespmem:s17+$0xFFFFFF90];
	v2 =	vmul.f32 $1.131370830e+01, v2  }
0x288: {  	v3 =	vmul.f32 $1.131370830e+01, v3;
	[tilespmem:s1+$0xFFFFFF00] =	vst v1;
	v1 =	vld [tilespmem:s17+$0x10]  }
0x289: {  	v6 =	vld [tilespmem:s17+$0xFFFFFF10];
	[tilespmem:s30+$0xFFFFFF40] =	vst v2;
	v0 =	vmul.f32 $1.131370830e+01, v0  }
0x28a: {  	[tilespmem:s30+$0xFFFFFFC0] =	vst v3;
	v2 =	vmul.f32 $1.131370830e+01, v7;
	v7 =	vld [tilespmem:s8+$0xFFFFFF50]  }
0x28b: {  	v3 =	vld [tilespmem:s8+$0xFFFFFFD0];
	[tilespmem:s30+$0x40] =	vst v0;
	v0 =	vmul.f32 $1.131370830e+01, v4  }
0x28c: {  	v4 =	vmul.f32 $1.131370830e+01, v5;
	[tilespmem:s1+$0x90] =	vst v2;
	v2 =	vld [tilespmem:s8+$0x50]  }
0x28d: {  	v1 =	vmul.f32 $1.131370830e+01, v1;
	v5 =	vld [tilespmem:s17+$0xA0];
	[tilespmem:s30+$0xD0] =	vst v0  }
0x28e: {  	v0 =	vmul.f32 $1.131370830e+01, v6;
	[tilespmem:s1+$0xFFFFFF90] =	vst v4;
	v4 =	vld [tilespmem:s8+$0xE0]  }
0x28f: {  	[tilespmem:s1+$0x10] =	vst v1;
	v6 =	vld [tilespmem:s17+$0xFFFFFFA0];
	v1 =	vmul.f32 $1.131370830e+01, v7  }
0x290: {  	v3 =	vmul.f32 $1.131370830e+01, v3;
	[tilespmem:s1+$0xFFFFFF10] =	vst v0;
	v0 =	vld [tilespmem:s17+$0x20]  }
0x291: {  	v7 =	vld [tilespmem:s17+$0xFFFFFF20];
	[tilespmem:s30+$0xFFFFFF50] =	vst v1;
	v1 =	vmul.f32 $1.131370830e+01, v2  }
0x292: {  	[tilespmem:s30+$0xFFFFFFD0] =	vst v3;
	v2 =	vmul.f32 $1.131370830e+01, v5;
	v5 =	vld [tilespmem:s8+$0xFFFFFF60]  }
0x293: {  	v3 =	vld [tilespmem:s8+$0xFFFFFFE0];
	[tilespmem:s30+$0x50] =	vst v1;
	v1 =	vmul.f32 $1.131370830e+01, v4  }
0x294: {  	v4 =	vmul.f32 $1.131370830e+01, v6;
	[tilespmem:s1+$0xA0] =	vst v2;
	v2 =	vld [tilespmem:s8+$0x60]  }
0x295: {  	v0 =	vmul.f32 $1.131370830e+01, v0;
	v6 =	vld [tilespmem:s17+$0xB0];
	[tilespmem:s30+$0xE0] =	vst v1  }
0x296: {  	v1 =	vmul.f32 $1.131370830e+01, v7;
	[tilespmem:s1+$0xFFFFFFA0] =	vst v4;
	v7 =	vld [tilespmem:s8+$0xF0]  }
0x297: {  	v8 =	vld [tilespmem:s17+$0xFFFFFFB0];
	[tilespmem:s1+$0x20] =	vst v0;
	v0 =	vmul.f32 $1.131370830e+01, v5  }
0x298: {  	v3 =	vmul.f32 $1.131370830e+01, v3;
	[tilespmem:s1+$0xFFFFFF20] =	vst v1;
	v4 =	vld [tilespmem:s17+$0x30]  }
0x299: {  	v5 =	vld [tilespmem:s17+$0xFFFFFF30];
	[tilespmem:s30+$0xFFFFFF60] =	vst v0;
	v2 =	vmul.f32 $1.131370830e+01, v2  }
0x29a: {  	[tilespmem:s30+$0xFFFFFFE0] =	vst v3;
	v9 =	vmul.f32 $1.131370830e+01, v6;
	v1 =	vld [tilespmem:s8+$0xFFFFFF70]  }
0x29b: {  	v0 =	vld [tilespmem:s8+$0xFFFFFFF0];
	[tilespmem:s30+$0x60] =	vst v2;
	v3 =	vmul.f32 $1.131370830e+01, v7  }
0x29c: {  	s16 =	simm.s32 $0x4;
	s7 =	simm.s32 $0xCD00;
	v6 =	vmul.f32 $1.131370830e+01, v8;
	[tilespmem:s1+$0xB0] =	vst v9;
	v2 =	vld [tilespmem:s8+$0x70]  }
.LBB2_15:
0x29d: {  	v7 =	vld [tilespmem:s7+$0x80];
	v4 =	vmul.f32 $1.131370830e+01, v4;
	[tilespmem:s30+$0xF0] =	vst v3  }
0x29e: {  	s16 =	sadd.s32 $0x4, s16;
	v3 =	vmul.f32 $1.131370830e+01, v5;
	[tilespmem:s1+$0xFFFFFFB0] =	vst v6;
	v5 =	vld [tilespmem:s17+$0xC0]  }
0x29f: {  	p1 =	slt.u32 s16, $0x4C;
	v6 =	vld [tilespmem:s7+$0xFFFFFF80];
	[tilespmem:s1+$0x30] =	vst v4;
	v1 =	vmul.f32 $1.131370830e+01, v1  }
0x2a0: {  	v4 =	vld [tilespmem:s7+$0x0];
	[tilespmem:s1+$0xFFFFFF30] =	vst v3;
	v0 =	vmul.f32 $1.131370830e+01, v0  }
0x2a1: {  	v3 =	vld [tilespmem:s7+$0xFFFFFF00];
	[tilespmem:s30+$0xFFFFFF70] =	vst v1;
	v1 =	vmul.f32 $1.131370830e+01, v2  }
0x2a2: {  	v2 =	vmul.f32 $1.131370830e+01, v7;
	v7 =	vld [tilespmem:s17+$0xFFFFFF40];
	[tilespmem:s30+$0xFFFFFFF0] =	vst v0  }
0x2a3: {  	v0 =	vld [tilespmem:s17+$0xFFFFFFC0];
	v5 =	vmul.f32 $1.131370830e+01, v5;
	[tilespmem:s30+$0x70] =	vst v1;
	s30 =	smov.u32 s1;
	s1 =	sadd.s32 $0x200, s1  }
0x2a4: {  	v1 =	vmul.f32 $1.131370830e+01, v6;
	[tilespmem:s1+$0x80] =	vst v2;
	v2 =	vld [tilespmem:s17+$0x40]  }
0x2a5: {  	v4 =	vmul.f32 $1.131370830e+01, v4;
	v6 =	vld [tilespmem:s7+$0x90];
	[tilespmem:s30+$0xC0] =	vst v5  }
0x2a6: {  	v3 =	vmul.f32 $1.131370830e+01, v3;
	[tilespmem:s1+$0xFFFFFF80] =	vst v1;
	v1 =	vld [tilespmem:s17+$0xD0]  }
0x2a7: {  	v5 =	vld [tilespmem:s7+$0xFFFFFF90];
	[tilespmem:s1+$0x0] =	vst v4;
	v4 =	vmul.f32 $1.131370830e+01, v7  }
0x2a8: {  	[tilespmem:s1+$0xFFFFFF00] =	vst v3;
	v3 =	vld [tilespmem:s7+$0x10];
	v0 =	vmul.f32 $1.131370830e+01, v0  }
0x2a9: {  	v7 =	vld [tilespmem:s7+$0xFFFFFF10];
	[tilespmem:s30+$0xFFFFFF40] =	vst v4;
	v2 =	vmul.f32 $1.131370830e+01, v2  }
0x2aa: {  	v4 =	vmul.f32 $1.131370830e+01, v6;
	v6 =	vld [tilespmem:s17+$0xFFFFFF50];
	[tilespmem:s30+$0xFFFFFFC0] =	vst v0  }
0x2ab: {  	v0 =	vld [tilespmem:s17+$0xFFFFFFD0];
	[tilespmem:s30+$0x40] =	vst v2;
	v1 =	vmul.f32 $1.131370830e+01, v1  }
0x2ac: {  	v2 =	vmul.f32 $1.131370830e+01, v5;
	[tilespmem:s1+$0x90] =	vst v4;
	v4 =	vld [tilespmem:s17+$0x50]  }
0x2ad: {  	v3 =	vmul.f32 $1.131370830e+01, v3;
	v5 =	vld [tilespmem:s7+$0xA0];
	[tilespmem:s30+$0xD0] =	vst v1  }
0x2ae: {  	v1 =	vmul.f32 $1.131370830e+01, v7;
	[tilespmem:s1+$0xFFFFFF90] =	vst v2;
	v2 =	vld [tilespmem:s17+$0xE0]  }
0x2af: {  	v7 =	vld [tilespmem:s7+$0xFFFFFFA0];
	[tilespmem:s1+$0x10] =	vst v3;
	v3 =	vmul.f32 $1.131370830e+01, v6  }
0x2b0: {  	[tilespmem:s1+$0xFFFFFF10] =	vst v1;
	v1 =	vld [tilespmem:s7+$0x20];
	v0 =	vmul.f32 $1.131370830e+01, v0  }
0x2b1: {  	v6 =	vld [tilespmem:s7+$0xFFFFFF20];
	[tilespmem:s30+$0xFFFFFF50] =	vst v3;
	v3 =	vmul.f32 $1.131370830e+01, v4  }
0x2b2: {  	v4 =	vmul.f32 $1.131370830e+01, v5;
	v5 =	vld [tilespmem:s17+$0xFFFFFF60];
	[tilespmem:s30+$0xFFFFFFD0] =	vst v0  }
0x2b3: {  	v0 =	vld [tilespmem:s17+$0xFFFFFFE0];
	[tilespmem:s30+$0x50] =	vst v3;
	v2 =	vmul.f32 $1.131370830e+01, v2  }
0x2b4: {  	v3 =	vmul.f32 $1.131370830e+01, v7;
	[tilespmem:s1+$0xA0] =	vst v4;
	v7 =	vld [tilespmem:s17+$0x60]  }
0x2b5: {  	v1 =	vmul.f32 $1.131370830e+01, v1;
	v8 =	vld [tilespmem:s7+$0xB0];
	[tilespmem:s30+$0xE0] =	vst v2  }
0x2b6: {  	v2 =	vmul.f32 $1.131370830e+01, v6;
	[tilespmem:s1+$0xFFFFFFA0] =	vst v3;
	v3 =	vld [tilespmem:s17+$0xF0]  }
0x2b7: {  	v6 =	vld [tilespmem:s7+$0xFFFFFFB0];
	[tilespmem:s1+$0x20] =	vst v1;
	v1 =	vmul.f32 $1.131370830e+01, v5  }
.Ltmp9:
0x2b8: {  	[tilespmem:s1+$0xFFFFFF20] =	vst v2;
	v4 =	vld [tilespmem:s7+$0x30];
	v0 =	vmul.f32 $1.131370830e+01, v0;
	(pc) =	sbr.rel @p1 .LBB2_15-.Ltmp9, $4  }
0x2b9: {  	v5 =	vld [tilespmem:s7+$0xFFFFFF30];
	[tilespmem:s30+$0xFFFFFF60] =	vst v1;
	v2 =	vmul.f32 $1.131370830e+01, v7  }
0x2ba: {  	v7 =	vmul.f32 $1.131370830e+01, v8;
	v1 =	vld [tilespmem:s17+$0xFFFFFF70];
	[tilespmem:s30+$0xFFFFFFE0] =	vst v0  }
0x2bb: {  	v0 =	vld [tilespmem:s17+$0xFFFFFFF0];
	[tilespmem:s30+$0x60] =	vst v2;
	v3 =	vmul.f32 $1.131370830e+01, v3  }
0x2bc: {  	v6 =	vmul.f32 $1.131370830e+01, v6;
	[tilespmem:s1+$0xB0] =	vst v7;
	v2 =	vld [tilespmem:s17+$0x70];
	s17 =	smov.u32 s7;
	s7 =	sadd.s32 $0x200, s7  }
0x2bd: {  	_ = 	snop  }
0x2be: {  	v5 =	vmul.f32 $1.131370830e+01, v5;
	_ =	sdelay $0x1  }
0x2bf: {  	v4 =	vmul.f32 $1.131370830e+01, v4;
	v7 =	vld [tilespmem:s17+$0xC0];
	[tilespmem:s1+$0xFFFFFF30] =	vst v5  }
0x2c0: {  	[tilespmem:s1+$0xFFFFFFB0] =	vst v6;
	v5 =	vld [tilespmem:s17+$0xFFFFFF40]  }
0x2c1: {  	[tilespmem:s1+$0x30] =	vst v4;
	v4 =	vld [tilespmem:s17+$0xFFFFFFC0]  }
0x2c2: {  	v6 =	vld [tilespmem:s17+$0x40];
	_ =	sdelay $0x1  }
0x2c3: {  	v7 =	vmul.f32 $1.131370830e+01, v7  }
0x2c4: {  	v5 =	vmul.f32 $1.131370830e+01, v5  }
0x2c5: {  	[tilespmem:s1+$0xC0] =	vst v7;
	v4 =	vmul.f32 $1.131370830e+01, v4  }
0x2c6: {  	v7 =	vld [tilespmem:s17+$0xD0];
	[tilespmem:s1+$0xFFFFFF40] =	vst v5;
	v5 =	vmul.f32 $1.131370830e+01, v6  }
0x2c7: {  	[tilespmem:s1+$0xFFFFFFC0] =	vst v4;
	v6 =	vld [tilespmem:s17+$0xFFFFFF50]  }
0x2c8: {  	v4 =	vld [tilespmem:s17+$0xFFFFFFD0];
	[tilespmem:s1+$0x40] =	vst v5  }
0x2c9: {  	v5 =	vld [tilespmem:s17+$0x50];
	_ =	sdelay $0x1  }
0x2ca: {  	v7 =	vmul.f32 $1.131370830e+01, v7  }
0x2cb: {  	v6 =	vmul.f32 $1.131370830e+01, v6  }
0x2cc: {  	[tilespmem:s1+$0xD0] =	vst v7;
	v4 =	vmul.f32 $1.131370830e+01, v4  }
0x2cd: {  	v7 =	vld [tilespmem:s17+$0xE0];
	[tilespmem:s1+$0xFFFFFF50] =	vst v6;
	v5 =	vmul.f32 $1.131370830e+01, v5  }
0x2ce: {  	[tilespmem:s1+$0xFFFFFFD0] =	vst v4;
	v6 =	vld [tilespmem:s17+$0xFFFFFF60]  }
0x2cf: {  	v4 =	vld [tilespmem:s17+$0xFFFFFFE0];
	[tilespmem:s1+$0x50] =	vst v5  }
0x2d0: {  	v5 =	vld [tilespmem:s17+$0x60];
	_ =	sdelay $0x1  }
0x2d1: {  	v7 =	vmul.f32 $1.131370830e+01, v7  }
0x2d2: {  	v6 =	vmul.f32 $1.131370830e+01, v6  }
0x2d3: {  	[tilespmem:s1+$0xE0] =	vst v7;
	v4 =	vmul.f32 $1.131370830e+01, v4  }
0x2d4: {  	v7 =	vld [tilespmem:s17+$0xF0];
	[tilespmem:s1+$0xFFFFFF60] =	vst v6;
	v5 =	vmul.f32 $1.131370830e+01, v5  }
0x2d5: {  	[tilespmem:s1+$0xFFFFFFE0] =	vst v4;
	v6 =	vld [tilespmem:s17+$0xFFFFFF70]  }
0x2d6: {  	v1 =	vmul.f32 $1.131370830e+01, v1;
	v4 =	vld [tilespmem:s17+$0xFFFFFFF0];
	[tilespmem:s1+$0x60] =	vst v5  }
0x2d7: {  	[tilespmem:s30+$0xF0] =	vst v3;
	v0 =	vmul.f32 $1.131370830e+01, v0;
	v3 =	vld [tilespmem:s17+$0x70]  }
0x2d8: {  	[tilespmem:s30+$0xFFFFFF70] =	vst v1;
	v1 =	vmul.f32 $1.131370830e+01, v2  }
0x2d9: {  	[tilespmem:s30+$0xFFFFFFF0] =	vst v0;
	v0 =	vmul.f32 $1.131370830e+01, v7  }
0x2da: {  	[tilespmem:s30+$0x70] =	vst v1;
	v1 =	vmul.f32 $1.131370830e+01, v6  }
0x2db: {  	[tilespmem:s1+$0xF0] =	vst v0;
	v0 =	vmul.f32 $1.131370830e+01, v4  }
0x2dc: {  	s7 =	sadd.s32 s14, s10;
	[tilespmem:s1+$0xFFFFFF70] =	vst v1;
	v1 =	vmul.f32 $1.131370830e+01, v3  }
0x2dd: {  	s7 =	sshll.u32 s7, $0x4;
	[tilespmem:s1+$0xFFFFFFF0] =	vst v0  }
0x2de: {  	s17 =	sadd.s32 s3, s7;
	[tilespmem:s1+$0x70] =	vst v1  }
0x2df: {  	[hbm4b:s17+s4] =	stream.linear.scatter [tilespmem:s18], [sflag:$0x9], $0x2800, $0x38;
	[tilespmem:$0x1B800] =	vst v63  }
0x2e0: {  	s8 =	simm.s32 @!p0 $0xC800;
	s7 =	simm.s32 @!p0 $0x50;
	s1 =	sadd.s32 @!p0 $0x600, s15  }
0x2e1: {  	[tilespmem:s8], [sflag:$0x5] =	stream.indirect.gather @!p0 [hbm4b:s2+s7], $0x80, s1, s7, $0xb8;
	[tilespmem:$0x1B800] =	vst v63  }
0x2e2: {  	_ =	swait.ge [sflag:s26], $0x2800  }
0x2e3: {  	[sflag:s26] =	ssyncset.done $0x0  }
0x2e4: {  	[sflag:s26] =	ssyncadd.s32 $0xFFFFD800  }
0x2e5: {  	_ =	swait.ge [sflag:s20], $0x2800  }
0x2e6: {  	[sflag:s20] =	ssyncset.done $0x0  }
0x2e7: {  	s8 =	simm.s32 $0xF100;
	[sflag:s20] =	ssyncadd.s32 $0xFFFFD800  }
0x2e8: {  	v0 =	vld [tilespmem:s8+$0x80];
	_ =	sdelay $0x3  }
0x2e9: {  	v1 =	vld [tilespmem:s8+$0xFFFFFF00]  }
0x2ea: {  	v2 =	vld [tilespmem:s8+$0xFFFFFF80];
	v0 =	vmul.f32 $1.131370830e+01, v0  }
0x2eb: {  	s30 =	simm.s32 $0x19100;
	v3 =	vld [tilespmem:s8+$0x0]  }
0x2ec: {  	[tilespmem:s30+$0x80] =	vst v0  }
0x2ed: {  	v0 =	vld [tilespmem:s8+$0x90]  }
0x2ee: {  	v1 =	vmul.f32 $1.131370830e+01, v1  }
0x2ef: {  	v2 =	vmul.f32 $1.131370830e+01, v2  }
0x2f0: {  	v3 =	vmul.f32 $1.131370830e+01, v3;
	[tilespmem:s30+$0xFFFFFF00] =	vst v1  }
0x2f1: {  	[tilespmem:s30+$0xFFFFFF80] =	vst v2;
	v1 =	vld [tilespmem:s8+$0xFFFFFF10]  }
0x2f2: {  	[tilespmem:s30+$0x0] =	vst v3;
	v2 =	vld [tilespmem:s8+$0xFFFFFF90];
	v0 =	vmul.f32 $1.131370830e+01, v0  }
0x2f3: {  	v3 =	vld [tilespmem:s8+$0x10]  }
0x2f4: {  	[tilespmem:s30+$0x90] =	vst v0  }
0x2f5: {  	v0 =	vld [tilespmem:s8+$0xA0]  }
0x2f6: {  	v1 =	vmul.f32 $1.131370830e+01, v1  }
0x2f7: {  	v2 =	vmul.f32 $1.131370830e+01, v2  }
0x2f8: {  	v3 =	vmul.f32 $1.131370830e+01, v3;
	[tilespmem:s30+$0xFFFFFF10] =	vst v1  }
0x2f9: {  	[tilespmem:s30+$0xFFFFFF90] =	vst v2;
	v1 =	vld [tilespmem:s8+$0xFFFFFF20]  }
0x2fa: {  	[tilespmem:s30+$0x10] =	vst v3;
	v2 =	vld [tilespmem:s8+$0xFFFFFFA0];
	v0 =	vmul.f32 $1.131370830e+01, v0  }
0x2fb: {  	v3 =	vld [tilespmem:s8+$0x20]  }
0x2fc: {  	[tilespmem:s30+$0xA0] =	vst v0  }
0x2fd: {  	v0 =	vld [tilespmem:s8+$0xB0]  }
0x2fe: {  	v1 =	vmul.f32 $1.131370830e+01, v1  }
0x2ff: {  	v2 =	vmul.f32 $1.131370830e+01, v2  }
0x300: {  	v3 =	vmul.f32 $1.131370830e+01, v3;
	[tilespmem:s30+$0xFFFFFF20] =	vst v1  }
0x301: {  	[tilespmem:s30+$0xFFFFFFA0] =	vst v2;
	v1 =	vld [tilespmem:s8+$0xFFFFFF30]  }
0x302: {  	[tilespmem:s30+$0x20] =	vst v3;
	v2 =	vld [tilespmem:s8+$0xFFFFFFB0];
	v0 =	vmul.f32 $1.131370830e+01, v0  }
0x303: {  	s17 =	simm.s32 $0xF300;
	v3 =	vld [tilespmem:s8+$0x30]  }
0x304: {  	[tilespmem:s30+$0xB0] =	vst v0;
	v0 =	vld [tilespmem:s17+$0x80]  }
0x305: {  	v4 =	vld [tilespmem:s8+$0xC0]  }
0x306: {  	v5 =	vld [tilespmem:s17+$0xFFFFFF80];
	v1 =	vmul.f32 $1.131370830e+01, v1  }
0x307: {  	v6 =	vld [tilespmem:s17+$0x0];
	v2 =	vmul.f32 $1.131370830e+01, v2  }
0x308: {  	v3 =	vmul.f32 $1.131370830e+01, v3;
	[tilespmem:s30+$0xFFFFFF30] =	vst v1;
	v1 =	vld [tilespmem:s17+$0xFFFFFF00]  }
0x309: {  	[tilespmem:s30+$0xFFFFFFB0] =	vst v2;
	v2 =	vld [tilespmem:s8+$0xFFFFFF40];
	v0 =	vmul.f32 $1.131370830e+01, v0  }
0x30a: {  	s1 =	simm.s32 $0x19300;
	[tilespmem:s30+$0x30] =	vst v3;
	v3 =	vld [tilespmem:s8+$0xFFFFFFC0];
	v4 =	vmul.f32 $1.131370830e+01, v4  }
0x30b: {  	v5 =	vmul.f32 $1.131370830e+01, v5;
	[tilespmem:s1+$0x80] =	vst v0;
	v0 =	vld [tilespmem:s8+$0x40]  }
0x30c: {  	v6 =	vmul.f32 $1.131370830e+01, v6;
	v7 =	vld [tilespmem:s17+$0x90];
	[tilespmem:s30+$0xC0] =	vst v4  }
0x30d: {  	[tilespmem:s1+$0xFFFFFF80] =	vst v5;
	v1 =	vmul.f32 $1.131370830e+01, v1;
	v4 =	vld [tilespmem:s8+$0xD0]  }
0x30e: {  	[tilespmem:s1+$0x0] =	vst v6;
	v5 =	vld [tilespmem:s17+$0xFFFFFF90];
	v2 =	vmul.f32 $1.131370830e+01, v2  }
0x30f: {  	v3 =	vmul.f32 $1.131370830e+01, v3;
	[tilespmem:s1+$0xFFFFFF00] =	vst v1;
	v1 =	vld [tilespmem:s17+$0x10]  }
0x310: {  	v6 =	vld [tilespmem:s17+$0xFFFFFF10];
	[tilespmem:s30+$0xFFFFFF40] =	vst v2;
	v0 =	vmul.f32 $1.131370830e+01, v0  }
0x311: {  	[tilespmem:s30+$0xFFFFFFC0] =	vst v3;
	v2 =	vmul.f32 $1.131370830e+01, v7;
	v7 =	vld [tilespmem:s8+$0xFFFFFF50]  }
0x312: {  	v3 =	vld [tilespmem:s8+$0xFFFFFFD0];
	[tilespmem:s30+$0x40] =	vst v0;
	v0 =	vmul.f32 $1.131370830e+01, v4  }
0x313: {  	v4 =	vmul.f32 $1.131370830e+01, v5;
	[tilespmem:s1+$0x90] =	vst v2;
	v2 =	vld [tilespmem:s8+$0x50]  }
0x314: {  	v1 =	vmul.f32 $1.131370830e+01, v1;
	v5 =	vld [tilespmem:s17+$0xA0];
	[tilespmem:s30+$0xD0] =	vst v0  }
0x315: {  	v0 =	vmul.f32 $1.131370830e+01, v6;
	[tilespmem:s1+$0xFFFFFF90] =	vst v4;
	v4 =	vld [tilespmem:s8+$0xE0]  }
0x316: {  	[tilespmem:s1+$0x10] =	vst v1;
	v6 =	vld [tilespmem:s17+$0xFFFFFFA0];
	v1 =	vmul.f32 $1.131370830e+01, v7  }
0x317: {  	v3 =	vmul.f32 $1.131370830e+01, v3;
	[tilespmem:s1+$0xFFFFFF10] =	vst v0;
	v0 =	vld [tilespmem:s17+$0x20]  }
0x318: {  	v7 =	vld [tilespmem:s17+$0xFFFFFF20];
	[tilespmem:s30+$0xFFFFFF50] =	vst v1;
	v1 =	vmul.f32 $1.131370830e+01, v2  }
0x319: {  	[tilespmem:s30+$0xFFFFFFD0] =	vst v3;
	v2 =	vmul.f32 $1.131370830e+01, v5;
	v5 =	vld [tilespmem:s8+$0xFFFFFF60]  }
0x31a: {  	v3 =	vld [tilespmem:s8+$0xFFFFFFE0];
	[tilespmem:s30+$0x50] =	vst v1;
	v1 =	vmul.f32 $1.131370830e+01, v4  }
0x31b: {  	v4 =	vmul.f32 $1.131370830e+01, v6;
	[tilespmem:s1+$0xA0] =	vst v2;
	v2 =	vld [tilespmem:s8+$0x60]  }
0x31c: {  	v0 =	vmul.f32 $1.131370830e+01, v0;
	v6 =	vld [tilespmem:s17+$0xB0];
	[tilespmem:s30+$0xE0] =	vst v1  }
0x31d: {  	v1 =	vmul.f32 $1.131370830e+01, v7;
	[tilespmem:s1+$0xFFFFFFA0] =	vst v4;
	v7 =	vld [tilespmem:s8+$0xF0]  }
0x31e: {  	v8 =	vld [tilespmem:s17+$0xFFFFFFB0];
	[tilespmem:s1+$0x20] =	vst v0;
	v0 =	vmul.f32 $1.131370830e+01, v5  }
0x31f: {  	v3 =	vmul.f32 $1.131370830e+01, v3;
	[tilespmem:s1+$0xFFFFFF20] =	vst v1;
	v4 =	vld [tilespmem:s17+$0x30]  }
0x320: {  	v5 =	vld [tilespmem:s17+$0xFFFFFF30];
	[tilespmem:s30+$0xFFFFFF60] =	vst v0;
	v2 =	vmul.f32 $1.131370830e+01, v2  }
0x321: {  	[tilespmem:s30+$0xFFFFFFE0] =	vst v3;
	v9 =	vmul.f32 $1.131370830e+01, v6;
	v1 =	vld [tilespmem:s8+$0xFFFFFF70]  }
0x322: {  	v0 =	vld [tilespmem:s8+$0xFFFFFFF0];
	[tilespmem:s30+$0x60] =	vst v2;
	v3 =	vmul.f32 $1.131370830e+01, v7  }
0x323: {  	s16 =	simm.s32 $0x4;
	s7 =	simm.s32 $0xF500;
	v6 =	vmul.f32 $1.131370830e+01, v8;
	[tilespmem:s1+$0xB0] =	vst v9;
	v2 =	vld [tilespmem:s8+$0x70]  }
.LBB2_17:
0x324: {  	v7 =	vld [tilespmem:s7+$0x80];
	v4 =	vmul.f32 $1.131370830e+01, v4;
	[tilespmem:s30+$0xF0] =	vst v3  }
0x325: {  	s16 =	sadd.s32 $0x4, s16;
	v3 =	vmul.f32 $1.131370830e+01, v5;
	[tilespmem:s1+$0xFFFFFFB0] =	vst v6;
	v5 =	vld [tilespmem:s17+$0xC0]  }
0x326: {  	p1 =	slt.u32 s16, $0x4C;
	v6 =	vld [tilespmem:s7+$0xFFFFFF80];
	[tilespmem:s1+$0x30] =	vst v4;
	v1 =	vmul.f32 $1.131370830e+01, v1  }
0x327: {  	v4 =	vld [tilespmem:s7+$0x0];
	[tilespmem:s1+$0xFFFFFF30] =	vst v3;
	v0 =	vmul.f32 $1.131370830e+01, v0  }
0x328: {  	v3 =	vld [tilespmem:s7+$0xFFFFFF00];
	[tilespmem:s30+$0xFFFFFF70] =	vst v1;
	v1 =	vmul.f32 $1.131370830e+01, v2  }
0x329: {  	v2 =	vmul.f32 $1.131370830e+01, v7;
	v7 =	vld [tilespmem:s17+$0xFFFFFF40];
	[tilespmem:s30+$0xFFFFFFF0] =	vst v0  }
0x32a: {  	v0 =	vld [tilespmem:s17+$0xFFFFFFC0];
	v5 =	vmul.f32 $1.131370830e+01, v5;
	[tilespmem:s30+$0x70] =	vst v1;
	s30 =	smov.u32 s1;
	s1 =	sadd.s32 $0x200, s1  }
0x32b: {  	v1 =	vmul.f32 $1.131370830e+01, v6;
	[tilespmem:s1+$0x80] =	vst v2;
	v2 =	vld [tilespmem:s17+$0x40]  }
0x32c: {  	v4 =	vmul.f32 $1.131370830e+01, v4;
	v6 =	vld [tilespmem:s7+$0x90];
	[tilespmem:s30+$0xC0] =	vst v5  }
0x32d: {  	v3 =	vmul.f32 $1.131370830e+01, v3;
	[tilespmem:s1+$0xFFFFFF80] =	vst v1;
	v1 =	vld [tilespmem:s17+$0xD0]  }
0x32e: {  	v5 =	vld [tilespmem:s7+$0xFFFFFF90];
	[tilespmem:s1+$0x0] =	vst v4;
	v4 =	vmul.f32 $1.131370830e+01, v7  }
0x32f: {  	[tilespmem:s1+$0xFFFFFF00] =	vst v3;
	v3 =	vld [tilespmem:s7+$0x10];
	v0 =	vmul.f32 $1.131370830e+01, v0  }
0x330: {  	v7 =	vld [tilespmem:s7+$0xFFFFFF10];
	[tilespmem:s30+$0xFFFFFF40] =	vst v4;
	v2 =	vmul.f32 $1.131370830e+01, v2  }
0x331: {  	v4 =	vmul.f32 $1.131370830e+01, v6;
	v6 =	vld [tilespmem:s17+$0xFFFFFF50];
	[tilespmem:s30+$0xFFFFFFC0] =	vst v0  }
0x332: {  	v0 =	vld [tilespmem:s17+$0xFFFFFFD0];
	[tilespmem:s30+$0x40] =	vst v2;
	v1 =	vmul.f32 $1.131370830e+01, v1  }
0x333: {  	v2 =	vmul.f32 $1.131370830e+01, v5;
	[tilespmem:s1+$0x90] =	vst v4;
	v4 =	vld [tilespmem:s17+$0x50]  }
0x334: {  	v3 =	vmul.f32 $1.131370830e+01, v3;
	v5 =	vld [tilespmem:s7+$0xA0];
	[tilespmem:s30+$0xD0] =	vst v1  }
0x335: {  	v1 =	vmul.f32 $1.131370830e+01, v7;
	[tilespmem:s1+$0xFFFFFF90] =	vst v2;
	v2 =	vld [tilespmem:s17+$0xE0]  }
0x336: {  	v7 =	vld [tilespmem:s7+$0xFFFFFFA0];
	[tilespmem:s1+$0x10] =	vst v3;
	v3 =	vmul.f32 $1.131370830e+01, v6  }
0x337: {  	[tilespmem:s1+$0xFFFFFF10] =	vst v1;
	v1 =	vld [tilespmem:s7+$0x20];
	v0 =	vmul.f32 $1.131370830e+01, v0  }
0x338: {  	v6 =	vld [tilespmem:s7+$0xFFFFFF20];
	[tilespmem:s30+$0xFFFFFF50] =	vst v3;
	v3 =	vmul.f32 $1.131370830e+01, v4  }
0x339: {  	v4 =	vmul.f32 $1.131370830e+01, v5;
	v5 =	vld [tilespmem:s17+$0xFFFFFF60];
	[tilespmem:s30+$0xFFFFFFD0] =	vst v0  }
0x33a: {  	v0 =	vld [tilespmem:s17+$0xFFFFFFE0];
	[tilespmem:s30+$0x50] =	vst v3;
	v2 =	vmul.f32 $1.131370830e+01, v2  }
0x33b: {  	v3 =	vmul.f32 $1.131370830e+01, v7;
	[tilespmem:s1+$0xA0] =	vst v4;
	v7 =	vld [tilespmem:s17+$0x60]  }
0x33c: {  	v1 =	vmul.f32 $1.131370830e+01, v1;
	v8 =	vld [tilespmem:s7+$0xB0];
	[tilespmem:s30+$0xE0] =	vst v2  }
0x33d: {  	v2 =	vmul.f32 $1.131370830e+01, v6;
	[tilespmem:s1+$0xFFFFFFA0] =	vst v3;
	v3 =	vld [tilespmem:s17+$0xF0]  }
0x33e: {  	v6 =	vld [tilespmem:s7+$0xFFFFFFB0];
	[tilespmem:s1+$0x20] =	vst v1;
	v1 =	vmul.f32 $1.131370830e+01, v5  }
.Ltmp10:
0x33f: {  	[tilespmem:s1+$0xFFFFFF20] =	vst v2;
	v4 =	vld [tilespmem:s7+$0x30];
	v0 =	vmul.f32 $1.131370830e+01, v0;
	(pc) =	sbr.rel @p1 .LBB2_17-.Ltmp10, $4  }
0x340: {  	v5 =	vld [tilespmem:s7+$0xFFFFFF30];
	[tilespmem:s30+$0xFFFFFF60] =	vst v1;
	v2 =	vmul.f32 $1.131370830e+01, v7  }
0x341: {  	v7 =	vmul.f32 $1.131370830e+01, v8;
	v1 =	vld [tilespmem:s17+$0xFFFFFF70];
	[tilespmem:s30+$0xFFFFFFE0] =	vst v0  }
0x342: {  	v0 =	vld [tilespmem:s17+$0xFFFFFFF0];
	[tilespmem:s30+$0x60] =	vst v2;
	v3 =	vmul.f32 $1.131370830e+01, v3  }
0x343: {  	v6 =	vmul.f32 $1.131370830e+01, v6;
	[tilespmem:s1+$0xB0] =	vst v7;
	v2 =	vld [tilespmem:s17+$0x70];
	s17 =	smov.u32 s7;
	s7 =	sadd.s32 $0x200, s7  }
0x344: {  	_ = 	snop  }
0x345: {  	v5 =	vmul.f32 $1.131370830e+01, v5;
	_ =	sdelay $0x1  }
0x346: {  	v4 =	vmul.f32 $1.131370830e+01, v4;
	v7 =	vld [tilespmem:s17+$0xC0];
	[tilespmem:s1+$0xFFFFFF30] =	vst v5  }
0x347: {  	[tilespmem:s1+$0xFFFFFFB0] =	vst v6;
	v5 =	vld [tilespmem:s17+$0xFFFFFF40]  }
0x348: {  	[tilespmem:s1+$0x30] =	vst v4;
	v4 =	vld [tilespmem:s17+$0xFFFFFFC0]  }
0x349: {  	v6 =	vld [tilespmem:s17+$0x40];
	_ =	sdelay $0x1  }
0x34a: {  	v7 =	vmul.f32 $1.131370830e+01, v7  }
0x34b: {  	v5 =	vmul.f32 $1.131370830e+01, v5  }
0x34c: {  	[tilespmem:s1+$0xC0] =	vst v7;
	v4 =	vmul.f32 $1.131370830e+01, v4  }
0x34d: {  	v7 =	vld [tilespmem:s17+$0xD0];
	[tilespmem:s1+$0xFFFFFF40] =	vst v5;
	v5 =	vmul.f32 $1.131370830e+01, v6  }
0x34e: {  	[tilespmem:s1+$0xFFFFFFC0] =	vst v4;
	v6 =	vld [tilespmem:s17+$0xFFFFFF50]  }
0x34f: {  	v4 =	vld [tilespmem:s17+$0xFFFFFFD0];
	[tilespmem:s1+$0x40] =	vst v5  }
0x350: {  	v5 =	vld [tilespmem:s17+$0x50];
	_ =	sdelay $0x1  }
0x351: {  	v7 =	vmul.f32 $1.131370830e+01, v7  }
0x352: {  	v6 =	vmul.f32 $1.131370830e+01, v6  }
0x353: {  	[tilespmem:s1+$0xD0] =	vst v7;
	v4 =	vmul.f32 $1.131370830e+01, v4  }
0x354: {  	v7 =	vld [tilespmem:s17+$0xE0];
	[tilespmem:s1+$0xFFFFFF50] =	vst v6;
	v5 =	vmul.f32 $1.131370830e+01, v5  }
0x355: {  	[tilespmem:s1+$0xFFFFFFD0] =	vst v4;
	v6 =	vld [tilespmem:s17+$0xFFFFFF60]  }
0x356: {  	v4 =	vld [tilespmem:s17+$0xFFFFFFE0];
	[tilespmem:s1+$0x50] =	vst v5  }
0x357: {  	v5 =	vld [tilespmem:s17+$0x60];
	_ =	sdelay $0x1  }
0x358: {  	v7 =	vmul.f32 $1.131370830e+01, v7  }
0x359: {  	v6 =	vmul.f32 $1.131370830e+01, v6  }
0x35a: {  	[tilespmem:s1+$0xE0] =	vst v7;
	v4 =	vmul.f32 $1.131370830e+01, v4  }
0x35b: {  	v7 =	vld [tilespmem:s17+$0xF0];
	[tilespmem:s1+$0xFFFFFF60] =	vst v6;
	v5 =	vmul.f32 $1.131370830e+01, v5  }
0x35c: {  	[tilespmem:s1+$0xFFFFFFE0] =	vst v4;
	v6 =	vld [tilespmem:s17+$0xFFFFFF70]  }
0x35d: {  	v1 =	vmul.f32 $1.131370830e+01, v1;
	v4 =	vld [tilespmem:s17+$0xFFFFFFF0];
	[tilespmem:s1+$0x60] =	vst v5  }
0x35e: {  	[tilespmem:s30+$0xF0] =	vst v3;
	v0 =	vmul.f32 $1.131370830e+01, v0;
	v3 =	vld [tilespmem:s17+$0x70]  }
0x35f: {  	[tilespmem:s30+$0xFFFFFF70] =	vst v1;
	v1 =	vmul.f32 $1.131370830e+01, v2  }
0x360: {  	[tilespmem:s30+$0xFFFFFFF0] =	vst v0;
	v0 =	vmul.f32 $1.131370830e+01, v7  }
0x361: {  	[tilespmem:s30+$0x70] =	vst v1;
	v1 =	vmul.f32 $1.131370830e+01, v6  }
0x362: {  	[tilespmem:s1+$0xF0] =	vst v0;
	v0 =	vmul.f32 $1.131370830e+01, v4  }
0x363: {  	s7 =	sadd.s32 s14, s11;
	[tilespmem:s1+$0xFFFFFF70] =	vst v1;
	v1 =	vmul.f32 $1.131370830e+01, v3  }
0x364: {  	s7 =	sshll.u32 s7, $0x4;
	[tilespmem:s1+$0xFFFFFFF0] =	vst v0  }
0x365: {  	s17 =	sadd.s32 s3, s7;
	[tilespmem:s1+$0x70] =	vst v1  }
0x366: {  	[hbm4b:s17+s4] =	stream.linear.scatter [tilespmem:s21], [sflag:$0xA], $0x2800, $0x38;
	[tilespmem:$0x1B800] =	vst v63  }
0x367: {  	s8 =	simm.s32 @!p0 $0xF000;
	s7 =	simm.s32 @!p0 $0x50;
	s1 =	sadd.s32 @!p0 $0x680, s15  }
0x368: {  	[tilespmem:s8], [sflag:$0x6] =	stream.indirect.gather @!p0 [hbm4b:s2+s7], $0x80, s1, s7, $0xb8;
	[tilespmem:$0x1B800] =	vst v63  }
0x369: {  	_ =	swait.ge [sflag:s28], $0x2800  }
0x36a: {  	[sflag:s28] =	ssyncset.done $0x0  }
0x36b: {  	[sflag:s28] =	ssyncadd.s32 $0xFFFFD800  }
0x36c: {  	_ =	swait.ge [sflag:s23], $0x2800  }
0x36d: {  	[sflag:s23] =	ssyncset.done $0x0  }
0x36e: {  	s8 =	simm.s32 $0x11900;
	[sflag:s23] =	ssyncadd.s32 $0xFFFFD800  }
0x36f: {  	v0 =	vld [tilespmem:s8+$0x80];
	_ =	sdelay $0x3  }
0x370: {  	v1 =	vld [tilespmem:s8+$0xFFFFFF00]  }
0x371: {  	v2 =	vld [tilespmem:s8+$0xFFFFFF80];
	v0 =	vmul.f32 $1.131370830e+01, v0  }
0x372: {  	s30 =	simm.s32 $0x16900;
	v3 =	vld [tilespmem:s8+$0x0]  }
0x373: {  	[tilespmem:s30+$0x80] =	vst v0  }
0x374: {  	v0 =	vld [tilespmem:s8+$0x90]  }
0x375: {  	v1 =	vmul.f32 $1.131370830e+01, v1  }
0x376: {  	v2 =	vmul.f32 $1.131370830e+01, v2  }
0x377: {  	v3 =	vmul.f32 $1.131370830e+01, v3;
	[tilespmem:s30+$0xFFFFFF00] =	vst v1  }
0x378: {  	[tilespmem:s30+$0xFFFFFF80] =	vst v2;
	v1 =	vld [tilespmem:s8+$0xFFFFFF10]  }
0x379: {  	[tilespmem:s30+$0x0] =	vst v3;
	v2 =	vld [tilespmem:s8+$0xFFFFFF90];
	v0 =	vmul.f32 $1.131370830e+01, v0  }
0x37a: {  	v3 =	vld [tilespmem:s8+$0x10]  }
0x37b: {  	[tilespmem:s30+$0x90] =	vst v0  }
0x37c: {  	v0 =	vld [tilespmem:s8+$0xA0]  }
0x37d: {  	v1 =	vmul.f32 $1.131370830e+01, v1  }
0x37e: {  	v2 =	vmul.f32 $1.131370830e+01, v2  }
0x37f: {  	v3 =	vmul.f32 $1.131370830e+01, v3;
	[tilespmem:s30+$0xFFFFFF10] =	vst v1  }
0x380: {  	[tilespmem:s30+$0xFFFFFF90] =	vst v2;
	v1 =	vld [tilespmem:s8+$0xFFFFFF20]  }
0x381: {  	[tilespmem:s30+$0x10] =	vst v3;
	v2 =	vld [tilespmem:s8+$0xFFFFFFA0];
	v0 =	vmul.f32 $1.131370830e+01, v0  }
0x382: {  	v3 =	vld [tilespmem:s8+$0x20]  }
0x383: {  	[tilespmem:s30+$0xA0] =	vst v0  }
0x384: {  	v0 =	vld [tilespmem:s8+$0xB0]  }
0x385: {  	v1 =	vmul.f32 $1.131370830e+01, v1  }
0x386: {  	v2 =	vmul.f32 $1.131370830e+01, v2  }
0x387: {  	v3 =	vmul.f32 $1.131370830e+01, v3;
	[tilespmem:s30+$0xFFFFFF20] =	vst v1  }
0x388: {  	[tilespmem:s30+$0xFFFFFFA0] =	vst v2;
	v1 =	vld [tilespmem:s8+$0xFFFFFF30]  }
0x389: {  	[tilespmem:s30+$0x20] =	vst v3;
	v2 =	vld [tilespmem:s8+$0xFFFFFFB0];
	v0 =	vmul.f32 $1.131370830e+01, v0  }
0x38a: {  	s17 =	simm.s32 $0x11B00;
	v3 =	vld [tilespmem:s8+$0x30]  }
0x38b: {  	[tilespmem:s30+$0xB0] =	vst v0;
	v0 =	vld [tilespmem:s17+$0x80]  }
0x38c: {  	v4 =	vld [tilespmem:s8+$0xC0]  }
0x38d: {  	v5 =	vld [tilespmem:s17+$0xFFFFFF80];
	v1 =	vmul.f32 $1.131370830e+01, v1  }
0x38e: {  	v6 =	vld [tilespmem:s17+$0x0];
	v2 =	vmul.f32 $1.131370830e+01, v2  }
0x38f: {  	v3 =	vmul.f32 $1.131370830e+01, v3;
	[tilespmem:s30+$0xFFFFFF30] =	vst v1;
	v1 =	vld [tilespmem:s17+$0xFFFFFF00]  }
0x390: {  	[tilespmem:s30+$0xFFFFFFB0] =	vst v2;
	v2 =	vld [tilespmem:s8+$0xFFFFFF40];
	v0 =	vmul.f32 $1.131370830e+01, v0  }
0x391: {  	s1 =	simm.s32 $0x16B00;
	[tilespmem:s30+$0x30] =	vst v3;
	v3 =	vld [tilespmem:s8+$0xFFFFFFC0];
	v4 =	vmul.f32 $1.131370830e+01, v4  }
0x392: {  	v5 =	vmul.f32 $1.131370830e+01, v5;
	[tilespmem:s1+$0x80] =	vst v0;
	v0 =	vld [tilespmem:s8+$0x40]  }
0x393: {  	v6 =	vmul.f32 $1.131370830e+01, v6;
	v7 =	vld [tilespmem:s17+$0x90];
	[tilespmem:s30+$0xC0] =	vst v4  }
0x394: {  	[tilespmem:s1+$0xFFFFFF80] =	vst v5;
	v1 =	vmul.f32 $1.131370830e+01, v1;
	v4 =	vld [tilespmem:s8+$0xD0]  }
0x395: {  	[tilespmem:s1+$0x0] =	vst v6;
	v5 =	vld [tilespmem:s17+$0xFFFFFF90];
	v2 =	vmul.f32 $1.131370830e+01, v2  }
0x396: {  	v3 =	vmul.f32 $1.131370830e+01, v3;
	[tilespmem:s1+$0xFFFFFF00] =	vst v1;
	v1 =	vld [tilespmem:s17+$0x10]  }
0x397: {  	v6 =	vld [tilespmem:s17+$0xFFFFFF10];
	[tilespmem:s30+$0xFFFFFF40] =	vst v2;
	v0 =	vmul.f32 $1.131370830e+01, v0  }
0x398: {  	[tilespmem:s30+$0xFFFFFFC0] =	vst v3;
	v2 =	vmul.f32 $1.131370830e+01, v7;
	v7 =	vld [tilespmem:s8+$0xFFFFFF50]  }
0x399: {  	v3 =	vld [tilespmem:s8+$0xFFFFFFD0];
	[tilespmem:s30+$0x40] =	vst v0;
	v0 =	vmul.f32 $1.131370830e+01, v4  }
0x39a: {  	v4 =	vmul.f32 $1.131370830e+01, v5;
	[tilespmem:s1+$0x90] =	vst v2;
	v2 =	vld [tilespmem:s8+$0x50]  }
0x39b: {  	v1 =	vmul.f32 $1.131370830e+01, v1;
	v5 =	vld [tilespmem:s17+$0xA0];
	[tilespmem:s30+$0xD0] =	vst v0  }
0x39c: {  	v0 =	vmul.f32 $1.131370830e+01, v6;
	[tilespmem:s1+$0xFFFFFF90] =	vst v4;
	v4 =	vld [tilespmem:s8+$0xE0]  }
0x39d: {  	[tilespmem:s1+$0x10] =	vst v1;
	v6 =	vld [tilespmem:s17+$0xFFFFFFA0];
	v1 =	vmul.f32 $1.131370830e+01, v7  }
0x39e: {  	v3 =	vmul.f32 $1.131370830e+01, v3;
	[tilespmem:s1+$0xFFFFFF10] =	vst v0;
	v0 =	vld [tilespmem:s17+$0x20]  }
0x39f: {  	v7 =	vld [tilespmem:s17+$0xFFFFFF20];
	[tilespmem:s30+$0xFFFFFF50] =	vst v1;
	v1 =	vmul.f32 $1.131370830e+01, v2  }
0x3a0: {  	[tilespmem:s30+$0xFFFFFFD0] =	vst v3;
	v2 =	vmul.f32 $1.131370830e+01, v5;
	v5 =	vld [tilespmem:s8+$0xFFFFFF60]  }
0x3a1: {  	v3 =	vld [tilespmem:s8+$0xFFFFFFE0];
	[tilespmem:s30+$0x50] =	vst v1;
	v1 =	vmul.f32 $1.131370830e+01, v4  }
0x3a2: {  	v4 =	vmul.f32 $1.131370830e+01, v6;
	[tilespmem:s1+$0xA0] =	vst v2;
	v2 =	vld [tilespmem:s8+$0x60]  }
0x3a3: {  	v0 =	vmul.f32 $1.131370830e+01, v0;
	v6 =	vld [tilespmem:s17+$0xB0];
	[tilespmem:s30+$0xE0] =	vst v1  }
0x3a4: {  	v1 =	vmul.f32 $1.131370830e+01, v7;
	[tilespmem:s1+$0xFFFFFFA0] =	vst v4;
	v7 =	vld [tilespmem:s8+$0xF0]  }
0x3a5: {  	v8 =	vld [tilespmem:s17+$0xFFFFFFB0];
	[tilespmem:s1+$0x20] =	vst v0;
	v0 =	vmul.f32 $1.131370830e+01, v5  }
0x3a6: {  	v3 =	vmul.f32 $1.131370830e+01, v3;
	[tilespmem:s1+$0xFFFFFF20] =	vst v1;
	v4 =	vld [tilespmem:s17+$0x30]  }
0x3a7: {  	v5 =	vld [tilespmem:s17+$0xFFFFFF30];
	[tilespmem:s30+$0xFFFFFF60] =	vst v0;
	v2 =	vmul.f32 $1.131370830e+01, v2  }
0x3a8: {  	[tilespmem:s30+$0xFFFFFFE0] =	vst v3;
	v9 =	vmul.f32 $1.131370830e+01, v6;
	v1 =	vld [tilespmem:s8+$0xFFFFFF70]  }
0x3a9: {  	v0 =	vld [tilespmem:s8+$0xFFFFFFF0];
	[tilespmem:s30+$0x60] =	vst v2;
	v3 =	vmul.f32 $1.131370830e+01, v7  }
0x3aa: {  	s16 =	simm.s32 $0x4;
	s7 =	simm.s32 $0x11D00;
	v6 =	vmul.f32 $1.131370830e+01, v8;
	[tilespmem:s1+$0xB0] =	vst v9;
	v2 =	vld [tilespmem:s8+$0x70]  }
.LBB2_19:
0x3ab: {  	v7 =	vld [tilespmem:s7+$0x80];
	v4 =	vmul.f32 $1.131370830e+01, v4;
	[tilespmem:s30+$0xF0] =	vst v3  }
0x3ac: {  	s16 =	sadd.s32 $0x4, s16;
	v3 =	vmul.f32 $1.131370830e+01, v5;
	[tilespmem:s1+$0xFFFFFFB0] =	vst v6;
	v5 =	vld [tilespmem:s17+$0xC0]  }
0x3ad: {  	p1 =	slt.u32 s16, $0x4C;
	v6 =	vld [tilespmem:s7+$0xFFFFFF80];
	[tilespmem:s1+$0x30] =	vst v4;
	v1 =	vmul.f32 $1.131370830e+01, v1  }
0x3ae: {  	v4 =	vld [tilespmem:s7+$0x0];
	[tilespmem:s1+$0xFFFFFF30] =	vst v3;
	v0 =	vmul.f32 $1.131370830e+01, v0  }
0x3af: {  	v3 =	vld [tilespmem:s7+$0xFFFFFF00];
	[tilespmem:s30+$0xFFFFFF70] =	vst v1;
	v1 =	vmul.f32 $1.131370830e+01, v2  }
0x3b0: {  	v2 =	vmul.f32 $1.131370830e+01, v7;
	v7 =	vld [tilespmem:s17+$0xFFFFFF40];
	[tilespmem:s30+$0xFFFFFFF0] =	vst v0  }
0x3b1: {  	v0 =	vld [tilespmem:s17+$0xFFFFFFC0];
	v5 =	vmul.f32 $1.131370830e+01, v5;
	[tilespmem:s30+$0x70] =	vst v1;
	s30 =	smov.u32 s1;
	s1 =	sadd.s32 $0x200, s1  }
0x3b2: {  	v1 =	vmul.f32 $1.131370830e+01, v6;
	[tilespmem:s1+$0x80] =	vst v2;
	v2 =	vld [tilespmem:s17+$0x40]  }
0x3b3: {  	v4 =	vmul.f32 $1.131370830e+01, v4;
	v6 =	vld [tilespmem:s7+$0x90];
	[tilespmem:s30+$0xC0] =	vst v5  }
0x3b4: {  	v3 =	vmul.f32 $1.131370830e+01, v3;
	[tilespmem:s1+$0xFFFFFF80] =	vst v1;
	v1 =	vld [tilespmem:s17+$0xD0]  }
0x3b5: {  	v5 =	vld [tilespmem:s7+$0xFFFFFF90];
	[tilespmem:s1+$0x0] =	vst v4;
	v4 =	vmul.f32 $1.131370830e+01, v7  }
0x3b6: {  	[tilespmem:s1+$0xFFFFFF00] =	vst v3;
	v3 =	vld [tilespmem:s7+$0x10];
	v0 =	vmul.f32 $1.131370830e+01, v0  }
0x3b7: {  	v7 =	vld [tilespmem:s7+$0xFFFFFF10];
	[tilespmem:s30+$0xFFFFFF40] =	vst v4;
	v2 =	vmul.f32 $1.131370830e+01, v2  }
0x3b8: {  	v4 =	vmul.f32 $1.131370830e+01, v6;
	v6 =	vld [tilespmem:s17+$0xFFFFFF50];
	[tilespmem:s30+$0xFFFFFFC0] =	vst v0  }
0x3b9: {  	v0 =	vld [tilespmem:s17+$0xFFFFFFD0];
	[tilespmem:s30+$0x40] =	vst v2;
	v1 =	vmul.f32 $1.131370830e+01, v1  }
0x3ba: {  	v2 =	vmul.f32 $1.131370830e+01, v5;
	[tilespmem:s1+$0x90] =	vst v4;
	v4 =	vld [tilespmem:s17+$0x50]  }
0x3bb: {  	v3 =	vmul.f32 $1.131370830e+01, v3;
	v5 =	vld [tilespmem:s7+$0xA0];
	[tilespmem:s30+$0xD0] =	vst v1  }
0x3bc: {  	v1 =	vmul.f32 $1.131370830e+01, v7;
	[tilespmem:s1+$0xFFFFFF90] =	vst v2;
	v2 =	vld [tilespmem:s17+$0xE0]  }
0x3bd: {  	v7 =	vld [tilespmem:s7+$0xFFFFFFA0];
	[tilespmem:s1+$0x10] =	vst v3;
	v3 =	vmul.f32 $1.131370830e+01, v6  }
0x3be: {  	[tilespmem:s1+$0xFFFFFF10] =	vst v1;
	v1 =	vld [tilespmem:s7+$0x20];
	v0 =	vmul.f32 $1.131370830e+01, v0  }
0x3bf: {  	v6 =	vld [tilespmem:s7+$0xFFFFFF20];
	[tilespmem:s30+$0xFFFFFF50] =	vst v3;
	v3 =	vmul.f32 $1.131370830e+01, v4  }
0x3c0: {  	v4 =	vmul.f32 $1.131370830e+01, v5;
	v5 =	vld [tilespmem:s17+$0xFFFFFF60];
	[tilespmem:s30+$0xFFFFFFD0] =	vst v0  }
0x3c1: {  	v0 =	vld [tilespmem:s17+$0xFFFFFFE0];
	[tilespmem:s30+$0x50] =	vst v3;
	v2 =	vmul.f32 $1.131370830e+01, v2  }
0x3c2: {  	v3 =	vmul.f32 $1.131370830e+01, v7;
	[tilespmem:s1+$0xA0] =	vst v4;
	v7 =	vld [tilespmem:s17+$0x60]  }
0x3c3: {  	v1 =	vmul.f32 $1.131370830e+01, v1;
	v8 =	vld [tilespmem:s7+$0xB0];
	[tilespmem:s30+$0xE0] =	vst v2  }
0x3c4: {  	v2 =	vmul.f32 $1.131370830e+01, v6;
	[tilespmem:s1+$0xFFFFFFA0] =	vst v3;
	v3 =	vld [tilespmem:s17+$0xF0]  }
0x3c5: {  	v6 =	vld [tilespmem:s7+$0xFFFFFFB0];
	[tilespmem:s1+$0x20] =	vst v1;
	v1 =	vmul.f32 $1.131370830e+01, v5  }
.Ltmp11:
0x3c6: {  	[tilespmem:s1+$0xFFFFFF20] =	vst v2;
	v4 =	vld [tilespmem:s7+$0x30];
	v0 =	vmul.f32 $1.131370830e+01, v0;
	(pc) =	sbr.rel @p1 .LBB2_19-.Ltmp11, $4  }
0x3c7: {  	v5 =	vld [tilespmem:s7+$0xFFFFFF30];
	[tilespmem:s30+$0xFFFFFF60] =	vst v1;
	v2 =	vmul.f32 $1.131370830e+01, v7  }
0x3c8: {  	v7 =	vmul.f32 $1.131370830e+01, v8;
	v1 =	vld [tilespmem:s17+$0xFFFFFF70];
	[tilespmem:s30+$0xFFFFFFE0] =	vst v0  }
0x3c9: {  	v0 =	vld [tilespmem:s17+$0xFFFFFFF0];
	[tilespmem:s30+$0x60] =	vst v2;
	v3 =	vmul.f32 $1.131370830e+01, v3  }
0x3ca: {  	v6 =	vmul.f32 $1.131370830e+01, v6;
	[tilespmem:s1+$0xB0] =	vst v7;
	v2 =	vld [tilespmem:s17+$0x70];
	s17 =	smov.u32 s7;
	s7 =	sadd.s32 $0x200, s7  }
0x3cb: {  	_ = 	snop  }
0x3cc: {  	v5 =	vmul.f32 $1.131370830e+01, v5;
	_ =	sdelay $0x1  }
0x3cd: {  	v4 =	vmul.f32 $1.131370830e+01, v4;
	v7 =	vld [tilespmem:s17+$0xC0];
	[tilespmem:s1+$0xFFFFFF30] =	vst v5  }
0x3ce: {  	[tilespmem:s1+$0xFFFFFFB0] =	vst v6;
	v5 =	vld [tilespmem:s17+$0xFFFFFF40]  }
0x3cf: {  	[tilespmem:s1+$0x30] =	vst v4;
	v4 =	vld [tilespmem:s17+$0xFFFFFFC0]  }
0x3d0: {  	v6 =	vld [tilespmem:s17+$0x40];
	_ =	sdelay $0x1  }
0x3d1: {  	v7 =	vmul.f32 $1.131370830e+01, v7  }
0x3d2: {  	v5 =	vmul.f32 $1.131370830e+01, v5  }
0x3d3: {  	[tilespmem:s1+$0xC0] =	vst v7;
	v4 =	vmul.f32 $1.131370830e+01, v4  }
0x3d4: {  	v7 =	vld [tilespmem:s17+$0xD0];
	[tilespmem:s1+$0xFFFFFF40] =	vst v5;
	v5 =	vmul.f32 $1.131370830e+01, v6  }
0x3d5: {  	[tilespmem:s1+$0xFFFFFFC0] =	vst v4;
	v6 =	vld [tilespmem:s17+$0xFFFFFF50]  }
0x3d6: {  	v4 =	vld [tilespmem:s17+$0xFFFFFFD0];
	[tilespmem:s1+$0x40] =	vst v5  }
0x3d7: {  	v5 =	vld [tilespmem:s17+$0x50];
	_ =	sdelay $0x1  }
0x3d8: {  	v7 =	vmul.f32 $1.131370830e+01, v7  }
0x3d9: {  	v6 =	vmul.f32 $1.131370830e+01, v6  }
0x3da: {  	[tilespmem:s1+$0xD0] =	vst v7;
	v4 =	vmul.f32 $1.131370830e+01, v4  }
0x3db: {  	v7 =	vld [tilespmem:s17+$0xE0];
	[tilespmem:s1+$0xFFFFFF50] =	vst v6;
	v5 =	vmul.f32 $1.131370830e+01, v5  }
0x3dc: {  	[tilespmem:s1+$0xFFFFFFD0] =	vst v4;
	v6 =	vld [tilespmem:s17+$0xFFFFFF60]  }
0x3dd: {  	v4 =	vld [tilespmem:s17+$0xFFFFFFE0];
	[tilespmem:s1+$0x50] =	vst v5  }
0x3de: {  	v5 =	vld [tilespmem:s17+$0x60];
	_ =	sdelay $0x1  }
0x3df: {  	v7 =	vmul.f32 $1.131370830e+01, v7  }
0x3e0: {  	v6 =	vmul.f32 $1.131370830e+01, v6  }
0x3e1: {  	[tilespmem:s1+$0xE0] =	vst v7;
	v4 =	vmul.f32 $1.131370830e+01, v4  }
0x3e2: {  	v7 =	vld [tilespmem:s17+$0xF0];
	[tilespmem:s1+$0xFFFFFF60] =	vst v6;
	v5 =	vmul.f32 $1.131370830e+01, v5  }
0x3e3: {  	[tilespmem:s1+$0xFFFFFFE0] =	vst v4;
	v6 =	vld [tilespmem:s17+$0xFFFFFF70]  }
0x3e4: {  	v1 =	vmul.f32 $1.131370830e+01, v1;
	v4 =	vld [tilespmem:s17+$0xFFFFFFF0];
	[tilespmem:s1+$0x60] =	vst v5  }
0x3e5: {  	[tilespmem:s30+$0xF0] =	vst v3;
	v0 =	vmul.f32 $1.131370830e+01, v0;
	v3 =	vld [tilespmem:s17+$0x70]  }
0x3e6: {  	[tilespmem:s30+$0xFFFFFF70] =	vst v1;
	v1 =	vmul.f32 $1.131370830e+01, v2  }
0x3e7: {  	[tilespmem:s30+$0xFFFFFFF0] =	vst v0;
	v0 =	vmul.f32 $1.131370830e+01, v7  }
0x3e8: {  	[tilespmem:s30+$0x70] =	vst v1;
	v1 =	vmul.f32 $1.131370830e+01, v6  }
0x3e9: {  	[tilespmem:s1+$0xF0] =	vst v0;
	v0 =	vmul.f32 $1.131370830e+01, v4  }
0x3ea: {  	s7 =	sadd.s32 s14, s12;
	[tilespmem:s1+$0xFFFFFF70] =	vst v1;
	v1 =	vmul.f32 $1.131370830e+01, v3  }
0x3eb: {  	s7 =	sshll.u32 s7, $0x4;
	[tilespmem:s1+$0xFFFFFFF0] =	vst v0  }
0x3ec: {  	s17 =	sadd.s32 s3, s7;
	[tilespmem:s1+$0x70] =	vst v1  }
0x3ed: {  	[hbm4b:s17+s4] =	stream.linear.scatter [tilespmem:s18], [sflag:$0x9], $0x2800, $0x38;
	[tilespmem:$0x1B800] =	vst v63  }
0x3ee: {  	s8 =	simm.s32 @!p0 $0x11800;
	s7 =	simm.s32 @!p0 $0x50;
	s1 =	sadd.s32 @!p0 $0x700, s15  }
0x3ef: {  	[tilespmem:s8], [sflag:$0x7] =	stream.indirect.gather @!p0 [hbm4b:s2+s7], $0x80, s1, s7, $0xb8;
	[tilespmem:$0x1B800] =	vst v63  }
0x3f0: {  	_ =	swait.ge [sflag:s29], $0x2800  }
0x3f1: {  	[sflag:s29] =	ssyncset.done $0x0  }
0x3f2: {  	[sflag:s29] =	ssyncadd.s32 $0xFFFFD800  }
0x3f3: {  	_ =	swait.ge [sflag:s20], $0x2800  }
0x3f4: {  	[sflag:s20] =	ssyncset.done $0x0  }
0x3f5: {  	s30 =	simm.s32 $0x14100;
	[sflag:s20] =	ssyncadd.s32 $0xFFFFD800  }
0x3f6: {  	v0 =	vld [tilespmem:s30+$0x80];
	_ =	sdelay $0x3  }
0x3f7: {  	v1 =	vld [tilespmem:s30+$0xFFFFFF00]  }
0x3f8: {  	v2 =	vld [tilespmem:s30+$0xFFFFFF80];
	v0 =	vmul.f32 $1.131370830e+01, v0  }
0x3f9: {  	s15 =	simm.s32 $0x19100;
	v3 =	vld [tilespmem:s30+$0x0]  }
0x3fa: {  	[tilespmem:s15+$0x80] =	vst v0  }
0x3fb: {  	v0 =	vld [tilespmem:s30+$0x90]  }
0x3fc: {  	v1 =	vmul.f32 $1.131370830e+01, v1  }
0x3fd: {  	v2 =	vmul.f32 $1.131370830e+01, v2  }
0x3fe: {  	v3 =	vmul.f32 $1.131370830e+01, v3;
	[tilespmem:s15+$0xFFFFFF00] =	vst v1  }
0x3ff: {  	[tilespmem:s15+$0xFFFFFF80] =	vst v2;
	v1 =	vld [tilespmem:s30+$0xFFFFFF10]  }
0x400: {  	[tilespmem:s15+$0x0] =	vst v3;
	v2 =	vld [tilespmem:s30+$0xFFFFFF90];
	v0 =	vmul.f32 $1.131370830e+01, v0  }
0x401: {  	v3 =	vld [tilespmem:s30+$0x10]  }
0x402: {  	[tilespmem:s15+$0x90] =	vst v0  }
0x403: {  	v0 =	vld [tilespmem:s30+$0xA0]  }
0x404: {  	v1 =	vmul.f32 $1.131370830e+01, v1  }
0x405: {  	v2 =	vmul.f32 $1.131370830e+01, v2  }
0x406: {  	v3 =	vmul.f32 $1.131370830e+01, v3;
	[tilespmem:s15+$0xFFFFFF10] =	vst v1  }
0x407: {  	[tilespmem:s15+$0xFFFFFF90] =	vst v2;
	v1 =	vld [tilespmem:s30+$0xFFFFFF20]  }
0x408: {  	[tilespmem:s15+$0x10] =	vst v3;
	v2 =	vld [tilespmem:s30+$0xFFFFFFA0];
	v0 =	vmul.f32 $1.131370830e+01, v0  }
0x409: {  	v3 =	vld [tilespmem:s30+$0x20]  }
0x40a: {  	[tilespmem:s15+$0xA0] =	vst v0  }
0x40b: {  	v0 =	vld [tilespmem:s30+$0xB0]  }
0x40c: {  	v1 =	vmul.f32 $1.131370830e+01, v1  }
0x40d: {  	v2 =	vmul.f32 $1.131370830e+01, v2  }
0x40e: {  	v3 =	vmul.f32 $1.131370830e+01, v3;
	[tilespmem:s15+$0xFFFFFF20] =	vst v1  }
0x40f: {  	[tilespmem:s15+$0xFFFFFFA0] =	vst v2;
	v1 =	vld [tilespmem:s30+$0xFFFFFF30]  }
0x410: {  	[tilespmem:s15+$0x20] =	vst v3;
	v2 =	vld [tilespmem:s30+$0xFFFFFFB0];
	v0 =	vmul.f32 $1.131370830e+01, v0  }
0x411: {  	s17 =	simm.s32 $0x14300;
	v3 =	vld [tilespmem:s30+$0x30]  }
0x412: {  	[tilespmem:s15+$0xB0] =	vst v0;
	v0 =	vld [tilespmem:s17+$0x80]  }
0x413: {  	v4 =	vld [tilespmem:s30+$0xC0]  }
0x414: {  	v5 =	vld [tilespmem:s17+$0xFFFFFF80];
	v1 =	vmul.f32 $1.131370830e+01, v1  }
0x415: {  	v6 =	vld [tilespmem:s17+$0x0];
	v2 =	vmul.f32 $1.131370830e+01, v2  }
0x416: {  	v3 =	vmul.f32 $1.131370830e+01, v3;
	[tilespmem:s15+$0xFFFFFF30] =	vst v1;
	v1 =	vld [tilespmem:s17+$0xFFFFFF00]  }
0x417: {  	[tilespmem:s15+$0xFFFFFFB0] =	vst v2;
	v2 =	vld [tilespmem:s30+$0xFFFFFF40];
	v0 =	vmul.f32 $1.131370830e+01, v0  }
0x418: {  	s1 =	simm.s32 $0x19300;
	[tilespmem:s15+$0x30] =	vst v3;
	v3 =	vld [tilespmem:s30+$0xFFFFFFC0];
	v4 =	vmul.f32 $1.131370830e+01, v4  }
0x419: {  	v5 =	vmul.f32 $1.131370830e+01, v5;
	[tilespmem:s1+$0x80] =	vst v0;
	v0 =	vld [tilespmem:s30+$0x40]  }
0x41a: {  	v6 =	vmul.f32 $1.131370830e+01, v6;
	v7 =	vld [tilespmem:s17+$0x90];
	[tilespmem:s15+$0xC0] =	vst v4  }
0x41b: {  	[tilespmem:s1+$0xFFFFFF80] =	vst v5;
	v1 =	vmul.f32 $1.131370830e+01, v1;
	v4 =	vld [tilespmem:s30+$0xD0]  }
0x41c: {  	[tilespmem:s1+$0x0] =	vst v6;
	v5 =	vld [tilespmem:s17+$0xFFFFFF90];
	v2 =	vmul.f32 $1.131370830e+01, v2  }
0x41d: {  	v3 =	vmul.f32 $1.131370830e+01, v3;
	[tilespmem:s1+$0xFFFFFF00] =	vst v1;
	v1 =	vld [tilespmem:s17+$0x10]  }
0x41e: {  	v6 =	vld [tilespmem:s17+$0xFFFFFF10];
	[tilespmem:s15+$0xFFFFFF40] =	vst v2;
	v0 =	vmul.f32 $1.131370830e+01, v0  }
0x41f: {  	[tilespmem:s15+$0xFFFFFFC0] =	vst v3;
	v2 =	vmul.f32 $1.131370830e+01, v7;
	v7 =	vld [tilespmem:s30+$0xFFFFFF50]  }
0x420: {  	v3 =	vld [tilespmem:s30+$0xFFFFFFD0];
	[tilespmem:s15+$0x40] =	vst v0;
	v0 =	vmul.f32 $1.131370830e+01, v4  }
0x421: {  	v4 =	vmul.f32 $1.131370830e+01, v5;
	[tilespmem:s1+$0x90] =	vst v2;
	v2 =	vld [tilespmem:s30+$0x50]  }
0x422: {  	v1 =	vmul.f32 $1.131370830e+01, v1;
	v5 =	vld [tilespmem:s17+$0xA0];
	[tilespmem:s15+$0xD0] =	vst v0  }
0x423: {  	v0 =	vmul.f32 $1.131370830e+01, v6;
	[tilespmem:s1+$0xFFFFFF90] =	vst v4;
	v4 =	vld [tilespmem:s30+$0xE0]  }
0x424: {  	[tilespmem:s1+$0x10] =	vst v1;
	v6 =	vld [tilespmem:s17+$0xFFFFFFA0];
	v1 =	vmul.f32 $1.131370830e+01, v7  }
0x425: {  	v3 =	vmul.f32 $1.131370830e+01, v3;
	[tilespmem:s1+$0xFFFFFF10] =	vst v0;
	v0 =	vld [tilespmem:s17+$0x20]  }
0x426: {  	v7 =	vld [tilespmem:s17+$0xFFFFFF20];
	[tilespmem:s15+$0xFFFFFF50] =	vst v1;
	v1 =	vmul.f32 $1.131370830e+01, v2  }
0x427: {  	[tilespmem:s15+$0xFFFFFFD0] =	vst v3;
	v2 =	vmul.f32 $1.131370830e+01, v5;
	v5 =	vld [tilespmem:s30+$0xFFFFFF60]  }
0x428: {  	v3 =	vld [tilespmem:s30+$0xFFFFFFE0];
	[tilespmem:s15+$0x50] =	vst v1;
	v1 =	vmul.f32 $1.131370830e+01, v4  }
0x429: {  	v4 =	vmul.f32 $1.131370830e+01, v6;
	[tilespmem:s1+$0xA0] =	vst v2;
	v2 =	vld [tilespmem:s30+$0x60]  }
0x42a: {  	v0 =	vmul.f32 $1.131370830e+01, v0;
	v6 =	vld [tilespmem:s17+$0xB0];
	[tilespmem:s15+$0xE0] =	vst v1  }
0x42b: {  	v1 =	vmul.f32 $1.131370830e+01, v7;
	[tilespmem:s1+$0xFFFFFFA0] =	vst v4;
	v7 =	vld [tilespmem:s30+$0xF0]  }
0x42c: {  	v8 =	vld [tilespmem:s17+$0xFFFFFFB0];
	[tilespmem:s1+$0x20] =	vst v0;
	v0 =	vmul.f32 $1.131370830e+01, v5  }
0x42d: {  	v3 =	vmul.f32 $1.131370830e+01, v3;
	[tilespmem:s1+$0xFFFFFF20] =	vst v1;
	v4 =	vld [tilespmem:s17+$0x30]  }
0x42e: {  	v5 =	vld [tilespmem:s17+$0xFFFFFF30];
	[tilespmem:s15+$0xFFFFFF60] =	vst v0;
	v2 =	vmul.f32 $1.131370830e+01, v2  }
0x42f: {  	[tilespmem:s15+$0xFFFFFFE0] =	vst v3;
	v9 =	vmul.f32 $1.131370830e+01, v6;
	v1 =	vld [tilespmem:s30+$0xFFFFFF70]  }
0x430: {  	v0 =	vld [tilespmem:s30+$0xFFFFFFF0];
	[tilespmem:s15+$0x60] =	vst v2;
	v3 =	vmul.f32 $1.131370830e+01, v7  }
0x431: {  	s16 =	simm.s32 $0x4;
	s7 =	simm.s32 $0x14500;
	v6 =	vmul.f32 $1.131370830e+01, v8;
	[tilespmem:s1+$0xB0] =	vst v9;
	v2 =	vld [tilespmem:s30+$0x70]  }
.LBB2_21:
0x432: {  	v7 =	vld [tilespmem:s7+$0x80];
	v4 =	vmul.f32 $1.131370830e+01, v4;
	[tilespmem:s15+$0xF0] =	vst v3  }
0x433: {  	s16 =	sadd.s32 $0x4, s16;
	v3 =	vmul.f32 $1.131370830e+01, v5;
	[tilespmem:s1+$0xFFFFFFB0] =	vst v6;
	v5 =	vld [tilespmem:s17+$0xC0]  }
0x434: {  	p1 =	slt.u32 s16, $0x4C;
	v6 =	vld [tilespmem:s7+$0xFFFFFF80];
	[tilespmem:s1+$0x30] =	vst v4;
	v1 =	vmul.f32 $1.131370830e+01, v1  }
0x435: {  	v4 =	vld [tilespmem:s7+$0x0];
	[tilespmem:s1+$0xFFFFFF30] =	vst v3;
	v0 =	vmul.f32 $1.131370830e+01, v0  }
0x436: {  	v3 =	vld [tilespmem:s7+$0xFFFFFF00];
	[tilespmem:s15+$0xFFFFFF70] =	vst v1;
	v1 =	vmul.f32 $1.131370830e+01, v2  }
0x437: {  	v2 =	vmul.f32 $1.131370830e+01, v7;
	v7 =	vld [tilespmem:s17+$0xFFFFFF40];
	[tilespmem:s15+$0xFFFFFFF0] =	vst v0  }
0x438: {  	v0 =	vld [tilespmem:s17+$0xFFFFFFC0];
	v5 =	vmul.f32 $1.131370830e+01, v5;
	[tilespmem:s15+$0x70] =	vst v1;
	s15 =	smov.u32 s1;
	s1 =	sadd.s32 $0x200, s1  }
0x439: {  	v1 =	vmul.f32 $1.131370830e+01, v6;
	[tilespmem:s1+$0x80] =	vst v2;
	v2 =	vld [tilespmem:s17+$0x40]  }
0x43a: {  	v4 =	vmul.f32 $1.131370830e+01, v4;
	v6 =	vld [tilespmem:s7+$0x90];
	[tilespmem:s15+$0xC0] =	vst v5  }
0x43b: {  	v3 =	vmul.f32 $1.131370830e+01, v3;
	[tilespmem:s1+$0xFFFFFF80] =	vst v1;
	v1 =	vld [tilespmem:s17+$0xD0]  }
0x43c: {  	v5 =	vld [tilespmem:s7+$0xFFFFFF90];
	[tilespmem:s1+$0x0] =	vst v4;
	v4 =	vmul.f32 $1.131370830e+01, v7  }
0x43d: {  	[tilespmem:s1+$0xFFFFFF00] =	vst v3;
	v3 =	vld [tilespmem:s7+$0x10];
	v0 =	vmul.f32 $1.131370830e+01, v0  }
0x43e: {  	v7 =	vld [tilespmem:s7+$0xFFFFFF10];
	[tilespmem:s15+$0xFFFFFF40] =	vst v4;
	v2 =	vmul.f32 $1.131370830e+01, v2  }
0x43f: {  	v4 =	vmul.f32 $1.131370830e+01, v6;
	v6 =	vld [tilespmem:s17+$0xFFFFFF50];
	[tilespmem:s15+$0xFFFFFFC0] =	vst v0  }
0x440: {  	v0 =	vld [tilespmem:s17+$0xFFFFFFD0];
	[tilespmem:s15+$0x40] =	vst v2;
	v1 =	vmul.f32 $1.131370830e+01, v1  }
0x441: {  	v2 =	vmul.f32 $1.131370830e+01, v5;
	[tilespmem:s1+$0x90] =	vst v4;
	v4 =	vld [tilespmem:s17+$0x50]  }
0x442: {  	v3 =	vmul.f32 $1.131370830e+01, v3;
	v5 =	vld [tilespmem:s7+$0xA0];
	[tilespmem:s15+$0xD0] =	vst v1  }
0x443: {  	v1 =	vmul.f32 $1.131370830e+01, v7;
	[tilespmem:s1+$0xFFFFFF90] =	vst v2;
	v2 =	vld [tilespmem:s17+$0xE0]  }
0x444: {  	v7 =	vld [tilespmem:s7+$0xFFFFFFA0];
	[tilespmem:s1+$0x10] =	vst v3;
	v3 =	vmul.f32 $1.131370830e+01, v6  }
0x445: {  	[tilespmem:s1+$0xFFFFFF10] =	vst v1;
	v1 =	vld [tilespmem:s7+$0x20];
	v0 =	vmul.f32 $1.131370830e+01, v0  }
0x446: {  	v6 =	vld [tilespmem:s7+$0xFFFFFF20];
	[tilespmem:s15+$0xFFFFFF50] =	vst v3;
	v3 =	vmul.f32 $1.131370830e+01, v4  }
0x447: {  	v4 =	vmul.f32 $1.131370830e+01, v5;
	v5 =	vld [tilespmem:s17+$0xFFFFFF60];
	[tilespmem:s15+$0xFFFFFFD0] =	vst v0  }
0x448: {  	v0 =	vld [tilespmem:s17+$0xFFFFFFE0];
	[tilespmem:s15+$0x50] =	vst v3;
	v2 =	vmul.f32 $1.131370830e+01, v2  }
0x449: {  	v3 =	vmul.f32 $1.131370830e+01, v7;
	[tilespmem:s1+$0xA0] =	vst v4;
	v7 =	vld [tilespmem:s17+$0x60]  }
0x44a: {  	v1 =	vmul.f32 $1.131370830e+01, v1;
	v8 =	vld [tilespmem:s7+$0xB0];
	[tilespmem:s15+$0xE0] =	vst v2  }
0x44b: {  	v2 =	vmul.f32 $1.131370830e+01, v6;
	[tilespmem:s1+$0xFFFFFFA0] =	vst v3;
	v3 =	vld [tilespmem:s17+$0xF0]  }
0x44c: {  	v6 =	vld [tilespmem:s7+$0xFFFFFFB0];
	[tilespmem:s1+$0x20] =	vst v1;
	v1 =	vmul.f32 $1.131370830e+01, v5  }
.Ltmp12:
0x44d: {  	[tilespmem:s1+$0xFFFFFF20] =	vst v2;
	v4 =	vld [tilespmem:s7+$0x30];
	v0 =	vmul.f32 $1.131370830e+01, v0;
	(pc) =	sbr.rel @p1 .LBB2_21-.Ltmp12, $4  }
0x44e: {  	v5 =	vld [tilespmem:s7+$0xFFFFFF30];
	[tilespmem:s15+$0xFFFFFF60] =	vst v1;
	v2 =	vmul.f32 $1.131370830e+01, v7  }
0x44f: {  	v7 =	vmul.f32 $1.131370830e+01, v8;
	v1 =	vld [tilespmem:s17+$0xFFFFFF70];
	[tilespmem:s15+$0xFFFFFFE0] =	vst v0  }
0x450: {  	v0 =	vld [tilespmem:s17+$0xFFFFFFF0];
	[tilespmem:s15+$0x60] =	vst v2;
	v3 =	vmul.f32 $1.131370830e+01, v3  }
0x451: {  	v6 =	vmul.f32 $1.131370830e+01, v6;
	[tilespmem:s1+$0xB0] =	vst v7;
	v2 =	vld [tilespmem:s17+$0x70];
	s17 =	smov.u32 s7;
	s7 =	sadd.s32 $0x200, s7  }
0x452: {  	v4 =	vmul.f32 $1.131370830e+01, v4  }
0x453: {  	v7 =	vld [tilespmem:s17+$0xC0];
	v5 =	vmul.f32 $1.131370830e+01, v5;
	[tilespmem:s1+$0xFFFFFFB0] =	vst v6  }
0x454: {  	[tilespmem:s1+$0x30] =	vst v4;
	v51 =	vld [tilespmem:s17+$0xFFFFFFC0]  }
0x455: {  	[tilespmem:s1+$0xFFFFFF30] =	vst v5;
	v52 =	vld [tilespmem:s17+$0x40]  }
0x456: {  	v5 =	vld [tilespmem:s17+$0xFFFFFF40];
	_ =	sdelay $0x1  }
0x457: {  	v7 =	vmul.f32 $1.131370830e+01, v7  }
0x458: {  	v4 =	vmul.f32 $1.131370830e+01, v51  }
0x459: {  	[tilespmem:s1+$0xC0] =	vst v7;
	v53 =	vmul.f32 $1.131370830e+01, v52  }
0x45a: {  	v7 =	vld [tilespmem:s17+$0xD0];
	v5 =	vmul.f32 $1.131370830e+01, v5;
	[tilespmem:s1+$0xFFFFFFC0] =	vst v4  }
0x45b: {  	v4 =	vld [tilespmem:s17+$0xFFFFFFD0];
	[tilespmem:s1+$0x40] =	vst v53  }
0x45c: {  	[tilespmem:s1+$0xFFFFFF40] =	vst v5;
	v5 =	vld [tilespmem:s17+$0x50]  }
0x45d: {  	v54 =	vld [tilespmem:s17+$0xFFFFFF50];
	_ =	sdelay $0x1  }
0x45e: {  	v7 =	vmul.f32 $1.131370830e+01, v7  }
0x45f: {  	v4 =	vmul.f32 $1.131370830e+01, v4  }
0x460: {  	[tilespmem:s1+$0xD0] =	vst v7;
	v5 =	vmul.f32 $1.131370830e+01, v5  }
0x461: {  	v7 =	vld [tilespmem:s17+$0xE0];
	v6 =	vmul.f32 $1.131370830e+01, v54;
	[tilespmem:s1+$0xFFFFFFD0] =	vst v4  }
0x462: {  	v4 =	vld [tilespmem:s17+$0xFFFFFFE0];
	[tilespmem:s1+$0x50] =	vst v5  }
0x463: {  	[tilespmem:s1+$0xFFFFFF50] =	vst v6;
	v5 =	vld [tilespmem:s17+$0x60]  }
0x464: {  	v6 =	vld [tilespmem:s17+$0xFFFFFF60];
	_ =	sdelay $0x1  }
0x465: {  	v7 =	vmul.f32 $1.131370830e+01, v7  }
0x466: {  	v4 =	vmul.f32 $1.131370830e+01, v4  }
0x467: {  	[tilespmem:s1+$0xE0] =	vst v7;
	v5 =	vmul.f32 $1.131370830e+01, v5  }
0x468: {  	v55 =	vld [tilespmem:s17+$0xF0];
	v6 =	vmul.f32 $1.131370830e+01, v6;
	[tilespmem:s1+$0xFFFFFFE0] =	vst v4  }
0x469: {  	[tilespmem:s1+$0x60] =	vst v5;
	v57 =	vld [tilespmem:s17+$0xFFFFFFF0]  }
0x46a: {  	v1 =	vmul.f32 $1.131370830e+01, v1;
	[tilespmem:s1+$0xFFFFFF60] =	vst v6;
	v58 =	vld [tilespmem:s17+$0x70]  }
0x46b: {  	[tilespmem:s15+$0xF0] =	vst v3;
	v0 =	vmul.f32 $1.131370830e+01, v0;
	v56 =	vld [tilespmem:s17+$0xFFFFFF70]  }
0x46c: {  	[tilespmem:s15+$0xFFFFFF70] =	vst v1;
	v59 =	vmul.f32 $1.131370830e+01, v2  }
0x46d: {  	[tilespmem:s15+$0xFFFFFFF0] =	vst v0;
	v60 =	vmul.f32 $1.131370830e+01, v55  }
0x46e: {  	[tilespmem:s15+$0x70] =	vst v59;
	v62 =	vmul.f32 $1.131370830e+01, v57  }
.Ltmp13:
0x46f: {  	[tilespmem:s1+$0xF0] =	vst v60;
	v63 =	vmul.f32 $1.131370830e+01, v58;
	(pc) =	sbr.rel @p0 .LBB2_24-.Ltmp13, $4  }
0x470: {  	s7 =	sadd.s32 s14, s13;
	v61 =	vmul.f32 $1.131370830e+01, v56;
	[tilespmem:s1+$0xFFFFFFF0] =	vst v62  }
0x471: {  	s7 =	sshll.u32 s7, $0x4;
	[tilespmem:s1+$0x70] =	vst v63  }
0x472: {  	s30 =	sadd.s32 s3, s7;
	[tilespmem:s1+$0xFFFFFF70] =	vst v61  }
0x473: {  	[hbm4b:s30+s4] =	stream.linear.scatter [tilespmem:s21], [sflag:$0xA], $0x2800, $0x38;
	[tilespmem:$0x1B800] =	vst v63  }
.Ltmp14:
0x474: {  	(pc) =	sbr.rel .LBB2_2-.Ltmp14, $4  }
0x475: {  	_ = 	snop  }
0x476: {  	s1 =	sshrl.u32 s6, $0x2;
	s30 =	simm.s32 $0x50  }
0x477: {  	s7 =	simm.s32 $0x14000;
	s31 =	sadd.s32 $0x1, s31;
	s1 =	sadd.s32 $0x780, s1  }
0x478: {  	[tilespmem:s7], [sflag:$0x8] =	stream.indirect.gather [hbm4b:s2+s30], $0x80, s1, s30, $0xb8;
	[tilespmem:$0x1B800] =	vst v63  }
.LBB2_25:
0x479: {  	_ =	sfence.sel $0x180000  }
0x47a: {  	[bflag:$0x0] =	sbarrier.arrive $0xFFFF  }
0x47b: {  	_ =	strace $0x90000047  }
0x47c: {  	s0 =	stileid.u32;
	[bflag:$0x2] =	sbarrier.arrive $0xFFFF  }
0x47d: {  	p0 =	sne.s32 s0, $0x0;
	s0 =	rddreg [dreg:$0x3]  }
0x47e: {  	s0 =	sadd.s32 @!p0 $0x100000, s0  }
0x47f: {  	[sflag:s0] =	ssyncadd.tile.s32 @!p0 $0x1;
	_ =	shalt  }
.Lfunc_end2:
_tile_overlayer_lowered:
.L_overlay_start_2:
0x480: {  	(tag) =	ssettag $0x2  }
0x481: {  	s0 =	rddreg [dreg:$0x0];
	s2 =	stileid.u32  }
0x482: {  	s1 =	rddreg [dreg:$0x1];
	p0 =	sne.s32 s2, $0x0  }
0x483: {  	s3 =	rddreg [dreg:$0x2];
	[bflag:$0x3] =	sbarrier.arrive $0xFFFF;
	s2 =	simm.s32 @!p0 $0x1C0B  }
0x484: {  	[timem:s3], [sflag:s2] =	dma.local @!p0 [hbm:s0], s1  }
0x485: {  	s0 =	simm.s32 @!p0 $0xB  }
0x486: {  	_ =	swait.ge @!p0 [sflag:s0], s1  }
0x487: {  	s1 =	ssub.s32 @!p0 $0x0, s1;
	[sflag:s0] =	ssyncset.done @!p0 $0x0  }
0x488: {  	[sflag:s0] =	ssyncadd.s32 @!p0 s1  }
0x489: {  	[bflag:$0x3] =	sbarrier.arrive $0xFFFF  }
0x48a: {  	_ =	shalt  }

</sc_bundles>
